<compile_context>
chip_gen: v7x
topology: tpu7x:2x2x1
jax: 0.10.2.dev20260603
libtpu: 0.0.44.dev20260713+nightly
codegen_flags: <defaults>
</compile_context>

<pallas_src>
import jax
import jax.numpy as jnp
from jax import lax
from jax.experimental import pallas as pl
from jax.experimental.pallas import tpu as pltpu
from jax.experimental.pallas import tpu_sc as plsc

N = 10000
D = 128
E = 320000
NC = 2
NS = 16
NW = NC * NS
CHUNK = 128
EPW = 10240
EPAD = NW * EPW
ACC_ROWS = 10240
ZROWS = ACC_ROWS // NS
DEGW = 128
DINVW = 8

import functools


@functools.cache
def _mesh():
    return plsc.VectorSubcoreMesh(core_axis_name="c", subcore_axis_name="s")


NCH = EPW // CHUNK


def _deg_body(dst_hbm, ones_hbm, zeros_hbm, out_hbm, ones_v, didx_all, acc_sh):
    c = lax.axis_index("c")
    s = lax.axis_index("s")
    w = s * NC + c
    pltpu.sync_copy(zeros_hbm, acc_sh.at[pl.ds(s * ZROWS, ZROWS)])
    pltpu.sync_copy(ones_hbm, ones_v)
    pltpu.sync_copy(dst_hbm.at[w], didx_all)
    plsc.subcore_barrier()

    def step(i, carry):
        pltpu.sync_copy(ones_v, acc_sh.at[didx_all.at[i]], add=True)
        return carry

    lax.fori_loop(0, NCH, step, 0)
    plsc.subcore_barrier()
    pltpu.sync_copy(acc_sh.at[pl.ds(s * ZROWS, ZROWS)],
                    out_hbm.at[c, pl.ds(s * ZROWS, ZROWS)])


@functools.cache
def _deg_call():
    return pl.kernel(
        _deg_body,
        out_type=jax.ShapeDtypeStruct((NC, ACC_ROWS, DEGW), jnp.float32),
        mesh=_mesh(),
        scratch_types=[
            pltpu.VMEM((CHUNK, DEGW), jnp.float32),
            pltpu.VMEM((NCH, CHUNK), jnp.int32),
            pltpu.VMEM_SHARED((ACC_ROWS, DEGW), jnp.float32),
        ],
    )


def _agg_body(u_hbm, pk_hbm, zeros_hbm, out_hbm,
              pk_all, sidx0, didx0, sidx1, didx1, rows0, rows1,
              acc_sh, sem0, sem1):
    c = lax.axis_index("c")
    s = lax.axis_index("s")
    w = s * NC + c
    pltpu.sync_copy(zeros_hbm, acc_sh.at[pl.ds(s * ZROWS, ZROWS)])
    pltpu.sync_copy(pk_hbm.at[w], pk_all)
    plsc.subcore_barrier()
    m16 = jnp.full((16,), 0xFFFF, jnp.int32)

    def unpack(i, sidx, didx):
        for j in range(CHUNK // 16):
            v = pk_all[i, pl.ds(j * 16, 16)]
            sidx[pl.ds(j * 16, 16)] = v & m16
            didx[pl.ds(j * 16, 16)] = lax.shift_right_logical(v, 16)

    def prefetch0(i):
        unpack(i, sidx0, didx0)
        pltpu.async_copy(u_hbm.at[sidx0], rows0, sem0)

    def prefetch1(i):
        unpack(i, sidx1, didx1)
        pltpu.async_copy(u_hbm.at[sidx1], rows1, sem1)

    def pair(t, carry):
        i = 2 * t
        prefetch1(i + 1)
        pltpu.make_async_copy(u_hbm.at[sidx0], rows0, sem0).wait()
        pltpu.sync_copy(rows0, acc_sh.at[didx0], add=True)

        @pl.when(t + 1 < NCH // 2)
        def _():
            prefetch0(i + 2)

        pltpu.make_async_copy(u_hbm.at[sidx1], rows1, sem1).wait()
        pltpu.sync_copy(rows1, acc_sh.at[didx1], add=True)
        return carry

    prefetch0(0)
    lax.fori_loop(0, NCH // 2, pair, 0)
    plsc.subcore_barrier()
    pltpu.sync_copy(acc_sh.at[pl.ds(s * ZROWS, ZROWS)],
                    out_hbm.at[c, pl.ds(s * ZROWS, ZROWS)])


@functools.cache
def _agg_call():
    return pl.kernel(
        _agg_body,
        out_type=jax.ShapeDtypeStruct((NC, ACC_ROWS, D), jnp.float32),
        mesh=_mesh(),
        scratch_types=[
            pltpu.VMEM((NCH, CHUNK), jnp.int32),
            pltpu.VMEM((CHUNK,), jnp.int32),
            pltpu.VMEM((CHUNK,), jnp.int32),
            pltpu.VMEM((CHUNK,), jnp.int32),
            pltpu.VMEM((CHUNK,), jnp.int32),
            pltpu.VMEM((CHUNK, D), jnp.float32),
            pltpu.VMEM((CHUNK, D), jnp.float32),
            pltpu.VMEM_SHARED((ACC_ROWS, D), jnp.float32),
            pltpu.SemaphoreType.DMA,
            pltpu.SemaphoreType.DMA,
        ],
    )



_R = 2000
_G = N // _R


def _tc1_body(deg_ref, x_ref, w_ref, u_ref, dinv_ref):
    deg = deg_ref[0] + deg_ref[1] + 1.0
    dinv = lax.rsqrt(deg)
    dinv_ref[...] = dinv[:, :DINVW]
    h = jnp.dot(x_ref[...], w_ref[...], preferred_element_type=jnp.float32)
    u_ref[...] = h * dinv[:, 0:1]


_tc1_call = pl.pallas_call(
    _tc1_body,
    grid=(_G,),
    in_specs=[
        pl.BlockSpec((NC, _R, DEGW), lambda i: (0, i, 0)),
        pl.BlockSpec((_R, D), lambda i: (i, 0)),
        pl.BlockSpec((D, D), lambda i: (0, 0)),
    ],
    out_specs=[
        pl.BlockSpec((_R, D), lambda i: (i, 0)),
        pl.BlockSpec((_R, DINVW), lambda i: (i, 0)),
    ],
    out_shape=[
        jax.ShapeDtypeStruct((N, D), jnp.float32),
        jax.ShapeDtypeStruct((N, DINVW), jnp.float32),
    ],
)


def _tc2_body(p_ref, u_ref, dinv_ref, b_ref, w_ref, o_ref):
    dinv = dinv_ref[:, 0:1]
    agg = (p_ref[0] + p_ref[1] + u_ref[...]) * dinv
    x2 = jnp.maximum(agg + b_ref[...], 0.0)
    o_ref[...] = jnp.dot(x2, w_ref[...],
                         preferred_element_type=jnp.float32) * dinv


_tc2_call = pl.pallas_call(
    _tc2_body,
    grid=(_G,),
    in_specs=[
        pl.BlockSpec((NC, _R, D), lambda i: (0, i, 0)),
        pl.BlockSpec((_R, D), lambda i: (i, 0)),
        pl.BlockSpec((_R, DINVW), lambda i: (i, 0)),
        pl.BlockSpec((1, D), lambda i: (0, 0)),
        pl.BlockSpec((D, D), lambda i: (0, 0)),
    ],
    out_specs=pl.BlockSpec((_R, D), lambda i: (i, 0)),
    out_shape=jax.ShapeDtypeStruct((N, D), jnp.float32),
)


def _tc3_body(q_ref, u_ref, dinv_ref, b2_ref, w3_ref, b3_ref, o_ref):
    dinv = dinv_ref[:, 0:1]
    agg = (q_ref[0] + q_ref[1] + u_ref[...]) * dinv
    x3 = jnp.maximum(agg + b2_ref[...], 0.0)
    o_ref[...] = jnp.dot(x3, w3_ref[...],
                         preferred_element_type=jnp.float32) + b3_ref[...]


_tc3_call = pl.pallas_call(
    _tc3_body,
    grid=(_G,),
    in_specs=[
        pl.BlockSpec((NC, _R, D), lambda i: (0, i, 0)),
        pl.BlockSpec((_R, D), lambda i: (i, 0)),
        pl.BlockSpec((_R, DINVW), lambda i: (i, 0)),
        pl.BlockSpec((1, D), lambda i: (0, 0)),
        pl.BlockSpec((D, D // 2), lambda i: (0, 0)),
        pl.BlockSpec((1, D // 2), lambda i: (0, 0)),
    ],
    out_specs=pl.BlockSpec((_R, D // 2), lambda i: (i, 0)),
    out_shape=jax.ShapeDtypeStruct((N, D // 2), jnp.float32),
)


def kernel(x, edge_index, W1, b1, W2, b2, W3, b3):
    src = edge_index[0].astype(jnp.int32)
    dst = edge_index[1].astype(jnp.int32)
    pad = EPAD - E
    src_p = jnp.concatenate([src, jnp.zeros((pad,), jnp.int32)])
    dummy = N + jnp.arange(pad, dtype=jnp.int32) % (ACC_ROWS - N)
    dst_p = jnp.concatenate([dst, dummy])
    pk = (src_p | (dst_p << 16)).reshape(NW, NCH, CHUNK)
    dst_p = dst_p.reshape(NW, NCH, CHUNK)
    ones8 = jnp.ones((CHUNK, DEGW), jnp.float32)
    zeros8 = jnp.zeros((ZROWS, DEGW), jnp.float32)
    zerosD = jnp.zeros((ZROWS, D), jnp.float32)

    deg8 = _deg_call()(dst_p, ones8, zeros8)
    u1, dinv8 = _tc1_call(deg8, x, W1)
    s1 = _agg_call()(u1, pk, zerosD)
    u2 = _tc2_call(s1, u1, dinv8, b1.reshape(1, D), W2)
    s2 = _agg_call()(u2, pk, zerosD)
    return _tc3_call(s2, u2, dinv8, b2.reshape(1, D), W3.reshape(D, D // 2),
                     b3.reshape(1, D // 2))

# --- scband reference (transcript-rebuilt; emitter-appended) ---
"""Pipeline reference for scband-gcn-19035295056502 (READ-ONLY COPY).

The authoritative reference and input builder live on the scoring server;
editing this copy changes nothing except your own understanding.
"""

import jax, jax.numpy as jnp
import numpy as np

N = 10000
E = 320000
D_IN = 128
HID = 128
D_OUT = 64


def setup_inputs(seed: int = 0) -> dict:
    key = jax.random.key(seed)
    ks = jax.random.split(key, 8)
    x = jax.random.normal(ks[0], (N, D_IN), dtype=jnp.float32)
    edge_index = jax.random.randint(ks[1], (2, E), 0, N, dtype=jnp.int64)
    # GCNConv weights (glorot-ish scale) and biases
    W1 = jax.random.normal(ks[2], (D_IN, HID), dtype=jnp.float32) * (1.0 / np.sqrt(D_IN))
    b1 = jnp.zeros((HID,), dtype=jnp.float32)
    W2 = jax.random.normal(ks[3], (HID, HID), dtype=jnp.float32) * (1.0 / np.sqrt(HID))
    b2 = jnp.zeros((HID,), dtype=jnp.float32)
    # final Linear
    W3 = jax.random.normal(ks[4], (HID, D_OUT), dtype=jnp.float32) * (1.0 / np.sqrt(HID))
    b3 = jnp.zeros((D_OUT,), dtype=jnp.float32)
    return {"x": x, "edge_index": edge_index, "W1": W1, "b1": b1, "W2": W2, "b2": b2, "W3": W3, "b3": b3}


def gcn_conv(x, src, dst, W, b, n_nodes):
    # GCNConv: D^{-1/2} (A + I) D^{-1/2} X W + b  (self-loops added)
    loop = jnp.arange(n_nodes, dtype=src.dtype)
    s = jnp.concatenate([src, loop])
    d = jnp.concatenate([dst, loop])
    deg = jnp.zeros((n_nodes,), dtype=x.dtype).at[d].add(1.0)
    dinv = jnp.where(deg > 0, jax.lax.rsqrt(deg), 0.0)
    norm = dinv[s] * dinv[d]
    h = x @ W
    msg = jnp.take(h, s, axis=0) * norm[:, None]
    agg = jax.ops.segment_sum(msg, d, num_segments=n_nodes)
    return agg + b


def reference(x, edge_index, W1, b1, W2, b2, W3, b3):
    # eval mode: dropout is identity
    src = edge_index[0]
    dst = edge_index[1]
    h = jax.nn.relu(gcn_conv(x, src, dst, W1, b1, N))
    h = jax.nn.relu(gcn_conv(h, src, dst, W2, b2, N))
    return h @ W3 + b3

if __name__ == "__main__":
    import jax
    _d = setup_inputs()
    print(jax.jit(kernel)(*tuple(_d.values())))

</pallas_src>

<mosaic_0001>
#map = affine_map<(d0, d1) -> (0, 0)>
#map1 = affine_map<(d0, d1) -> (0, 0, 0)>
module attributes {stable_mosaic.version = 14 : i64} {
  func.func @_agg_body(%arg0: i32, %arg1: i32, %arg2: memref<10000x128xf32, #tpu.memory_space<hbm>>, %arg3: memref<32x80x128xi32, #tpu.memory_space<hbm>>, %arg4: memref<640x128xf32, #tpu.memory_space<hbm>>, %arg5: memref<2x10240x128xf32, #tpu.memory_space<hbm>>, %arg6: memref<80x128xi32, #tpu.memory_space<vmem>>, %arg7: memref<128xi32, #tpu.memory_space<vmem>>, %arg8: memref<128xi32, #tpu.memory_space<vmem>>, %arg9: memref<128xi32, #tpu.memory_space<vmem>>, %arg10: memref<128xi32, #tpu.memory_space<vmem>>, %arg11: memref<128x128xf32, #tpu.memory_space<vmem>>, %arg12: memref<128x128xf32, #tpu.memory_space<vmem>>, %arg13: memref<10240x128xf32, #tpu.memory_space<vmem_shared>>, %arg14: memref<!tpu.dma_semaphore, #tpu.memory_space<semaphore_mem>>, %arg15: memref<!tpu.dma_semaphore, #tpu.memory_space<semaphore_mem>>) attributes {dimension_semantics = [#tpu.dimension_semantics<core_parallel>, #tpu.dimension_semantics<subcore_parallel>], iteration_bounds = array<i64: 2, 16>, scalar_prefetch = 0 : i64, scratch_operands = 10 : i64, tpu.core_type = #tpu.core_type<sc_vector_subcore>, window_params = [{transform_indices = #map}, {transform_indices = #map1}, {transform_indices = #map}, {transform_indices = #map1}]} {
    %mul3A = arith.constant 2 : i32
    %mul3A_0 = arith.muli %arg1, %mul3A : i32
    %add3A = arith.addi %mul3A_0, %arg0 : i32
    %mul3A_1 = arith.constant 640 : i32
    %mul3A_2 = arith.muli %arg1, %mul3A_1 : i32
    "tpu.region"() ({
      %run_scoped3A = tpu.sem_alloc : memref<!tpu.dma_semaphore, #tpu.memory_space<semaphore_mem>>
      %dma_start3A_148 = arith.constant 0 : i32
      %dma_start3A_149 = tpu.memref_slice %arg13[%mul3A_2, %dma_start3A_148] : memref<10240x128xf32, #tpu.memory_space<vmem_shared>> -> memref<640x128xf32, #tpu.memory_space<vmem_shared>>
      tpu.enqueue_dma source(%arg4 : memref<640x128xf32, #tpu.memory_space<hbm>>) target(%dma_start3A_149 : memref<640x128xf32, #tpu.memory_space<vmem_shared>>) target_semaphore(%run_scoped3A : memref<!tpu.dma_semaphore, #tpu.memory_space<semaphore_mem>>)
      %dma_wait3A = arith.constant 0 : i32
      %dma_wait3A_150 = tpu.memref_slice %arg13[%mul3A_2, %dma_wait3A] : memref<10240x128xf32, #tpu.memory_space<vmem_shared>> -> memref<640x128xf32, #tpu.memory_space<vmem_shared>>
      tpu.wait_dma2 semaphore(%run_scoped3A : memref<!tpu.dma_semaphore, #tpu.memory_space<semaphore_mem>>) src(%arg4 : memref<640x128xf32, #tpu.memory_space<hbm>>) dst(%dma_wait3A_150 : memref<640x128xf32, #tpu.memory_space<vmem_shared>>)
      tpu.yield
    }) : () -> ()
    "tpu.region"() ({
      %run_scoped3A = tpu.sem_alloc : memref<!tpu.dma_semaphore, #tpu.memory_space<semaphore_mem>>
      %dma_start3A_148 = arith.constant 0 : i32
      %dma_start3A_149 = arith.constant 0 : i32
      %dma_start3A_150 = tpu.memref_slice %arg3[%add3A, %dma_start3A_148, %dma_start3A_149] : memref<32x80x128xi32, #tpu.memory_space<hbm>> -> memref<1x80x128xi32, #tpu.memory_space<hbm>>
      %dma_start3A_151 = tpu.memref_squeeze %dma_start3A_150 : memref<1x80x128xi32, #tpu.memory_space<hbm>> -> memref<80x128xi32, #tpu.memory_space<hbm>>
      %dma_start3A_152 = arith.constant 0 : i32
      %dma_start3A_153 = arith.constant 0 : i32
      %dma_start3A_154 = tpu.memref_slice %arg3[%add3A, %dma_start3A_152, %dma_start3A_153] : memref<32x80x128xi32, #tpu.memory_space<hbm>> -> memref<1x80x128xi32, #tpu.memory_space<hbm>>
      %dma_start3A_155 = tpu.memref_squeeze %dma_start3A_154 : memref<1x80x128xi32, #tpu.memory_space<hbm>> -> memref<80x128xi32, #tpu.memory_space<hbm>>
      tpu.enqueue_dma source(%dma_start3A_155 : memref<80x128xi32, #tpu.memory_space<hbm>>) target(%arg6 : memref<80x128xi32, #tpu.memory_space<vmem>>) target_semaphore(%run_scoped3A : memref<!tpu.dma_semaphore, #tpu.memory_space<semaphore_mem>>)
      %dma_wait3A = arith.constant 0 : i32
      %dma_wait3A_156 = arith.constant 0 : i32
      %dma_wait3A_157 = tpu.memref_slice %arg3[%add3A, %dma_wait3A, %dma_wait3A_156] : memref<32x80x128xi32, #tpu.memory_space<hbm>> -> memref<1x80x128xi32, #tpu.memory_space<hbm>>
      %dma_wait3A_158 = tpu.memref_squeeze %dma_wait3A_157 : memref<1x80x128xi32, #tpu.memory_space<hbm>> -> memref<80x128xi32, #tpu.memory_space<hbm>>
      %dma_wait3A_159 = arith.constant 0 : i32
      %dma_wait3A_160 = arith.constant 0 : i32
      %dma_wait3A_161 = tpu.memref_slice %arg3[%add3A, %dma_wait3A_159, %dma_wait3A_160] : memref<32x80x128xi32, #tpu.memory_space<hbm>> -> memref<1x80x128xi32, #tpu.memory_space<hbm>>
      %dma_wait3A_162 = tpu.memref_squeeze %dma_wait3A_161 : memref<1x80x128xi32, #tpu.memory_space<hbm>> -> memref<80x128xi32, #tpu.memory_space<hbm>>
      tpu.wait_dma2 semaphore(%run_scoped3A : memref<!tpu.dma_semaphore, #tpu.memory_space<semaphore_mem>>) src(%dma_wait3A_162 : memref<80x128xi32, #tpu.memory_space<hbm>>) dst(%arg6 : memref<80x128xi32, #tpu.memory_space<vmem>>)
      tpu.yield
    }) : () -> ()
    %barrier3A = arith.constant 0 : index
    tpu.barrier barrier_id(%barrier3A)
    %broadcast_in_dim3A = arith.constant 65535 : i32
    %broadcast_in_dim3A_3 = vector.broadcast %broadcast_in_dim3A : i32 to vector<16xi32>
    %get3A = arith.constant 0 : i32
    %get3A_4 = arith.index_cast %get3A : i32 to index
    %get3A_5 = arith.constant 0 : index
    %get3A_6 = tpu.vector_load %arg6[%get3A_4, %get3A_5] {strides = array<i32>} : memref<80x128xi32, #tpu.memory_space<vmem>>, vector<1x16xi32>,
    %get3A_7 = vector.shape_cast %get3A_6 : vector<1x16xi32> to vector<16xi32>
    %and3A = arith.andi %get3A_7, %broadcast_in_dim3A_3 : vector<16xi32>
    %swap3A = arith.constant 0 : index
    %swap3A_8 = tpu.vector_load %arg7[%swap3A] {strides = array<i32>} : memref<128xi32, #tpu.memory_space<vmem>>, vector<16xi32>,
    %swap3A_9 = vector.shape_cast %swap3A_8 : vector<16xi32> to vector<16xi32>
    %swap3A_10 = vector.shape_cast %and3A : vector<16xi32> to vector<16xi32>
    tpu.vector_store %arg7[%swap3A], %swap3A_10 {strides = array<i32>} : memref<128xi32, #tpu.memory_space<vmem>>, vector<16xi32>,
    %shift_right_logical3A = arith.constant 16 : i32
    %shift_right_logical3A_11 = vector.broadcast %shift_right_logical3A : i32 to vector<16xi32>
    %shift_right_logical3A_12 = arith.shrui %get3A_7, %shift_right_logical3A_11 : vector<16xi32>
    %swap3A_13 = arith.constant 0 : index
    %swap3A_14 = tpu.vector_load %arg8[%swap3A_13] {strides = array<i32>} : memref<128xi32, #tpu.memory_space<vmem>>, vector<16xi32>,
    %swap3A_15 = vector.shape_cast %swap3A_14 : vector<16xi32> to vector<16xi32>
    %swap3A_16 = vector.shape_cast %shift_right_logical3A_12 : vector<16xi32> to vector<16xi32>
    tpu.vector_store %arg8[%swap3A_13], %swap3A_16 {strides = array<i32>} : memref<128xi32, #tpu.memory_space<vmem>>, vector<16xi32>,
    %get3A_17 = arith.constant 0 : i32
    %get3A_18 = arith.index_cast %get3A_17 : i32 to index
    %get3A_19 = arith.constant 16 : index
    %get3A_20 = tpu.vector_load %arg6[%get3A_18, %get3A_19] {strides = array<i32>} : memref<80x128xi32, #tpu.memory_space<vmem>>, vector<1x16xi32>,
    %get3A_21 = vector.shape_cast %get3A_20 : vector<1x16xi32> to vector<16xi32>
    %and3A_22 = arith.andi %get3A_21, %broadcast_in_dim3A_3 : vector<16xi32>
    %swap3A_23 = arith.constant 16 : index
    %swap3A_24 = tpu.vector_load %arg7[%swap3A_23] {strides = array<i32>} : memref<128xi32, #tpu.memory_space<vmem>>, vector<16xi32>,
    %swap3A_25 = vector.shape_cast %swap3A_24 : vector<16xi32> to vector<16xi32>
    %swap3A_26 = vector.shape_cast %and3A_22 : vector<16xi32> to vector<16xi32>
    tpu.vector_store %arg7[%swap3A_23], %swap3A_26 {strides = array<i32>} : memref<128xi32, #tpu.memory_space<vmem>>, vector<16xi32>,
    %shift_right_logical3A_27 = arith.constant 16 : i32
    %shift_right_logical3A_28 = vector.broadcast %shift_right_logical3A_27 : i32 to vector<16xi32>
    %shift_right_logical3A_29 = arith.shrui %get3A_21, %shift_right_logical3A_28 : vector<16xi32>
    %swap3A_30 = arith.constant 16 : index
    %swap3A_31 = tpu.vector_load %arg8[%swap3A_30] {strides = array<i32>} : memref<128xi32, #tpu.memory_space<vmem>>, vector<16xi32>,
    %swap3A_32 = vector.shape_cast %swap3A_31 : vector<16xi32> to vector<16xi32>
    %swap3A_33 = vector.shape_cast %shift_right_logical3A_29 : vector<16xi32> to vector<16xi32>
    tpu.vector_store %arg8[%swap3A_30], %swap3A_33 {strides = array<i32>} : memref<128xi32, #tpu.memory_space<vmem>>, vector<16xi32>,
    %get3A_34 = arith.constant 0 : i32
    %get3A_35 = arith.index_cast %get3A_34 : i32 to index
    %get3A_36 = arith.constant 32 : index
    %get3A_37 = tpu.vector_load %arg6[%get3A_35, %get3A_36] {strides = array<i32>} : memref<80x128xi32, #tpu.memory_space<vmem>>, vector<1x16xi32>,
    %get3A_38 = vector.shape_cast %get3A_37 : vector<1x16xi32> to vector<16xi32>
    %and3A_39 = arith.andi %get3A_38, %broadcast_in_dim3A_3 : vector<16xi32>
    %swap3A_40 = arith.constant 32 : index
    %swap3A_41 = tpu.vector_load %arg7[%swap3A_40] {strides = array<i32>} : memref<128xi32, #tpu.memory_space<vmem>>, vector<16xi32>,
    %swap3A_42 = vector.shape_cast %swap3A_41 : vector<16xi32> to vector<16xi32>
    %swap3A_43 = vector.shape_cast %and3A_39 : vector<16xi32> to vector<16xi32>
    tpu.vector_store %arg7[%swap3A_40], %swap3A_43 {strides = array<i32>} : memref<128xi32, #tpu.memory_space<vmem>>, vector<16xi32>,
    %shift_right_logical3A_44 = arith.constant 16 : i32
    %shift_right_logical3A_45 = vector.broadcast %shift_right_logical3A_44 : i32 to vector<16xi32>
    %shift_right_logical3A_46 = arith.shrui %get3A_38, %shift_right_logical3A_45 : vector<16xi32>
    %swap3A_47 = arith.constant 32 : index
    %swap3A_48 = tpu.vector_load %arg8[%swap3A_47] {strides = array<i32>} : memref<128xi32, #tpu.memory_space<vmem>>, vector<16xi32>,
    %swap3A_49 = vector.shape_cast %swap3A_48 : vector<16xi32> to vector<16xi32>
    %swap3A_50 = vector.shape_cast %shift_right_logical3A_46 : vector<16xi32> to vector<16xi32>
    tpu.vector_store %arg8[%swap3A_47], %swap3A_50 {strides = array<i32>} : memref<128xi32, #tpu.memory_space<vmem>>, vector<16xi32>,
    %get3A_51 = arith.constant 0 : i32
    %get3A_52 = arith.index_cast %get3A_51 : i32 to index
    %get3A_53 = arith.constant 48 : index
    %get3A_54 = tpu.vector_load %arg6[%get3A_52, %get3A_53] {strides = array<i32>} : memref<80x128xi32, #tpu.memory_space<vmem>>, vector<1x16xi32>,
    %get3A_55 = vector.shape_cast %get3A_54 : vector<1x16xi32> to vector<16xi32>
    %and3A_56 = arith.andi %get3A_55, %broadcast_in_dim3A_3 : vector<16xi32>
    %swap3A_57 = arith.constant 48 : index
    %swap3A_58 = tpu.vector_load %arg7[%swap3A_57] {strides = array<i32>} : memref<128xi32, #tpu.memory_space<vmem>>, vector<16xi32>,
    %swap3A_59 = vector.shape_cast %swap3A_58 : vector<16xi32> to vector<16xi32>
    %swap3A_60 = vector.shape_cast %and3A_56 : vector<16xi32> to vector<16xi32>
    tpu.vector_store %arg7[%swap3A_57], %swap3A_60 {strides = array<i32>} : memref<128xi32, #tpu.memory_space<vmem>>, vector<16xi32>,
    %shift_right_logical3A_61 = arith.constant 16 : i32
    %shift_right_logical3A_62 = vector.broadcast %shift_right_logical3A_61 : i32 to vector<16xi32>
    %shift_right_logical3A_63 = arith.shrui %get3A_55, %shift_right_logical3A_62 : vector<16xi32>
    %swap3A_64 = arith.constant 48 : index
    %swap3A_65 = tpu.vector_load %arg8[%swap3A_64] {strides = array<i32>} : memref<128xi32, #tpu.memory_space<vmem>>, vector<16xi32>,
    %swap3A_66 = vector.shape_cast %swap3A_65 : vector<16xi32> to vector<16xi32>
    %swap3A_67 = vector.shape_cast %shift_right_logical3A_63 : vector<16xi32> to vector<16xi32>
    tpu.vector_store %arg8[%swap3A_64], %swap3A_67 {strides = array<i32>} : memref<128xi32, #tpu.memory_space<vmem>>, vector<16xi32>,
    %get3A_68 = arith.constant 0 : i32
    %get3A_69 = arith.index_cast %get3A_68 : i32 to index
    %get3A_70 = arith.constant 64 : index
    %get3A_71 = tpu.vector_load %arg6[%get3A_69, %get3A_70] {strides = array<i32>} : memref<80x128xi32, #tpu.memory_space<vmem>>, vector<1x16xi32>,
    %get3A_72 = vector.shape_cast %get3A_71 : vector<1x16xi32> to vector<16xi32>
    %and3A_73 = arith.andi %get3A_72, %broadcast_in_dim3A_3 : vector<16xi32>
    %swap3A_74 = arith.constant 64 : index
    %swap3A_75 = tpu.vector_load %arg7[%swap3A_74] {strides = array<i32>} : memref<128xi32, #tpu.memory_space<vmem>>, vector<16xi32>,
    %swap3A_76 = vector.shape_cast %swap3A_75 : vector<16xi32> to vector<16xi32>
    %swap3A_77 = vector.shape_cast %and3A_73 : vector<16xi32> to vector<16xi32>
    tpu.vector_store %arg7[%swap3A_74], %swap3A_77 {strides = array<i32>} : memref<128xi32, #tpu.memory_space<vmem>>, vector<16xi32>,
    %shift_right_logical3A_78 = arith.constant 16 : i32
    %shift_right_logical3A_79 = vector.broadcast %shift_right_logical3A_78 : i32 to vector<16xi32>
    %shift_right_logical3A_80 = arith.shrui %get3A_72, %shift_right_logical3A_79 : vector<16xi32>
    %swap3A_81 = arith.constant 64 : index
    %swap3A_82 = tpu.vector_load %arg8[%swap3A_81] {strides = array<i32>} : memref<128xi32, #tpu.memory_space<vmem>>, vector<16xi32>,
    %swap3A_83 = vector.shape_cast %swap3A_82 : vector<16xi32> to vector<16xi32>
    %swap3A_84 = vector.shape_cast %shift_right_logical3A_80 : vector<16xi32> to vector<16xi32>
    tpu.vector_store %arg8[%swap3A_81], %swap3A_84 {strides = array<i32>} : memref<128xi32, #tpu.memory_space<vmem>>, vector<16xi32>,
    %get3A_85 = arith.constant 0 : i32
    %get3A_86 = arith.index_cast %get3A_85 : i32 to index
    %get3A_87 = arith.constant 80 : index
    %get3A_88 = tpu.vector_load %arg6[%get3A_86, %get3A_87] {strides = array<i32>} : memref<80x128xi32, #tpu.memory_space<vmem>>, vector<1x16xi32>,
    %get3A_89 = vector.shape_cast %get3A_88 : vector<1x16xi32> to vector<16xi32>
    %and3A_90 = arith.andi %get3A_89, %broadcast_in_dim3A_3 : vector<16xi32>
    %swap3A_91 = arith.constant 80 : index
    %swap3A_92 = tpu.vector_load %arg7[%swap3A_91] {strides = array<i32>} : memref<128xi32, #tpu.memory_space<vmem>>, vector<16xi32>,
    %swap3A_93 = vector.shape_cast %swap3A_92 : vector<16xi32> to vector<16xi32>
    %swap3A_94 = vector.shape_cast %and3A_90 : vector<16xi32> to vector<16xi32>
    tpu.vector_store %arg7[%swap3A_91], %swap3A_94 {strides = array<i32>} : memref<128xi32, #tpu.memory_space<vmem>>, vector<16xi32>,
    %shift_right_logical3A_95 = arith.constant 16 : i32
    %shift_right_logical3A_96 = vector.broadcast %shift_right_logical3A_95 : i32 to vector<16xi32>
    %shift_right_logical3A_97 = arith.shrui %get3A_89, %shift_right_logical3A_96 : vector<16xi32>
    %swap3A_98 = arith.constant 80 : index
    %swap3A_99 = tpu.vector_load %arg8[%swap3A_98] {strides = array<i32>} : memref<128xi32, #tpu.memory_space<vmem>>, vector<16xi32>,
    %swap3A_100 = vector.shape_cast %swap3A_99 : vector<16xi32> to vector<16xi32>
    %swap3A_101 = vector.shape_cast %shift_right_logical3A_97 : vector<16xi32> to vector<16xi32>
    tpu.vector_store %arg8[%swap3A_98], %swap3A_101 {strides = array<i32>} : memref<128xi32, #tpu.memory_space<vmem>>, vector<16xi32>,
    %get3A_102 = arith.constant 0 : i32
    %get3A_103 = arith.index_cast %get3A_102 : i32 to index
    %get3A_104 = arith.constant 96 : index
    %get3A_105 = tpu.vector_load %arg6[%get3A_103, %get3A_104] {strides = array<i32>} : memref<80x128xi32, #tpu.memory_space<vmem>>, vector<1x16xi32>,
    %get3A_106 = vector.shape_cast %get3A_105 : vector<1x16xi32> to vector<16xi32>
    %and3A_107 = arith.andi %get3A_106, %broadcast_in_dim3A_3 : vector<16xi32>
    %swap3A_108 = arith.constant 96 : index
    %swap3A_109 = tpu.vector_load %arg7[%swap3A_108] {strides = array<i32>} : memref<128xi32, #tpu.memory_space<vmem>>, vector<16xi32>,
    %swap3A_110 = vector.shape_cast %swap3A_109 : vector<16xi32> to vector<16xi32>
    %swap3A_111 = vector.shape_cast %and3A_107 : vector<16xi32> to vector<16xi32>
    tpu.vector_store %arg7[%swap3A_108], %swap3A_111 {strides = array<i32>} : memref<128xi32, #tpu.memory_space<vmem>>, vector<16xi32>,
    %shift_right_logical3A_112 = arith.constant 16 : i32
    %shift_right_logical3A_113 = vector.broadcast %shift_right_logical3A_112 : i32 to vector<16xi32>
    %shift_right_logical3A_114 = arith.shrui %get3A_106, %shift_right_logical3A_113 : vector<16xi32>
    %swap3A_115 = arith.constant 96 : index
    %swap3A_116 = tpu.vector_load %arg8[%swap3A_115] {strides = array<i32>} : memref<128xi32, #tpu.memory_space<vmem>>, vector<16xi32>,
    %swap3A_117 = vector.shape_cast %swap3A_116 : vector<16xi32> to vector<16xi32>
    %swap3A_118 = vector.shape_cast %shift_right_logical3A_114 : vector<16xi32> to vector<16xi32>
    tpu.vector_store %arg8[%swap3A_115], %swap3A_118 {strides = array<i32>} : memref<128xi32, #tpu.memory_space<vmem>>, vector<16xi32>,
    %get3A_119 = arith.constant 0 : i32
    %get3A_120 = arith.index_cast %get3A_119 : i32 to index
    %get3A_121 = arith.constant 112 : index
    %get3A_122 = tpu.vector_load %arg6[%get3A_120, %get3A_121] {strides = array<i32>} : memref<80x128xi32, #tpu.memory_space<vmem>>, vector<1x16xi32>,
    %get3A_123 = vector.shape_cast %get3A_122 : vector<1x16xi32> to vector<16xi32>
    %and3A_124 = arith.andi %get3A_123, %broadcast_in_dim3A_3 : vector<16xi32>
    %swap3A_125 = arith.constant 112 : index
    %swap3A_126 = tpu.vector_load %arg7[%swap3A_125] {strides = array<i32>} : memref<128xi32, #tpu.memory_space<vmem>>, vector<16xi32>,
    %swap3A_127 = vector.shape_cast %swap3A_126 : vector<16xi32> to vector<16xi32>
    %swap3A_128 = vector.shape_cast %and3A_124 : vector<16xi32> to vector<16xi32>
    tpu.vector_store %arg7[%swap3A_125], %swap3A_128 {strides = array<i32>} : memref<128xi32, #tpu.memory_space<vmem>>, vector<16xi32>,
    %shift_right_logical3A_129 = arith.constant 16 : i32
    %shift_right_logical3A_130 = vector.broadcast %shift_right_logical3A_129 : i32 to vector<16xi32>
    %shift_right_logical3A_131 = arith.shrui %get3A_123, %shift_right_logical3A_130 : vector<16xi32>
    %swap3A_132 = arith.constant 112 : index
    %swap3A_133 = tpu.vector_load %arg8[%swap3A_132] {strides = array<i32>} : memref<128xi32, #tpu.memory_space<vmem>>, vector<16xi32>,
    %swap3A_134 = vector.shape_cast %swap3A_133 : vector<16xi32> to vector<16xi32>
    %swap3A_135 = vector.shape_cast %shift_right_logical3A_131 : vector<16xi32> to vector<16xi32>
    tpu.vector_store %arg8[%swap3A_132], %swap3A_135 {strides = array<i32>} : memref<128xi32, #tpu.memory_space<vmem>>, vector<16xi32>,
    %dma_start3A = arith.constant 0 : i32
    %dma_start3A_136 = arith.constant 0 : i32
    %dma_start3A_137 = tpu.memref_slice %arg2[%dma_start3A, %dma_start3A_136] : memref<10000x128xf32, #tpu.memory_space<hbm>> -> memref<10000x128xf32, #tpu.memory_space<hbm>>
    tpu.enqueue_indirect_dma source(%dma_start3A_137 : memref<10000x128xf32, #tpu.memory_space<hbm>>) target(%arg11 : memref<128x128xf32, #tpu.memory_space<vmem>>) offsets(%arg7 : memref<128xi32, #tpu.memory_space<vmem>>) semaphore(%arg14 : memref<!tpu.dma_semaphore, #tpu.memory_space<semaphore_mem>>)
    %scan3A = arith.constant 0 : i32
    %scan3A_138 = arith.constant 0 : i32
    %scan3A_139 = arith.constant 40 : i32
    %scan3A_140 = arith.addi %scan3A_138, %scan3A_139 : i32
    %scan3A_141 = arith.constant 1 : i32
    scf.for %scan3A_148 = %scan3A_138 to %scan3A_140 step %scan3A_141  : i32 {
      %mul3A_149 = arith.constant 2 : i32
      %mul3A_150 = arith.muli %mul3A_149, %scan3A_148 : i32
      %add3A_151 = arith.constant 1 : i32
      %add3A_152 = arith.addi %mul3A_150, %add3A_151 : i32
      %get3A_153 = arith.index_cast %add3A_152 : i32 to index
      %get3A_154 = arith.constant 0 : index
      %get3A_155 = tpu.vector_load %arg6[%get3A_153, %get3A_154] {strides = array<i32>} : memref<80x128xi32, #tpu.memory_space<vmem>>, vector<1x16xi32>,
      %get3A_156 = vector.shape_cast %get3A_155 : vector<1x16xi32> to vector<16xi32>
      %and3A_157 = arith.andi %get3A_156, %broadcast_in_dim3A_3 : vector<16xi32>
      %swap3A_158 = arith.constant 0 : index
      %swap3A_159 = tpu.vector_load %arg9[%swap3A_158] {strides = array<i32>} : memref<128xi32, #tpu.memory_space<vmem>>, vector<16xi32>,
      %swap3A_160 = vector.shape_cast %swap3A_159 : vector<16xi32> to vector<16xi32>
      %swap3A_161 = vector.shape_cast %and3A_157 : vector<16xi32> to vector<16xi32>
      tpu.vector_store %arg9[%swap3A_158], %swap3A_161 {strides = array<i32>} : memref<128xi32, #tpu.memory_space<vmem>>, vector<16xi32>,
      %shift_right_logical3A_162 = arith.constant 16 : i32
      %shift_right_logical3A_163 = vector.broadcast %shift_right_logical3A_162 : i32 to vector<16xi32>
      %shift_right_logical3A_164 = arith.shrui %get3A_156, %shift_right_logical3A_163 : vector<16xi32>
      %swap3A_165 = arith.constant 0 : index
      %swap3A_166 = tpu.vector_load %arg10[%swap3A_165] {strides = array<i32>} : memref<128xi32, #tpu.memory_space<vmem>>, vector<16xi32>,
      %swap3A_167 = vector.shape_cast %swap3A_166 : vector<16xi32> to vector<16xi32>
      %swap3A_168 = vector.shape_cast %shift_right_logical3A_164 : vector<16xi32> to vector<16xi32>
      tpu.vector_store %arg10[%swap3A_165], %swap3A_168 {strides = array<i32>} : memref<128xi32, #tpu.memory_space<vmem>>, vector<16xi32>,
      %get3A_169 = arith.index_cast %add3A_152 : i32 to index
      %get3A_170 = arith.constant 16 : index
      %get3A_171 = tpu.vector_load %arg6[%get3A_169, %get3A_170] {strides = array<i32>} : memref<80x128xi32, #tpu.memory_space<vmem>>, vector<1x16xi32>,
      %get3A_172 = vector.shape_cast %get3A_171 : vector<1x16xi32> to vector<16xi32>
      %and3A_173 = arith.andi %get3A_172, %broadcast_in_dim3A_3 : vector<16xi32>
      %swap3A_174 = arith.constant 16 : index
      %swap3A_175 = tpu.vector_load %arg9[%swap3A_174] {strides = array<i32>} : memref<128xi32, #tpu.memory_space<vmem>>, vector<16xi32>,
      %swap3A_176 = vector.shape_cast %swap3A_175 : vector<16xi32> to vector<16xi32>
      %swap3A_177 = vector.shape_cast %and3A_173 : vector<16xi32> to vector<16xi32>
      tpu.vector_store %arg9[%swap3A_174], %swap3A_177 {strides = array<i32>} : memref<128xi32, #tpu.memory_space<vmem>>, vector<16xi32>,
      %shift_right_logical3A_178 = arith.constant 16 : i32
      %shift_right_logical3A_179 = vector.broadcast %shift_right_logical3A_178 : i32 to vector<16xi32>
      %shift_right_logical3A_180 = arith.shrui %get3A_172, %shift_right_logical3A_179 : vector<16xi32>
      %swap3A_181 = arith.constant 16 : index
      %swap3A_182 = tpu.vector_load %arg10[%swap3A_181] {strides = array<i32>} : memref<128xi32, #tpu.memory_space<vmem>>, vector<16xi32>,
      %swap3A_183 = vector.shape_cast %swap3A_182 : vector<16xi32> to vector<16xi32>
      %swap3A_184 = vector.shape_cast %shift_right_logical3A_180 : vector<16xi32> to vector<16xi32>
      tpu.vector_store %arg10[%swap3A_181], %swap3A_184 {strides = array<i32>} : memref<128xi32, #tpu.memory_space<vmem>>, vector<16xi32>,
      %get3A_185 = arith.index_cast %add3A_152 : i32 to index
      %get3A_186 = arith.constant 32 : index
      %get3A_187 = tpu.vector_load %arg6[%get3A_185, %get3A_186] {strides = array<i32>} : memref<80x128xi32, #tpu.memory_space<vmem>>, vector<1x16xi32>,
      %get3A_188 = vector.shape_cast %get3A_187 : vector<1x16xi32> to vector<16xi32>
      %and3A_189 = arith.andi %get3A_188, %broadcast_in_dim3A_3 : vector<16xi32>
      %swap3A_190 = arith.constant 32 : index
      %swap3A_191 = tpu.vector_load %arg9[%swap3A_190] {strides = array<i32>} : memref<128xi32, #tpu.memory_space<vmem>>, vector<16xi32>,
      %swap3A_192 = vector.shape_cast %swap3A_191 : vector<16xi32> to vector<16xi32>
      %swap3A_193 = vector.shape_cast %and3A_189 : vector<16xi32> to vector<16xi32>
      tpu.vector_store %arg9[%swap3A_190], %swap3A_193 {strides = array<i32>} : memref<128xi32, #tpu.memory_space<vmem>>, vector<16xi32>,
      %shift_right_logical3A_194 = arith.constant 16 : i32
      %shift_right_logical3A_195 = vector.broadcast %shift_right_logical3A_194 : i32 to vector<16xi32>
      %shift_right_logical3A_196 = arith.shrui %get3A_188, %shift_right_logical3A_195 : vector<16xi32>
      %swap3A_197 = arith.constant 32 : index
      %swap3A_198 = tpu.vector_load %arg10[%swap3A_197] {strides = array<i32>} : memref<128xi32, #tpu.memory_space<vmem>>, vector<16xi32>,
      %swap3A_199 = vector.shape_cast %swap3A_198 : vector<16xi32> to vector<16xi32>
      %swap3A_200 = vector.shape_cast %shift_right_logical3A_196 : vector<16xi32> to vector<16xi32>
      tpu.vector_store %arg10[%swap3A_197], %swap3A_200 {strides = array<i32>} : memref<128xi32, #tpu.memory_space<vmem>>, vector<16xi32>,
      %get3A_201 = arith.index_cast %add3A_152 : i32 to index
      %get3A_202 = arith.constant 48 : index
      %get3A_203 = tpu.vector_load %arg6[%get3A_201, %get3A_202] {strides = array<i32>} : memref<80x128xi32, #tpu.memory_space<vmem>>, vector<1x16xi32>,
      %get3A_204 = vector.shape_cast %get3A_203 : vector<1x16xi32> to vector<16xi32>
      %and3A_205 = arith.andi %get3A_204, %broadcast_in_dim3A_3 : vector<16xi32>
      %swap3A_206 = arith.constant 48 : index
      %swap3A_207 = tpu.vector_load %arg9[%swap3A_206] {strides = array<i32>} : memref<128xi32, #tpu.memory_space<vmem>>, vector<16xi32>,
      %swap3A_208 = vector.shape_cast %swap3A_207 : vector<16xi32> to vector<16xi32>
      %swap3A_209 = vector.shape_cast %and3A_205 : vector<16xi32> to vector<16xi32>
      tpu.vector_store %arg9[%swap3A_206], %swap3A_209 {strides = array<i32>} : memref<128xi32, #tpu.memory_space<vmem>>, vector<16xi32>,
      %shift_right_logical3A_210 = arith.constant 16 : i32
      %shift_right_logical3A_211 = vector.broadcast %shift_right_logical3A_210 : i32 to vector<16xi32>
      %shift_right_logical3A_212 = arith.shrui %get3A_204, %shift_right_logical3A_211 : vector<16xi32>
      %swap3A_213 = arith.constant 48 : index
      %swap3A_214 = tpu.vector_load %arg10[%swap3A_213] {strides = array<i32>} : memref<128xi32, #tpu.memory_space<vmem>>, vector<16xi32>,
      %swap3A_215 = vector.shape_cast %swap3A_214 : vector<16xi32> to vector<16xi32>
      %swap3A_216 = vector.shape_cast %shift_right_logical3A_212 : vector<16xi32> to vector<16xi32>
      tpu.vector_store %arg10[%swap3A_213], %swap3A_216 {strides = array<i32>} : memref<128xi32, #tpu.memory_space<vmem>>, vector<16xi32>,
      %get3A_217 = arith.index_cast %add3A_152 : i32 to index
      %get3A_218 = arith.constant 64 : index
      %get3A_219 = tpu.vector_load %arg6[%get3A_217, %get3A_218] {strides = array<i32>} : memref<80x128xi32, #tpu.memory_space<vmem>>, vector<1x16xi32>,
      %get3A_220 = vector.shape_cast %get3A_219 : vector<1x16xi32> to vector<16xi32>
      %and3A_221 = arith.andi %get3A_220, %broadcast_in_dim3A_3 : vector<16xi32>
      %swap3A_222 = arith.constant 64 : index
      %swap3A_223 = tpu.vector_load %arg9[%swap3A_222] {strides = array<i32>} : memref<128xi32, #tpu.memory_space<vmem>>, vector<16xi32>,
      %swap3A_224 = vector.shape_cast %swap3A_223 : vector<16xi32> to vector<16xi32>
      %swap3A_225 = vector.shape_cast %and3A_221 : vector<16xi32> to vector<16xi32>
      tpu.vector_store %arg9[%swap3A_222], %swap3A_225 {strides = array<i32>} : memref<128xi32, #tpu.memory_space<vmem>>, vector<16xi32>,
      %shift_right_logical3A_226 = arith.constant 16 : i32
      %shift_right_logical3A_227 = vector.broadcast %shift_right_logical3A_226 : i32 to vector<16xi32>
      %shift_right_logical3A_228 = arith.shrui %get3A_220, %shift_right_logical3A_227 : vector<16xi32>
      %swap3A_229 = arith.constant 64 : index
      %swap3A_230 = tpu.vector_load %arg10[%swap3A_229] {strides = array<i32>} : memref<128xi32, #tpu.memory_space<vmem>>, vector<16xi32>,
      %swap3A_231 = vector.shape_cast %swap3A_230 : vector<16xi32> to vector<16xi32>
      %swap3A_232 = vector.shape_cast %shift_right_logical3A_228 : vector<16xi32> to vector<16xi32>
      tpu.vector_store %arg10[%swap3A_229], %swap3A_232 {strides = array<i32>} : memref<128xi32, #tpu.memory_space<vmem>>, vector<16xi32>,
      %get3A_233 = arith.index_cast %add3A_152 : i32 to index
      %get3A_234 = arith.constant 80 : index
      %get3A_235 = tpu.vector_load %arg6[%get3A_233, %get3A_234] {strides = array<i32>} : memref<80x128xi32, #tpu.memory_space<vmem>>, vector<1x16xi32>,
      %get3A_236 = vector.shape_cast %get3A_235 : vector<1x16xi32> to vector<16xi32>
      %and3A_237 = arith.andi %get3A_236, %broadcast_in_dim3A_3 : vector<16xi32>
      %swap3A_238 = arith.constant 80 : index
      %swap3A_239 = tpu.vector_load %arg9[%swap3A_238] {strides = array<i32>} : memref<128xi32, #tpu.memory_space<vmem>>, vector<16xi32>,
      %swap3A_240 = vector.shape_cast %swap3A_239 : vector<16xi32> to vector<16xi32>
      %swap3A_241 = vector.shape_cast %and3A_237 : vector<16xi32> to vector<16xi32>
      tpu.vector_store %arg9[%swap3A_238], %swap3A_241 {strides = array<i32>} : memref<128xi32, #tpu.memory_space<vmem>>, vector<16xi32>,
      %shift_right_logical3A_242 = arith.constant 16 : i32
      %shift_right_logical3A_243 = vector.broadcast %shift_right_logical3A_242 : i32 to vector<16xi32>
      %shift_right_logical3A_244 = arith.shrui %get3A_236, %shift_right_logical3A_243 : vector<16xi32>
      %swap3A_245 = arith.constant 80 : index
      %swap3A_246 = tpu.vector_load %arg10[%swap3A_245] {strides = array<i32>} : memref<128xi32, #tpu.memory_space<vmem>>, vector<16xi32>,
      %swap3A_247 = vector.shape_cast %swap3A_246 : vector<16xi32> to vector<16xi32>
      %swap3A_248 = vector.shape_cast %shift_right_logical3A_244 : vector<16xi32> to vector<16xi32>
      tpu.vector_store %arg10[%swap3A_245], %swap3A_248 {strides = array<i32>} : memref<128xi32, #tpu.memory_space<vmem>>, vector<16xi32>,
      %get3A_249 = arith.index_cast %add3A_152 : i32 to index
      %get3A_250 = arith.constant 96 : index
      %get3A_251 = tpu.vector_load %arg6[%get3A_249, %get3A_250] {strides = array<i32>} : memref<80x128xi32, #tpu.memory_space<vmem>>, vector<1x16xi32>,
      %get3A_252 = vector.shape_cast %get3A_251 : vector<1x16xi32> to vector<16xi32>
      %and3A_253 = arith.andi %get3A_252, %broadcast_in_dim3A_3 : vector<16xi32>
      %swap3A_254 = arith.constant 96 : index
      %swap3A_255 = tpu.vector_load %arg9[%swap3A_254] {strides = array<i32>} : memref<128xi32, #tpu.memory_space<vmem>>, vector<16xi32>,
      %swap3A_256 = vector.shape_cast %swap3A_255 : vector<16xi32> to vector<16xi32>
      %swap3A_257 = vector.shape_cast %and3A_253 : vector<16xi32> to vector<16xi32>
      tpu.vector_store %arg9[%swap3A_254], %swap3A_257 {strides = array<i32>} : memref<128xi32, #tpu.memory_space<vmem>>, vector<16xi32>,
      %shift_right_logical3A_258 = arith.constant 16 : i32
      %shift_right_logical3A_259 = vector.broadcast %shift_right_logical3A_258 : i32 to vector<16xi32>
      %shift_right_logical3A_260 = arith.shrui %get3A_252, %shift_right_logical3A_259 : vector<16xi32>
      %swap3A_261 = arith.constant 96 : index
      %swap3A_262 = tpu.vector_load %arg10[%swap3A_261] {strides = array<i32>} : memref<128xi32, #tpu.memory_space<vmem>>, vector<16xi32>,
      %swap3A_263 = vector.shape_cast %swap3A_262 : vector<16xi32> to vector<16xi32>
      %swap3A_264 = vector.shape_cast %shift_right_logical3A_260 : vector<16xi32> to vector<16xi32>
      tpu.vector_store %arg10[%swap3A_261], %swap3A_264 {strides = array<i32>} : memref<128xi32, #tpu.memory_space<vmem>>, vector<16xi32>,
      %get3A_265 = arith.index_cast %add3A_152 : i32 to index
      %get3A_266 = arith.constant 112 : index
      %get3A_267 = tpu.vector_load %arg6[%get3A_265, %get3A_266] {strides = array<i32>} : memref<80x128xi32, #tpu.memory_space<vmem>>, vector<1x16xi32>,
      %get3A_268 = vector.shape_cast %get3A_267 : vector<1x16xi32> to vector<16xi32>
      %and3A_269 = arith.andi %get3A_268, %broadcast_in_dim3A_3 : vector<16xi32>
      %swap3A_270 = arith.constant 112 : index
      %swap3A_271 = tpu.vector_load %arg9[%swap3A_270] {strides = array<i32>} : memref<128xi32, #tpu.memory_space<vmem>>, vector<16xi32>,
      %swap3A_272 = vector.shape_cast %swap3A_271 : vector<16xi32> to vector<16xi32>
      %swap3A_273 = vector.shape_cast %and3A_269 : vector<16xi32> to vector<16xi32>
      tpu.vector_store %arg9[%swap3A_270], %swap3A_273 {strides = array<i32>} : memref<128xi32, #tpu.memory_space<vmem>>, vector<16xi32>,
      %shift_right_logical3A_274 = arith.constant 16 : i32
      %shift_right_logical3A_275 = vector.broadcast %shift_right_logical3A_274 : i32 to vector<16xi32>
      %shift_right_logical3A_276 = arith.shrui %get3A_268, %shift_right_logical3A_275 : vector<16xi32>
      %swap3A_277 = arith.constant 112 : index
      %swap3A_278 = tpu.vector_load %arg10[%swap3A_277] {strides = array<i32>} : memref<128xi32, #tpu.memory_space<vmem>>, vector<16xi32>,
      %swap3A_279 = vector.shape_cast %swap3A_278 : vector<16xi32> to vector<16xi32>
      %swap3A_280 = vector.shape_cast %shift_right_logical3A_276 : vector<16xi32> to vector<16xi32>
      tpu.vector_store %arg10[%swap3A_277], %swap3A_280 {strides = array<i32>} : memref<128xi32, #tpu.memory_space<vmem>>, vector<16xi32>,
      %dma_start3A_281 = arith.constant 0 : i32
      %dma_start3A_282 = arith.constant 0 : i32
      %dma_start3A_283 = tpu.memref_slice %arg2[%dma_start3A_281, %dma_start3A_282] : memref<10000x128xf32, #tpu.memory_space<hbm>> -> memref<10000x128xf32, #tpu.memory_space<hbm>>
      tpu.enqueue_indirect_dma source(%dma_start3A_283 : memref<10000x128xf32, #tpu.memory_space<hbm>>) target(%arg12 : memref<128x128xf32, #tpu.memory_space<vmem>>) offsets(%arg9 : memref<128xi32, #tpu.memory_space<vmem>>) semaphore(%arg15 : memref<!tpu.dma_semaphore, #tpu.memory_space<semaphore_mem>>)
      %dma_wait3A = arith.constant 0 : i32
      %dma_wait3A_284 = arith.constant 0 : i32
      %dma_wait3A_285 = tpu.memref_slice %arg2[%dma_wait3A, %dma_wait3A_284] : memref<10000x128xf32, #tpu.memory_space<hbm>> -> memref<10000x128xf32, #tpu.memory_space<hbm>>
      tpu.wait_indirect_dma semaphore(%arg14 : memref<!tpu.dma_semaphore, #tpu.memory_space<semaphore_mem>>) src(%dma_wait3A_285 : memref<10000x128xf32, #tpu.memory_space<hbm>>) dst(%arg11 : memref<128x128xf32, #tpu.memory_space<vmem>>)
      "tpu.region"() ({
        %run_scoped3A = tpu.sem_alloc : memref<!tpu.dma_semaphore, #tpu.memory_space<semaphore_mem>>
        %dma_start3A_293 = arith.constant 0 : i32
        %dma_start3A_294 = arith.constant 0 : i32
        %dma_start3A_295 = tpu.memref_slice %arg13[%dma_start3A_293, %dma_start3A_294] : memref<10240x128xf32, #tpu.memory_space<vmem_shared>> -> memref<10240x128xf32, #tpu.memory_space<vmem_shared>>
        tpu.enqueue_indirect_dma source(%arg11 : memref<128x128xf32, #tpu.memory_space<vmem>>) target(%dma_start3A_295 : memref<10240x128xf32, #tpu.memory_space<vmem_shared>>) offsets(%arg8 : memref<128xi32, #tpu.memory_space<vmem>>) semaphore(%run_scoped3A : memref<!tpu.dma_semaphore, #tpu.memory_space<semaphore_mem>>) {add = true}
        %dma_wait3A_296 = arith.constant 0 : i32
        %dma_wait3A_297 = arith.constant 0 : i32
        %dma_wait3A_298 = tpu.memref_slice %arg13[%dma_wait3A_296, %dma_wait3A_297] : memref<10240x128xf32, #tpu.memory_space<vmem_shared>> -> memref<10240x128xf32, #tpu.memory_space<vmem_shared>>
        tpu.wait_indirect_dma semaphore(%run_scoped3A : memref<!tpu.dma_semaphore, #tpu.memory_space<semaphore_mem>>) src(%arg11 : memref<128x128xf32, #tpu.memory_space<vmem>>) dst(%dma_wait3A_298 : memref<10240x128xf32, #tpu.memory_space<vmem_shared>>)
        tpu.yield
      }) : () -> ()
      %add3A_286 = arith.constant 1 : i32
      %add3A_287 = arith.addi %scan3A_148, %add3A_286 : i32
      %lt3A = arith.constant 40 : i32
      %lt3A_288 = arith.cmpi slt, %add3A_287, %lt3A : i32
      %convert_element_type3A = arith.extui %lt3A_288 : i1 to i32
      %cond3A = arith.constant 0 : i32
      %cond3A_289 = arith.cmpi ne, %convert_element_type3A, %cond3A : i32
      scf.if %cond3A_289 {
        %add3A_293 = arith.constant 2 : i32
        %add3A_294 = arith.addi %mul3A_150, %add3A_293 : i32
        %get3A_295 = arith.index_cast %add3A_294 : i32 to index
        %get3A_296 = arith.constant 0 : index
        %get3A_297 = tpu.vector_load %arg6[%get3A_295, %get3A_296] {strides = array<i32>} : memref<80x128xi32, #tpu.memory_space<vmem>>, vector<1x16xi32>,
        %get3A_298 = vector.shape_cast %get3A_297 : vector<1x16xi32> to vector<16xi32>
        %and3A_299 = arith.andi %get3A_298, %broadcast_in_dim3A_3 : vector<16xi32>
        %swap3A_300 = arith.constant 0 : index
        %swap3A_301 = tpu.vector_load %arg7[%swap3A_300] {strides = array<i32>} : memref<128xi32, #tpu.memory_space<vmem>>, vector<16xi32>,
        %swap3A_302 = vector.shape_cast %swap3A_301 : vector<16xi32> to vector<16xi32>
        %swap3A_303 = vector.shape_cast %and3A_299 : vector<16xi32> to vector<16xi32>
        tpu.vector_store %arg7[%swap3A_300], %swap3A_303 {strides = array<i32>} : memref<128xi32, #tpu.memory_space<vmem>>, vector<16xi32>,
        %shift_right_logical3A_304 = arith.constant 16 : i32
        %shift_right_logical3A_305 = vector.broadcast %shift_right_logical3A_304 : i32 to vector<16xi32>
        %shift_right_logical3A_306 = arith.shrui %get3A_298, %shift_right_logical3A_305 : vector<16xi32>
        %swap3A_307 = arith.constant 0 : index
        %swap3A_308 = tpu.vector_load %arg8[%swap3A_307] {strides = array<i32>} : memref<128xi32, #tpu.memory_space<vmem>>, vector<16xi32>,
        %swap3A_309 = vector.shape_cast %swap3A_308 : vector<16xi32> to vector<16xi32>
        %swap3A_310 = vector.shape_cast %shift_right_logical3A_306 : vector<16xi32> to vector<16xi32>
        tpu.vector_store %arg8[%swap3A_307], %swap3A_310 {strides = array<i32>} : memref<128xi32, #tpu.memory_space<vmem>>, vector<16xi32>,
        %get3A_311 = arith.index_cast %add3A_294 : i32 to index
        %get3A_312 = arith.constant 16 : index
        %get3A_313 = tpu.vector_load %arg6[%get3A_311, %get3A_312] {strides = array<i32>} : memref<80x128xi32, #tpu.memory_space<vmem>>, vector<1x16xi32>,
        %get3A_314 = vector.shape_cast %get3A_313 : vector<1x16xi32> to vector<16xi32>
        %and3A_315 = arith.andi %get3A_314, %broadcast_in_dim3A_3 : vector<16xi32>
        %swap3A_316 = arith.constant 16 : index
        %swap3A_317 = tpu.vector_load %arg7[%swap3A_316] {strides = array<i32>} : memref<128xi32, #tpu.memory_space<vmem>>, vector<16xi32>,
        %swap3A_318 = vector.shape_cast %swap3A_317 : vector<16xi32> to vector<16xi32>
        %swap3A_319 = vector.shape_cast %and3A_315 : vector<16xi32> to vector<16xi32>
        tpu.vector_store %arg7[%swap3A_316], %swap3A_319 {strides = array<i32>} : memref<128xi32, #tpu.memory_space<vmem>>, vector<16xi32>,
        %shift_right_logical3A_320 = arith.constant 16 : i32
        %shift_right_logical3A_321 = vector.broadcast %shift_right_logical3A_320 : i32 to vector<16xi32>
        %shift_right_logical3A_322 = arith.shrui %get3A_314, %shift_right_logical3A_321 : vector<16xi32>
        %swap3A_323 = arith.constant 16 : index
        %swap3A_324 = tpu.vector_load %arg8[%swap3A_323] {strides = array<i32>} : memref<128xi32, #tpu.memory_space<vmem>>, vector<16xi32>,
        %swap3A_325 = vector.shape_cast %swap3A_324 : vector<16xi32> to vector<16xi32>
        %swap3A_326 = vector.shape_cast %shift_right_logical3A_322 : vector<16xi32> to vector<16xi32>
        tpu.vector_store %arg8[%swap3A_323], %swap3A_326 {strides = array<i32>} : memref<128xi32, #tpu.memory_space<vmem>>, vector<16xi32>,
        %get3A_327 = arith.index_cast %add3A_294 : i32 to index
        %get3A_328 = arith.constant 32 : index
        %get3A_329 = tpu.vector_load %arg6[%get3A_327, %get3A_328] {strides = array<i32>} : memref<80x128xi32, #tpu.memory_space<vmem>>, vector<1x16xi32>,
        %get3A_330 = vector.shape_cast %get3A_329 : vector<1x16xi32> to vector<16xi32>
        %and3A_331 = arith.andi %get3A_330, %broadcast_in_dim3A_3 : vector<16xi32>
        %swap3A_332 = arith.constant 32 : index
        %swap3A_333 = tpu.vector_load %arg7[%swap3A_332] {strides = array<i32>} : memref<128xi32, #tpu.memory_space<vmem>>, vector<16xi32>,
        %swap3A_334 = vector.shape_cast %swap3A_333 : vector<16xi32> to vector<16xi32>
        %swap3A_335 = vector.shape_cast %and3A_331 : vector<16xi32> to vector<16xi32>
        tpu.vector_store %arg7[%swap3A_332], %swap3A_335 {strides = array<i32>} : memref<128xi32, #tpu.memory_space<vmem>>, vector<16xi32>,
        %shift_right_logical3A_336 = arith.constant 16 : i32
        %shift_right_logical3A_337 = vector.broadcast %shift_right_logical3A_336 : i32 to vector<16xi32>
        %shift_right_logical3A_338 = arith.shrui %get3A_330, %shift_right_logical3A_337 : vector<16xi32>
        %swap3A_339 = arith.constant 32 : index
        %swap3A_340 = tpu.vector_load %arg8[%swap3A_339] {strides = array<i32>} : memref<128xi32, #tpu.memory_space<vmem>>, vector<16xi32>,
        %swap3A_341 = vector.shape_cast %swap3A_340 : vector<16xi32> to vector<16xi32>
        %swap3A_342 = vector.shape_cast %shift_right_logical3A_338 : vector<16xi32> to vector<16xi32>
        tpu.vector_store %arg8[%swap3A_339], %swap3A_342 {strides = array<i32>} : memref<128xi32, #tpu.memory_space<vmem>>, vector<16xi32>,
        %get3A_343 = arith.index_cast %add3A_294 : i32 to index
        %get3A_344 = arith.constant 48 : index
        %get3A_345 = tpu.vector_load %arg6[%get3A_343, %get3A_344] {strides = array<i32>} : memref<80x128xi32, #tpu.memory_space<vmem>>, vector<1x16xi32>,
        %get3A_346 = vector.shape_cast %get3A_345 : vector<1x16xi32> to vector<16xi32>
        %and3A_347 = arith.andi %get3A_346, %broadcast_in_dim3A_3 : vector<16xi32>
        %swap3A_348 = arith.constant 48 : index
        %swap3A_349 = tpu.vector_load %arg7[%swap3A_348] {strides = array<i32>} : memref<128xi32, #tpu.memory_space<vmem>>, vector<16xi32>,
        %swap3A_350 = vector.shape_cast %swap3A_349 : vector<16xi32> to vector<16xi32>
        %swap3A_351 = vector.shape_cast %and3A_347 : vector<16xi32> to vector<16xi32>
        tpu.vector_store %arg7[%swap3A_348], %swap3A_351 {strides = array<i32>} : memref<128xi32, #tpu.memory_space<vmem>>, vector<16xi32>,
        %shift_right_logical3A_352 = arith.constant 16 : i32
        %shift_right_logical3A_353 = vector.broadcast %shift_right_logical3A_352 : i32 to vector<16xi32>
        %shift_right_logical3A_354 = arith.shrui %get3A_346, %shift_right_logical3A_353 : vector<16xi32>
        %swap3A_355 = arith.constant 48 : index
        %swap3A_356 = tpu.vector_load %arg8[%swap3A_355] {strides = array<i32>} : memref<128xi32, #tpu.memory_space<vmem>>, vector<16xi32>,
        %swap3A_357 = vector.shape_cast %swap3A_356 : vector<16xi32> to vector<16xi32>
        %swap3A_358 = vector.shape_cast %shift_right_logical3A_354 : vector<16xi32> to vector<16xi32>
        tpu.vector_store %arg8[%swap3A_355], %swap3A_358 {strides = array<i32>} : memref<128xi32, #tpu.memory_space<vmem>>, vector<16xi32>,
        %get3A_359 = arith.index_cast %add3A_294 : i32 to index
        %get3A_360 = arith.constant 64 : index
        %get3A_361 = tpu.vector_load %arg6[%get3A_359, %get3A_360] {strides = array<i32>} : memref<80x128xi32, #tpu.memory_space<vmem>>, vector<1x16xi32>,
        %get3A_362 = vector.shape_cast %get3A_361 : vector<1x16xi32> to vector<16xi32>
        %and3A_363 = arith.andi %get3A_362, %broadcast_in_dim3A_3 : vector<16xi32>
        %swap3A_364 = arith.constant 64 : index
        %swap3A_365 = tpu.vector_load %arg7[%swap3A_364] {strides = array<i32>} : memref<128xi32, #tpu.memory_space<vmem>>, vector<16xi32>,
        %swap3A_366 = vector.shape_cast %swap3A_365 : vector<16xi32> to vector<16xi32>
        %swap3A_367 = vector.shape_cast %and3A_363 : vector<16xi32> to vector<16xi32>
        tpu.vector_store %arg7[%swap3A_364], %swap3A_367 {strides = array<i32>} : memref<128xi32, #tpu.memory_space<vmem>>, vector<16xi32>,
        %shift_right_logical3A_368 = arith.constant 16 : i32
        %shift_right_logical3A_369 = vector.broadcast %shift_right_logical3A_368 : i32 to vector<16xi32>
        %shift_right_logical3A_370 = arith.shrui %get3A_362, %shift_right_logical3A_369 : vector<16xi32>
        %swap3A_371 = arith.constant 64 : index
        %swap3A_372 = tpu.vector_load %arg8[%swap3A_371] {strides = array<i32>} : memref<128xi32, #tpu.memory_space<vmem>>, vector<16xi32>,
        %swap3A_373 = vector.shape_cast %swap3A_372 : vector<16xi32> to vector<16xi32>
        %swap3A_374 = vector.shape_cast %shift_right_logical3A_370 : vector<16xi32> to vector<16xi32>
        tpu.vector_store %arg8[%swap3A_371], %swap3A_374 {strides = array<i32>} : memref<128xi32, #tpu.memory_space<vmem>>, vector<16xi32>,
        %get3A_375 = arith.index_cast %add3A_294 : i32 to index
        %get3A_376 = arith.constant 80 : index
        %get3A_377 = tpu.vector_load %arg6[%get3A_375, %get3A_376] {strides = array<i32>} : memref<80x128xi32, #tpu.memory_space<vmem>>, vector<1x16xi32>,
        %get3A_378 = vector.shape_cast %get3A_377 : vector<1x16xi32> to vector<16xi32>
        %and3A_379 = arith.andi %get3A_378, %broadcast_in_dim3A_3 : vector<16xi32>
        %swap3A_380 = arith.constant 80 : index
        %swap3A_381 = tpu.vector_load %arg7[%swap3A_380] {strides = array<i32>} : memref<128xi32, #tpu.memory_space<vmem>>, vector<16xi32>,
        %swap3A_382 = vector.shape_cast %swap3A_381 : vector<16xi32> to vector<16xi32>
        %swap3A_383 = vector.shape_cast %and3A_379 : vector<16xi32> to vector<16xi32>
        tpu.vector_store %arg7[%swap3A_380], %swap3A_383 {strides = array<i32>} : memref<128xi32, #tpu.memory_space<vmem>>, vector<16xi32>,
        %shift_right_logical3A_384 = arith.constant 16 : i32
        %shift_right_logical3A_385 = vector.broadcast %shift_right_logical3A_384 : i32 to vector<16xi32>
        %shift_right_logical3A_386 = arith.shrui %get3A_378, %shift_right_logical3A_385 : vector<16xi32>
        %swap3A_387 = arith.constant 80 : index
        %swap3A_388 = tpu.vector_load %arg8[%swap3A_387] {strides = array<i32>} : memref<128xi32, #tpu.memory_space<vmem>>, vector<16xi32>,
        %swap3A_389 = vector.shape_cast %swap3A_388 : vector<16xi32> to vector<16xi32>
        %swap3A_390 = vector.shape_cast %shift_right_logical3A_386 : vector<16xi32> to vector<16xi32>
        tpu.vector_store %arg8[%swap3A_387], %swap3A_390 {strides = array<i32>} : memref<128xi32, #tpu.memory_space<vmem>>, vector<16xi32>,
        %get3A_391 = arith.index_cast %add3A_294 : i32 to index
        %get3A_392 = arith.constant 96 : index
        %get3A_393 = tpu.vector_load %arg6[%get3A_391, %get3A_392] {strides = array<i32>} : memref<80x128xi32, #tpu.memory_space<vmem>>, vector<1x16xi32>,
        %get3A_394 = vector.shape_cast %get3A_393 : vector<1x16xi32> to vector<16xi32>
        %and3A_395 = arith.andi %get3A_394, %broadcast_in_dim3A_3 : vector<16xi32>
        %swap3A_396 = arith.constant 96 : index
        %swap3A_397 = tpu.vector_load %arg7[%swap3A_396] {strides = array<i32>} : memref<128xi32, #tpu.memory_space<vmem>>, vector<16xi32>,
        %swap3A_398 = vector.shape_cast %swap3A_397 : vector<16xi32> to vector<16xi32>
        %swap3A_399 = vector.shape_cast %and3A_395 : vector<16xi32> to vector<16xi32>
        tpu.vector_store %arg7[%swap3A_396], %swap3A_399 {strides = array<i32>} : memref<128xi32, #tpu.memory_space<vmem>>, vector<16xi32>,
        %shift_right_logical3A_400 = arith.constant 16 : i32
        %shift_right_logical3A_401 = vector.broadcast %shift_right_logical3A_400 : i32 to vector<16xi32>
        %shift_right_logical3A_402 = arith.shrui %get3A_394, %shift_right_logical3A_401 : vector<16xi32>
        %swap3A_403 = arith.constant 96 : index
        %swap3A_404 = tpu.vector_load %arg8[%swap3A_403] {strides = array<i32>} : memref<128xi32, #tpu.memory_space<vmem>>, vector<16xi32>,
        %swap3A_405 = vector.shape_cast %swap3A_404 : vector<16xi32> to vector<16xi32>
        %swap3A_406 = vector.shape_cast %shift_right_logical3A_402 : vector<16xi32> to vector<16xi32>
        tpu.vector_store %arg8[%swap3A_403], %swap3A_406 {strides = array<i32>} : memref<128xi32, #tpu.memory_space<vmem>>, vector<16xi32>,
        %get3A_407 = arith.index_cast %add3A_294 : i32 to index
        %get3A_408 = arith.constant 112 : index
        %get3A_409 = tpu.vector_load %arg6[%get3A_407, %get3A_408] {strides = array<i32>} : memref<80x128xi32, #tpu.memory_space<vmem>>, vector<1x16xi32>,
        %get3A_410 = vector.shape_cast %get3A_409 : vector<1x16xi32> to vector<16xi32>
        %and3A_411 = arith.andi %get3A_410, %broadcast_in_dim3A_3 : vector<16xi32>
        %swap3A_412 = arith.constant 112 : index
        %swap3A_413 = tpu.vector_load %arg7[%swap3A_412] {strides = array<i32>} : memref<128xi32, #tpu.memory_space<vmem>>, vector<16xi32>,
        %swap3A_414 = vector.shape_cast %swap3A_413 : vector<16xi32> to vector<16xi32>
        %swap3A_415 = vector.shape_cast %and3A_411 : vector<16xi32> to vector<16xi32>
        tpu.vector_store %arg7[%swap3A_412], %swap3A_415 {strides = array<i32>} : memref<128xi32, #tpu.memory_space<vmem>>, vector<16xi32>,
        %shift_right_logical3A_416 = arith.constant 16 : i32
        %shift_right_logical3A_417 = vector.broadcast %shift_right_logical3A_416 : i32 to vector<16xi32>
        %shift_right_logical3A_418 = arith.shrui %get3A_410, %shift_right_logical3A_417 : vector<16xi32>
        %swap3A_419 = arith.constant 112 : index
        %swap3A_420 = tpu.vector_load %arg8[%swap3A_419] {strides = array<i32>} : memref<128xi32, #tpu.memory_space<vmem>>, vector<16xi32>,
        %swap3A_421 = vector.shape_cast %swap3A_420 : vector<16xi32> to vector<16xi32>
        %swap3A_422 = vector.shape_cast %shift_right_logical3A_418 : vector<16xi32> to vector<16xi32>
        tpu.vector_store %arg8[%swap3A_419], %swap3A_422 {strides = array<i32>} : memref<128xi32, #tpu.memory_space<vmem>>, vector<16xi32>,
        %dma_start3A_423 = arith.constant 0 : i32
        %dma_start3A_424 = arith.constant 0 : i32
        %dma_start3A_425 = tpu.memref_slice %arg2[%dma_start3A_423, %dma_start3A_424] : memref<10000x128xf32, #tpu.memory_space<hbm>> -> memref<10000x128xf32, #tpu.memory_space<hbm>>
        tpu.enqueue_indirect_dma source(%dma_start3A_425 : memref<10000x128xf32, #tpu.memory_space<hbm>>) target(%arg11 : memref<128x128xf32, #tpu.memory_space<vmem>>) offsets(%arg7 : memref<128xi32, #tpu.memory_space<vmem>>) semaphore(%arg14 : memref<!tpu.dma_semaphore, #tpu.memory_space<semaphore_mem>>)
      } else {
      }
      %dma_wait3A_290 = arith.constant 0 : i32
      %dma_wait3A_291 = arith.constant 0 : i32
      %dma_wait3A_292 = tpu.memref_slice %arg2[%dma_wait3A_290, %dma_wait3A_291] : memref<10000x128xf32, #tpu.memory_space<hbm>> -> memref<10000x128xf32, #tpu.memory_space<hbm>>
      tpu.wait_indirect_dma semaphore(%arg15 : memref<!tpu.dma_semaphore, #tpu.memory_space<semaphore_mem>>) src(%dma_wait3A_292 : memref<10000x128xf32, #tpu.memory_space<hbm>>) dst(%arg12 : memref<128x128xf32, #tpu.memory_space<vmem>>)
      "tpu.region"() ({
        %run_scoped3A = tpu.sem_alloc : memref<!tpu.dma_semaphore, #tpu.memory_space<semaphore_mem>>
        %dma_start3A_293 = arith.constant 0 : i32
        %dma_start3A_294 = arith.constant 0 : i32
        %dma_start3A_295 = tpu.memref_slice %arg13[%dma_start3A_293, %dma_start3A_294] : memref<10240x128xf32, #tpu.memory_space<vmem_shared>> -> memref<10240x128xf32, #tpu.memory_space<vmem_shared>>
        tpu.enqueue_indirect_dma source(%arg12 : memref<128x128xf32, #tpu.memory_space<vmem>>) target(%dma_start3A_295 : memref<10240x128xf32, #tpu.memory_space<vmem_shared>>) offsets(%arg10 : memref<128xi32, #tpu.memory_space<vmem>>) semaphore(%run_scoped3A : memref<!tpu.dma_semaphore, #tpu.memory_space<semaphore_mem>>) {add = true}
        %dma_wait3A_296 = arith.constant 0 : i32
        %dma_wait3A_297 = arith.constant 0 : i32
        %dma_wait3A_298 = tpu.memref_slice %arg13[%dma_wait3A_296, %dma_wait3A_297] : memref<10240x128xf32, #tpu.memory_space<vmem_shared>> -> memref<10240x128xf32, #tpu.memory_space<vmem_shared>>
        tpu.wait_indirect_dma semaphore(%run_scoped3A : memref<!tpu.dma_semaphore, #tpu.memory_space<semaphore_mem>>) src(%arg12 : memref<128x128xf32, #tpu.memory_space<vmem>>) dst(%dma_wait3A_298 : memref<10240x128xf32, #tpu.memory_space<vmem_shared>>)
        tpu.yield
      }) : () -> ()
    }
    %scan3A_142 = arith.constant 40 : i32
    %barrier3A_143 = arith.constant 0 : index
    tpu.barrier barrier_id(%barrier3A_143)
    %mul3A_144 = arith.constant 640 : i32
    %mul3A_145 = arith.muli %arg1, %mul3A_144 : i32
    %mul3A_146 = arith.constant 640 : i32
    %mul3A_147 = arith.muli %arg1, %mul3A_146 : i32
    "tpu.region"() ({
      %run_scoped3A = tpu.sem_alloc : memref<!tpu.dma_semaphore, #tpu.memory_space<semaphore_mem>>
      %dma_start3A_148 = arith.constant 0 : i32
      %dma_start3A_149 = tpu.memref_slice %arg5[%arg0, %mul3A_147, %dma_start3A_148] : memref<2x10240x128xf32, #tpu.memory_space<hbm>> -> memref<1x640x128xf32, #tpu.memory_space<hbm>>
      %dma_start3A_150 = tpu.memref_squeeze %dma_start3A_149 : memref<1x640x128xf32, #tpu.memory_space<hbm>> -> memref<640x128xf32, #tpu.memory_space<hbm>>
      %dma_start3A_151 = arith.constant 0 : i32
      %dma_start3A_152 = tpu.memref_slice %arg13[%mul3A_145, %dma_start3A_151] : memref<10240x128xf32, #tpu.memory_space<vmem_shared>> -> memref<640x128xf32, #tpu.memory_space<vmem_shared>>
      tpu.enqueue_dma source(%dma_start3A_152 : memref<640x128xf32, #tpu.memory_space<vmem_shared>>) target(%dma_start3A_150 : memref<640x128xf32, #tpu.memory_space<hbm>>) target_semaphore(%run_scoped3A : memref<!tpu.dma_semaphore, #tpu.memory_space<semaphore_mem>>)
      %dma_wait3A = arith.constant 0 : i32
      %dma_wait3A_153 = tpu.memref_slice %arg5[%arg0, %mul3A_147, %dma_wait3A] : memref<2x10240x128xf32, #tpu.memory_space<hbm>> -> memref<1x640x128xf32, #tpu.memory_space<hbm>>
      %dma_wait3A_154 = tpu.memref_squeeze %dma_wait3A_153 : memref<1x640x128xf32, #tpu.memory_space<hbm>> -> memref<640x128xf32, #tpu.memory_space<hbm>>
      %dma_wait3A_155 = arith.constant 0 : i32
      %dma_wait3A_156 = tpu.memref_slice %arg13[%mul3A_145, %dma_wait3A_155] : memref<10240x128xf32, #tpu.memory_space<vmem_shared>> -> memref<640x128xf32, #tpu.memory_space<vmem_shared>>
      tpu.wait_dma2 semaphore(%run_scoped3A : memref<!tpu.dma_semaphore, #tpu.memory_space<semaphore_mem>>) src(%dma_wait3A_156 : memref<640x128xf32, #tpu.memory_space<vmem_shared>>) dst(%dma_wait3A_154 : memref<640x128xf32, #tpu.memory_space<hbm>>)
      tpu.yield
    }) : () -> ()
    return
  }
}

#map = affine_map<(d0, d1) -> (0, 0, 0)>
#map1 = affine_map<(d0, d1) -> (0, 0)>
module attributes {stable_mosaic.version = 14 : i64} {
  func.func @_deg_body(%arg0: i32, %arg1: i32, %arg2: memref<32x80x128xi32, #tpu.memory_space<hbm>>, %arg3: memref<128x128xf32, #tpu.memory_space<hbm>>, %arg4: memref<640x128xf32, #tpu.memory_space<hbm>>, %arg5: memref<2x10240x128xf32, #tpu.memory_space<hbm>>, %arg6: memref<128x128xf32, #tpu.memory_space<vmem>>, %arg7: memref<80x128xi32, #tpu.memory_space<vmem>>, %arg8: memref<10240x128xf32, #tpu.memory_space<vmem_shared>>) attributes {dimension_semantics = [#tpu.dimension_semantics<core_parallel>, #tpu.dimension_semantics<subcore_parallel>], iteration_bounds = array<i64: 2, 16>, scalar_prefetch = 0 : i64, scratch_operands = 3 : i64, tpu.core_type = #tpu.core_type<sc_vector_subcore>, window_params = [{transform_indices = #map}, {transform_indices = #map1}, {transform_indices = #map1}, {transform_indices = #map}]} {
    %mul3A = arith.constant 2 : i32
    %mul3A_0 = arith.muli %arg1, %mul3A : i32
    %add3A = arith.addi %mul3A_0, %arg0 : i32
    %mul3A_1 = arith.constant 640 : i32
    %mul3A_2 = arith.muli %arg1, %mul3A_1 : i32
    "tpu.region"() ({
      %run_scoped3A = tpu.sem_alloc : memref<!tpu.dma_semaphore, #tpu.memory_space<semaphore_mem>>
      %dma_start3A = arith.constant 0 : i32
      %dma_start3A_13 = tpu.memref_slice %arg8[%mul3A_2, %dma_start3A] : memref<10240x128xf32, #tpu.memory_space<vmem_shared>> -> memref<640x128xf32, #tpu.memory_space<vmem_shared>>
      tpu.enqueue_dma source(%arg4 : memref<640x128xf32, #tpu.memory_space<hbm>>) target(%dma_start3A_13 : memref<640x128xf32, #tpu.memory_space<vmem_shared>>) target_semaphore(%run_scoped3A : memref<!tpu.dma_semaphore, #tpu.memory_space<semaphore_mem>>)
      %dma_wait3A = arith.constant 0 : i32
      %dma_wait3A_14 = tpu.memref_slice %arg8[%mul3A_2, %dma_wait3A] : memref<10240x128xf32, #tpu.memory_space<vmem_shared>> -> memref<640x128xf32, #tpu.memory_space<vmem_shared>>
      tpu.wait_dma2 semaphore(%run_scoped3A : memref<!tpu.dma_semaphore, #tpu.memory_space<semaphore_mem>>) src(%arg4 : memref<640x128xf32, #tpu.memory_space<hbm>>) dst(%dma_wait3A_14 : memref<640x128xf32, #tpu.memory_space<vmem_shared>>)
      tpu.yield
    }) : () -> ()
    "tpu.region"() ({
      %run_scoped3A = tpu.sem_alloc : memref<!tpu.dma_semaphore, #tpu.memory_space<semaphore_mem>>
      tpu.enqueue_dma source(%arg3 : memref<128x128xf32, #tpu.memory_space<hbm>>) target(%arg6 : memref<128x128xf32, #tpu.memory_space<vmem>>) target_semaphore(%run_scoped3A : memref<!tpu.dma_semaphore, #tpu.memory_space<semaphore_mem>>)
      tpu.wait_dma2 semaphore(%run_scoped3A : memref<!tpu.dma_semaphore, #tpu.memory_space<semaphore_mem>>) src(%arg3 : memref<128x128xf32, #tpu.memory_space<hbm>>) dst(%arg6 : memref<128x128xf32, #tpu.memory_space<vmem>>)
      tpu.yield
    }) : () -> ()
    "tpu.region"() ({
      %run_scoped3A = tpu.sem_alloc : memref<!tpu.dma_semaphore, #tpu.memory_space<semaphore_mem>>
      %dma_start3A = arith.constant 0 : i32
      %dma_start3A_13 = arith.constant 0 : i32
      %dma_start3A_14 = tpu.memref_slice %arg2[%add3A, %dma_start3A, %dma_start3A_13] : memref<32x80x128xi32, #tpu.memory_space<hbm>> -> memref<1x80x128xi32, #tpu.memory_space<hbm>>
      %dma_start3A_15 = tpu.memref_squeeze %dma_start3A_14 : memref<1x80x128xi32, #tpu.memory_space<hbm>> -> memref<80x128xi32, #tpu.memory_space<hbm>>
      %dma_start3A_16 = arith.constant 0 : i32
      %dma_start3A_17 = arith.constant 0 : i32
      %dma_start3A_18 = tpu.memref_slice %arg2[%add3A, %dma_start3A_16, %dma_start3A_17] : memref<32x80x128xi32, #tpu.memory_space<hbm>> -> memref<1x80x128xi32, #tpu.memory_space<hbm>>
      %dma_start3A_19 = tpu.memref_squeeze %dma_start3A_18 : memref<1x80x128xi32, #tpu.memory_space<hbm>> -> memref<80x128xi32, #tpu.memory_space<hbm>>
      tpu.enqueue_dma source(%dma_start3A_19 : memref<80x128xi32, #tpu.memory_space<hbm>>) target(%arg7 : memref<80x128xi32, #tpu.memory_space<vmem>>) target_semaphore(%run_scoped3A : memref<!tpu.dma_semaphore, #tpu.memory_space<semaphore_mem>>)
      %dma_wait3A = arith.constant 0 : i32
      %dma_wait3A_20 = arith.constant 0 : i32
      %dma_wait3A_21 = tpu.memref_slice %arg2[%add3A, %dma_wait3A, %dma_wait3A_20] : memref<32x80x128xi32, #tpu.memory_space<hbm>> -> memref<1x80x128xi32, #tpu.memory_space<hbm>>
      %dma_wait3A_22 = tpu.memref_squeeze %dma_wait3A_21 : memref<1x80x128xi32, #tpu.memory_space<hbm>> -> memref<80x128xi32, #tpu.memory_space<hbm>>
      %dma_wait3A_23 = arith.constant 0 : i32
      %dma_wait3A_24 = arith.constant 0 : i32
      %dma_wait3A_25 = tpu.memref_slice %arg2[%add3A, %dma_wait3A_23, %dma_wait3A_24] : memref<32x80x128xi32, #tpu.memory_space<hbm>> -> memref<1x80x128xi32, #tpu.memory_space<hbm>>
      %dma_wait3A_26 = tpu.memref_squeeze %dma_wait3A_25 : memref<1x80x128xi32, #tpu.memory_space<hbm>> -> memref<80x128xi32, #tpu.memory_space<hbm>>
      tpu.wait_dma2 semaphore(%run_scoped3A : memref<!tpu.dma_semaphore, #tpu.memory_space<semaphore_mem>>) src(%dma_wait3A_26 : memref<80x128xi32, #tpu.memory_space<hbm>>) dst(%arg7 : memref<80x128xi32, #tpu.memory_space<vmem>>)
      tpu.yield
    }) : () -> ()
    %barrier3A = arith.constant 0 : index
    tpu.barrier barrier_id(%barrier3A)
    %scan3A = arith.constant 0 : i32
    %scan3A_3 = arith.constant 0 : i32
    %scan3A_4 = arith.constant 80 : i32
    %scan3A_5 = arith.addi %scan3A_3, %scan3A_4 : i32
    %scan3A_6 = arith.constant 1 : i32
    scf.for %scan3A_13 = %scan3A_3 to %scan3A_5 step %scan3A_6  : i32 {
      "tpu.region"() ({
        %run_scoped3A = tpu.sem_alloc : memref<!tpu.dma_semaphore, #tpu.memory_space<semaphore_mem>>
        %dma_start3A = arith.constant 0 : i32
        %dma_start3A_14 = tpu.memref_slice %arg7[%scan3A_13, %dma_start3A] : memref<80x128xi32, #tpu.memory_space<vmem>> -> memref<1x128xi32, #tpu.memory_space<vmem>>
        %dma_start3A_15 = tpu.memref_squeeze %dma_start3A_14 : memref<1x128xi32, #tpu.memory_space<vmem>> -> memref<128xi32, #tpu.memory_space<vmem>>
        %dma_start3A_16 = arith.constant 0 : i32
        %dma_start3A_17 = arith.constant 0 : i32
        %dma_start3A_18 = tpu.memref_slice %arg8[%dma_start3A_16, %dma_start3A_17] : memref<10240x128xf32, #tpu.memory_space<vmem_shared>> -> memref<10240x128xf32, #tpu.memory_space<vmem_shared>>
        tpu.enqueue_indirect_dma source(%arg6 : memref<128x128xf32, #tpu.memory_space<vmem>>) target(%dma_start3A_18 : memref<10240x128xf32, #tpu.memory_space<vmem_shared>>) offsets(%dma_start3A_15 : memref<128xi32, #tpu.memory_space<vmem>>) semaphore(%run_scoped3A : memref<!tpu.dma_semaphore, #tpu.memory_space<semaphore_mem>>) {add = true}
        %dma_wait3A = arith.constant 0 : i32
        %dma_wait3A_19 = tpu.memref_slice %arg7[%scan3A_13, %dma_wait3A] : memref<80x128xi32, #tpu.memory_space<vmem>> -> memref<1x128xi32, #tpu.memory_space<vmem>>
        %dma_wait3A_20 = tpu.memref_squeeze %dma_wait3A_19 : memref<1x128xi32, #tpu.memory_space<vmem>> -> memref<128xi32, #tpu.memory_space<vmem>>
        %dma_wait3A_21 = arith.constant 0 : i32
        %dma_wait3A_22 = arith.constant 0 : i32
        %dma_wait3A_23 = tpu.memref_slice %arg8[%dma_wait3A_21, %dma_wait3A_22] : memref<10240x128xf32, #tpu.memory_space<vmem_shared>> -> memref<10240x128xf32, #tpu.memory_space<vmem_shared>>
        tpu.wait_indirect_dma semaphore(%run_scoped3A : memref<!tpu.dma_semaphore, #tpu.memory_space<semaphore_mem>>) src(%arg6 : memref<128x128xf32, #tpu.memory_space<vmem>>) dst(%dma_wait3A_23 : memref<10240x128xf32, #tpu.memory_space<vmem_shared>>)
        tpu.yield
      }) : () -> ()
    }
    %scan3A_7 = arith.constant 80 : i32
    %barrier3A_8 = arith.constant 0 : index
    tpu.barrier barrier_id(%barrier3A_8)
    %mul3A_9 = arith.constant 640 : i32
    %mul3A_10 = arith.muli %arg1, %mul3A_9 : i32
    %mul3A_11 = arith.constant 640 : i32
    %mul3A_12 = arith.muli %arg1, %mul3A_11 : i32
    "tpu.region"() ({
      %run_scoped3A = tpu.sem_alloc : memref<!tpu.dma_semaphore, #tpu.memory_space<semaphore_mem>>
      %dma_start3A = arith.constant 0 : i32
      %dma_start3A_13 = tpu.memref_slice %arg5[%arg0, %mul3A_12, %dma_start3A] : memref<2x10240x128xf32, #tpu.memory_space<hbm>> -> memref<1x640x128xf32, #tpu.memory_space<hbm>>
      %dma_start3A_14 = tpu.memref_squeeze %dma_start3A_13 : memref<1x640x128xf32, #tpu.memory_space<hbm>> -> memref<640x128xf32, #tpu.memory_space<hbm>>
      %dma_start3A_15 = arith.constant 0 : i32
      %dma_start3A_16 = tpu.memref_slice %arg8[%mul3A_10, %dma_start3A_15] : memref<10240x128xf32, #tpu.memory_space<vmem_shared>> -> memref<640x128xf32, #tpu.memory_space<vmem_shared>>
      tpu.enqueue_dma source(%dma_start3A_16 : memref<640x128xf32, #tpu.memory_space<vmem_shared>>) target(%dma_start3A_14 : memref<640x128xf32, #tpu.memory_space<hbm>>) target_semaphore(%run_scoped3A : memref<!tpu.dma_semaphore, #tpu.memory_space<semaphore_mem>>)
      %dma_wait3A = arith.constant 0 : i32
      %dma_wait3A_17 = tpu.memref_slice %arg5[%arg0, %mul3A_12, %dma_wait3A] : memref<2x10240x128xf32, #tpu.memory_space<hbm>> -> memref<1x640x128xf32, #tpu.memory_space<hbm>>
      %dma_wait3A_18 = tpu.memref_squeeze %dma_wait3A_17 : memref<1x640x128xf32, #tpu.memory_space<hbm>> -> memref<640x128xf32, #tpu.memory_space<hbm>>
      %dma_wait3A_19 = arith.constant 0 : i32
      %dma_wait3A_20 = tpu.memref_slice %arg8[%mul3A_10, %dma_wait3A_19] : memref<10240x128xf32, #tpu.memory_space<vmem_shared>> -> memref<640x128xf32, #tpu.memory_space<vmem_shared>>
      tpu.wait_dma2 semaphore(%run_scoped3A : memref<!tpu.dma_semaphore, #tpu.memory_space<semaphore_mem>>) src(%dma_wait3A_20 : memref<640x128xf32, #tpu.memory_space<vmem_shared>>) dst(%dma_wait3A_18 : memref<640x128xf32, #tpu.memory_space<hbm>>)
      tpu.yield
    }) : () -> ()
    return
  }
}

#map = affine_map<(d0, d1) -> (0, 0)>
#map1 = affine_map<(d0, d1) -> (0, 0, 0)>
module attributes {stable_mosaic.version = 14 : i64} {
  func.func @_agg_body(%arg0: i32, %arg1: i32, %arg2: memref<10000x128xf32, #tpu.memory_space<hbm>>, %arg3: memref<32x80x128xi32, #tpu.memory_space<hbm>>, %arg4: memref<640x128xf32, #tpu.memory_space<hbm>>, %arg5: memref<2x10240x128xf32, #tpu.memory_space<hbm>>, %arg6: memref<80x128xi32, #tpu.memory_space<vmem>>, %arg7: memref<128xi32, #tpu.memory_space<vmem>>, %arg8: memref<128xi32, #tpu.memory_space<vmem>>, %arg9: memref<128xi32, #tpu.memory_space<vmem>>, %arg10: memref<128xi32, #tpu.memory_space<vmem>>, %arg11: memref<128x128xf32, #tpu.memory_space<vmem>>, %arg12: memref<128x128xf32, #tpu.memory_space<vmem>>, %arg13: memref<10240x128xf32, #tpu.memory_space<vmem_shared>>, %arg14: memref<!tpu.dma_semaphore, #tpu.memory_space<semaphore_mem>>, %arg15: memref<!tpu.dma_semaphore, #tpu.memory_space<semaphore_mem>>) attributes {dimension_semantics = [#tpu.dimension_semantics<core_parallel>, #tpu.dimension_semantics<subcore_parallel>], iteration_bounds = array<i64: 2, 16>, scalar_prefetch = 0 : i64, scratch_operands = 10 : i64, tpu.core_type = #tpu.core_type<sc_vector_subcore>, window_params = [{transform_indices = #map}, {transform_indices = #map1}, {transform_indices = #map}, {transform_indices = #map1}]} {
    %mul3A = arith.constant 2 : i32
    %mul3A_0 = arith.muli %arg1, %mul3A : i32
    %add3A = arith.addi %mul3A_0, %arg0 : i32
    %mul3A_1 = arith.constant 640 : i32
    %mul3A_2 = arith.muli %arg1, %mul3A_1 : i32
    "tpu.region"() ({
      %run_scoped3A = tpu.sem_alloc : memref<!tpu.dma_semaphore, #tpu.memory_space<semaphore_mem>>
      %dma_start3A_148 = arith.constant 0 : i32
      %dma_start3A_149 = tpu.memref_slice %arg13[%mul3A_2, %dma_start3A_148] : memref<10240x128xf32, #tpu.memory_space<vmem_shared>> -> memref<640x128xf32, #tpu.memory_space<vmem_shared>>
      tpu.enqueue_dma source(%arg4 : memref<640x128xf32, #tpu.memory_space<hbm>>) target(%dma_start3A_149 : memref<640x128xf32, #tpu.memory_space<vmem_shared>>) target_semaphore(%run_scoped3A : memref<!tpu.dma_semaphore, #tpu.memory_space<semaphore_mem>>)
      %dma_wait3A = arith.constant 0 : i32
      %dma_wait3A_150 = tpu.memref_slice %arg13[%mul3A_2, %dma_wait3A] : memref<10240x128xf32, #tpu.memory_space<vmem_shared>> -> memref<640x128xf32, #tpu.memory_space<vmem_shared>>
      tpu.wait_dma2 semaphore(%run_scoped3A : memref<!tpu.dma_semaphore, #tpu.memory_space<semaphore_mem>>) src(%arg4 : memref<640x128xf32, #tpu.memory_space<hbm>>) dst(%dma_wait3A_150 : memref<640x128xf32, #tpu.memory_space<vmem_shared>>)
      tpu.yield
    }) : () -> ()
    "tpu.region"() ({
      %run_scoped3A = tpu.sem_alloc : memref<!tpu.dma_semaphore, #tpu.memory_space<semaphore_mem>>
      %dma_start3A_148 = arith.constant 0 : i32
      %dma_start3A_149 = arith.constant 0 : i32
      %dma_start3A_150 = tpu.memref_slice %arg3[%add3A, %dma_start3A_148, %dma_start3A_149] : memref<32x80x128xi32, #tpu.memory_space<hbm>> -> memref<1x80x128xi32, #tpu.memory_space<hbm>>
      %dma_start3A_151 = tpu.memref_squeeze %dma_start3A_150 : memref<1x80x128xi32, #tpu.memory_space<hbm>> -> memref<80x128xi32, #tpu.memory_space<hbm>>
      %dma_start3A_152 = arith.constant 0 : i32
      %dma_start3A_153 = arith.constant 0 : i32
      %dma_start3A_154 = tpu.memref_slice %arg3[%add3A, %dma_start3A_152, %dma_start3A_153] : memref<32x80x128xi32, #tpu.memory_space<hbm>> -> memref<1x80x128xi32, #tpu.memory_space<hbm>>
      %dma_start3A_155 = tpu.memref_squeeze %dma_start3A_154 : memref<1x80x128xi32, #tpu.memory_space<hbm>> -> memref<80x128xi32, #tpu.memory_space<hbm>>
      tpu.enqueue_dma source(%dma_start3A_155 : memref<80x128xi32, #tpu.memory_space<hbm>>) target(%arg6 : memref<80x128xi32, #tpu.memory_space<vmem>>) target_semaphore(%run_scoped3A : memref<!tpu.dma_semaphore, #tpu.memory_space<semaphore_mem>>)
      %dma_wait3A = arith.constant 0 : i32
      %dma_wait3A_156 = arith.constant 0 : i32
      %dma_wait3A_157 = tpu.memref_slice %arg3[%add3A, %dma_wait3A, %dma_wait3A_156] : memref<32x80x128xi32, #tpu.memory_space<hbm>> -> memref<1x80x128xi32, #tpu.memory_space<hbm>>
      %dma_wait3A_158 = tpu.memref_squeeze %dma_wait3A_157 : memref<1x80x128xi32, #tpu.memory_space<hbm>> -> memref<80x128xi32, #tpu.memory_space<hbm>>
      %dma_wait3A_159 = arith.constant 0 : i32
      %dma_wait3A_160 = arith.constant 0 : i32
      %dma_wait3A_161 = tpu.memref_slice %arg3[%add3A, %dma_wait3A_159, %dma_wait3A_160] : memref<32x80x128xi32, #tpu.memory_space<hbm>> -> memref<1x80x128xi32, #tpu.memory_space<hbm>>
      %dma_wait3A_162 = tpu.memref_squeeze %dma_wait3A_161 : memref<1x80x128xi32, #tpu.memory_space<hbm>> -> memref<80x128xi32, #tpu.memory_space<hbm>>
      tpu.wait_dma2 semaphore(%run_scoped3A : memref<!tpu.dma_semaphore, #tpu.memory_space<semaphore_mem>>) src(%dma_wait3A_162 : memref<80x128xi32, #tpu.memory_space<hbm>>) dst(%arg6 : memref<80x128xi32, #tpu.memory_space<vmem>>)
      tpu.yield
    }) : () -> ()
    %barrier3A = arith.constant 0 : index
    tpu.barrier barrier_id(%barrier3A)
    %broadcast_in_dim3A = arith.constant 65535 : i32
    %broadcast_in_dim3A_3 = vector.broadcast %broadcast_in_dim3A : i32 to vector<16xi32>
    %get3A = arith.constant 0 : i32
    %get3A_4 = arith.index_cast %get3A : i32 to index
    %get3A_5 = arith.constant 0 : index
    %get3A_6 = tpu.vector_load %arg6[%get3A_4, %get3A_5] {strides = array<i32>} : memref<80x128xi32, #tpu.memory_space<vmem>>, vector<1x16xi32>,
    %get3A_7 = vector.shape_cast %get3A_6 : vector<1x16xi32> to vector<16xi32>
    %and3A = arith.andi %get3A_7, %broadcast_in_dim3A_3 : vector<16xi32>
    %swap3A = arith.constant 0 : index
    %swap3A_8 = tpu.vector_load %arg7[%swap3A] {strides = array<i32>} : memref<128xi32, #tpu.memory_space<vmem>>, vector<16xi32>,
    %swap3A_9 = vector.shape_cast %swap3A_8 : vector<16xi32> to vector<16xi32>
    %swap3A_10 = vector.shape_cast %and3A : vector<16xi32> to vector<16xi32>
    tpu.vector_store %arg7[%swap3A], %swap3A_10 {strides = array<i32>} : memref<128xi32, #tpu.memory_space<vmem>>, vector<16xi32>,
    %shift_right_logical3A = arith.constant 16 : i32
    %shift_right_logical3A_11 = vector.broadcast %shift_right_logical3A : i32 to vector<16xi32>
    %shift_right_logical3A_12 = arith.shrui %get3A_7, %shift_right_logical3A_11 : vector<16xi32>
    %swap3A_13 = arith.constant 0 : index
    %swap3A_14 = tpu.vector_load %arg8[%swap3A_13] {strides = array<i32>} : memref<128xi32, #tpu.memory_space<vmem>>, vector<16xi32>,
    %swap3A_15 = vector.shape_cast %swap3A_14 : vector<16xi32> to vector<16xi32>
    %swap3A_16 = vector.shape_cast %shift_right_logical3A_12 : vector<16xi32> to vector<16xi32>
    tpu.vector_store %arg8[%swap3A_13], %swap3A_16 {strides = array<i32>} : memref<128xi32, #tpu.memory_space<vmem>>, vector<16xi32>,
    %get3A_17 = arith.constant 0 : i32
    %get3A_18 = arith.index_cast %get3A_17 : i32 to index
    %get3A_19 = arith.constant 16 : index
    %get3A_20 = tpu.vector_load %arg6[%get3A_18, %get3A_19] {strides = array<i32>} : memref<80x128xi32, #tpu.memory_space<vmem>>, vector<1x16xi32>,
    %get3A_21 = vector.shape_cast %get3A_20 : vector<1x16xi32> to vector<16xi32>
    %and3A_22 = arith.andi %get3A_21, %broadcast_in_dim3A_3 : vector<16xi32>
    %swap3A_23 = arith.constant 16 : index
    %swap3A_24 = tpu.vector_load %arg7[%swap3A_23] {strides = array<i32>} : memref<128xi32, #tpu.memory_space<vmem>>, vector<16xi32>,
    %swap3A_25 = vector.shape_cast %swap3A_24 : vector<16xi32> to vector<16xi32>
    %swap3A_26 = vector.shape_cast %and3A_22 : vector<16xi32> to vector<16xi32>
    tpu.vector_store %arg7[%swap3A_23], %swap3A_26 {strides = array<i32>} : memref<128xi32, #tpu.memory_space<vmem>>, vector<16xi32>,
    %shift_right_logical3A_27 = arith.constant 16 : i32
    %shift_right_logical3A_28 = vector.broadcast %shift_right_logical3A_27 : i32 to vector<16xi32>
    %shift_right_logical3A_29 = arith.shrui %get3A_21, %shift_right_logical3A_28 : vector<16xi32>
    %swap3A_30 = arith.constant 16 : index
    %swap3A_31 = tpu.vector_load %arg8[%swap3A_30] {strides = array<i32>} : memref<128xi32, #tpu.memory_space<vmem>>, vector<16xi32>,
    %swap3A_32 = vector.shape_cast %swap3A_31 : vector<16xi32> to vector<16xi32>
    %swap3A_33 = vector.shape_cast %shift_right_logical3A_29 : vector<16xi32> to vector<16xi32>
    tpu.vector_store %arg8[%swap3A_30], %swap3A_33 {strides = array<i32>} : memref<128xi32, #tpu.memory_space<vmem>>, vector<16xi32>,
    %get3A_34 = arith.constant 0 : i32
    %get3A_35 = arith.index_cast %get3A_34 : i32 to index
    %get3A_36 = arith.constant 32 : index
    %get3A_37 = tpu.vector_load %arg6[%get3A_35, %get3A_36] {strides = array<i32>} : memref<80x128xi32, #tpu.memory_space<vmem>>, vector<1x16xi32>,
    %get3A_38 = vector.shape_cast %get3A_37 : vector<1x16xi32> to vector<16xi32>
    %and3A_39 = arith.andi %get3A_38, %broadcast_in_dim3A_3 : vector<16xi32>
    %swap3A_40 = arith.constant 32 : index
    %swap3A_41 = tpu.vector_load %arg7[%swap3A_40] {strides = array<i32>} : memref<128xi32, #tpu.memory_space<vmem>>, vector<16xi32>,
    %swap3A_42 = vector.shape_cast %swap3A_41 : vector<16xi32> to vector<16xi32>
    %swap3A_43 = vector.shape_cast %and3A_39 : vector<16xi32> to vector<16xi32>
    tpu.vector_store %arg7[%swap3A_40], %swap3A_43 {strides = array<i32>} : memref<128xi32, #tpu.memory_space<vmem>>, vector<16xi32>,
    %shift_right_logical3A_44 = arith.constant 16 : i32
    %shift_right_logical3A_45 = vector.broadcast %shift_right_logical3A_44 : i32 to vector<16xi32>
    %shift_right_logical3A_46 = arith.shrui %get3A_38, %shift_right_logical3A_45 : vector<16xi32>
    %swap3A_47 = arith.constant 32 : index
    %swap3A_48 = tpu.vector_load %arg8[%swap3A_47] {strides = array<i32>} : memref<128xi32, #tpu.memory_space<vmem>>, vector<16xi32>,
    %swap3A_49 = vector.shape_cast %swap3A_48 : vector<16xi32> to vector<16xi32>
    %swap3A_50 = vector.shape_cast %shift_right_logical3A_46 : vector<16xi32> to vector<16xi32>
    tpu.vector_store %arg8[%swap3A_47], %swap3A_50 {strides = array<i32>} : memref<128xi32, #tpu.memory_space<vmem>>, vector<16xi32>,
    %get3A_51 = arith.constant 0 : i32
    %get3A_52 = arith.index_cast %get3A_51 : i32 to index
    %get3A_53 = arith.constant 48 : index
    %get3A_54 = tpu.vector_load %arg6[%get3A_52, %get3A_53] {strides = array<i32>} : memref<80x128xi32, #tpu.memory_space<vmem>>, vector<1x16xi32>,
    %get3A_55 = vector.shape_cast %get3A_54 : vector<1x16xi32> to vector<16xi32>
    %and3A_56 = arith.andi %get3A_55, %broadcast_in_dim3A_3 : vector<16xi32>
    %swap3A_57 = arith.constant 48 : index
    %swap3A_58 = tpu.vector_load %arg7[%swap3A_57] {strides = array<i32>} : memref<128xi32, #tpu.memory_space<vmem>>, vector<16xi32>,
    %swap3A_59 = vector.shape_cast %swap3A_58 : vector<16xi32> to vector<16xi32>
    %swap3A_60 = vector.shape_cast %and3A_56 : vector<16xi32> to vector<16xi32>
    tpu.vector_store %arg7[%swap3A_57], %swap3A_60 {strides = array<i32>} : memref<128xi32, #tpu.memory_space<vmem>>, vector<16xi32>,
    %shift_right_logical3A_61 = arith.constant 16 : i32
    %shift_right_logical3A_62 = vector.broadcast %shift_right_logical3A_61 : i32 to vector<16xi32>
    %shift_right_logical3A_63 = arith.shrui %get3A_55, %shift_right_logical3A_62 : vector<16xi32>
    %swap3A_64 = arith.constant 48 : index
    %swap3A_65 = tpu.vector_load %arg8[%swap3A_64] {strides = array<i32>} : memref<128xi32, #tpu.memory_space<vmem>>, vector<16xi32>,
    %swap3A_66 = vector.shape_cast %swap3A_65 : vector<16xi32> to vector<16xi32>
    %swap3A_67 = vector.shape_cast %shift_right_logical3A_63 : vector<16xi32> to vector<16xi32>
    tpu.vector_store %arg8[%swap3A_64], %swap3A_67 {strides = array<i32>} : memref<128xi32, #tpu.memory_space<vmem>>, vector<16xi32>,
    %get3A_68 = arith.constant 0 : i32
    %get3A_69 = arith.index_cast %get3A_68 : i32 to index
    %get3A_70 = arith.constant 64 : index
    %get3A_71 = tpu.vector_load %arg6[%get3A_69, %get3A_70] {strides = array<i32>} : memref<80x128xi32, #tpu.memory_space<vmem>>, vector<1x16xi32>,
    %get3A_72 = vector.shape_cast %get3A_71 : vector<1x16xi32> to vector<16xi32>
    %and3A_73 = arith.andi %get3A_72, %broadcast_in_dim3A_3 : vector<16xi32>
    %swap3A_74 = arith.constant 64 : index
    %swap3A_75 = tpu.vector_load %arg7[%swap3A_74] {strides = array<i32>} : memref<128xi32, #tpu.memory_space<vmem>>, vector<16xi32>,
    %swap3A_76 = vector.shape_cast %swap3A_75 : vector<16xi32> to vector<16xi32>
    %swap3A_77 = vector.shape_cast %and3A_73 : vector<16xi32> to vector<16xi32>
    tpu.vector_store %arg7[%swap3A_74], %swap3A_77 {strides = array<i32>} : memref<128xi32, #tpu.memory_space<vmem>>, vector<16xi32>,
    %shift_right_logical3A_78 = arith.constant 16 : i32
    %shift_right_logical3A_79 = vector.broadcast %shift_right_logical3A_78 : i32 to vector<16xi32>
    %shift_right_logical3A_80 = arith.shrui %get3A_72, %shift_right_logical3A_79 : vector<16xi32>
    %swap3A_81 = arith.constant 64 : index
    %swap3A_82 = tpu.vector_load %arg8[%swap3A_81] {strides = array<i32>} : memref<128xi32, #tpu.memory_space<vmem>>, vector<16xi32>,
    %swap3A_83 = vector.shape_cast %swap3A_82 : vector<16xi32> to vector<16xi32>
    %swap3A_84 = vector.shape_cast %shift_right_logical3A_80 : vector<16xi32> to vector<16xi32>
    tpu.vector_store %arg8[%swap3A_81], %swap3A_84 {strides = array<i32>} : memref<128xi32, #tpu.memory_space<vmem>>, vector<16xi32>,
    %get3A_85 = arith.constant 0 : i32
    %get3A_86 = arith.index_cast %get3A_85 : i32 to index
    %get3A_87 = arith.constant 80 : index
    %get3A_88 = tpu.vector_load %arg6[%get3A_86, %get3A_87] {strides = array<i32>} : memref<80x128xi32, #tpu.memory_space<vmem>>, vector<1x16xi32>,
    %get3A_89 = vector.shape_cast %get3A_88 : vector<1x16xi32> to vector<16xi32>
    %and3A_90 = arith.andi %get3A_89, %broadcast_in_dim3A_3 : vector<16xi32>
    %swap3A_91 = arith.constant 80 : index
    %swap3A_92 = tpu.vector_load %arg7[%swap3A_91] {strides = array<i32>} : memref<128xi32, #tpu.memory_space<vmem>>, vector<16xi32>,
    %swap3A_93 = vector.shape_cast %swap3A_92 : vector<16xi32> to vector<16xi32>
    %swap3A_94 = vector.shape_cast %and3A_90 : vector<16xi32> to vector<16xi32>
    tpu.vector_store %arg7[%swap3A_91], %swap3A_94 {strides = array<i32>} : memref<128xi32, #tpu.memory_space<vmem>>, vector<16xi32>,
    %shift_right_logical3A_95 = arith.constant 16 : i32
    %shift_right_logical3A_96 = vector.broadcast %shift_right_logical3A_95 : i32 to vector<16xi32>
    %shift_right_logical3A_97 = arith.shrui %get3A_89, %shift_right_logical3A_96 : vector<16xi32>
    %swap3A_98 = arith.constant 80 : index
    %swap3A_99 = tpu.vector_load %arg8[%swap3A_98] {strides = array<i32>} : memref<128xi32, #tpu.memory_space<vmem>>, vector<16xi32>,
    %swap3A_100 = vector.shape_cast %swap3A_99 : vector<16xi32> to vector<16xi32>
    %swap3A_101 = vector.shape_cast %shift_right_logical3A_97 : vector<16xi32> to vector<16xi32>
    tpu.vector_store %arg8[%swap3A_98], %swap3A_101 {strides = array<i32>} : memref<128xi32, #tpu.memory_space<vmem>>, vector<16xi32>,
    %get3A_102 = arith.constant 0 : i32
    %get3A_103 = arith.index_cast %get3A_102 : i32 to index
    %get3A_104 = arith.constant 96 : index
    %get3A_105 = tpu.vector_load %arg6[%get3A_103, %get3A_104] {strides = array<i32>} : memref<80x128xi32, #tpu.memory_space<vmem>>, vector<1x16xi32>,
    %get3A_106 = vector.shape_cast %get3A_105 : vector<1x16xi32> to vector<16xi32>
    %and3A_107 = arith.andi %get3A_106, %broadcast_in_dim3A_3 : vector<16xi32>
    %swap3A_108 = arith.constant 96 : index
    %swap3A_109 = tpu.vector_load %arg7[%swap3A_108] {strides = array<i32>} : memref<128xi32, #tpu.memory_space<vmem>>, vector<16xi32>,
    %swap3A_110 = vector.shape_cast %swap3A_109 : vector<16xi32> to vector<16xi32>
    %swap3A_111 = vector.shape_cast %and3A_107 : vector<16xi32> to vector<16xi32>
    tpu.vector_store %arg7[%swap3A_108], %swap3A_111 {strides = array<i32>} : memref<128xi32, #tpu.memory_space<vmem>>, vector<16xi32>,
    %shift_right_logical3A_112 = arith.constant 16 : i32
    %shift_right_logical3A_113 = vector.broadcast %shift_right_logical3A_112 : i32 to vector<16xi32>
    %shift_right_logical3A_114 = arith.shrui %get3A_106, %shift_right_logical3A_113 : vector<16xi32>
    %swap3A_115 = arith.constant 96 : index
    %swap3A_116 = tpu.vector_load %arg8[%swap3A_115] {strides = array<i32>} : memref<128xi32, #tpu.memory_space<vmem>>, vector<16xi32>,
    %swap3A_117 = vector.shape_cast %swap3A_116 : vector<16xi32> to vector<16xi32>
    %swap3A_118 = vector.shape_cast %shift_right_logical3A_114 : vector<16xi32> to vector<16xi32>
    tpu.vector_store %arg8[%swap3A_115], %swap3A_118 {strides = array<i32>} : memref<128xi32, #tpu.memory_space<vmem>>, vector<16xi32>,
    %get3A_119 = arith.constant 0 : i32
    %get3A_120 = arith.index_cast %get3A_119 : i32 to index
    %get3A_121 = arith.constant 112 : index
    %get3A_122 = tpu.vector_load %arg6[%get3A_120, %get3A_121] {strides = array<i32>} : memref<80x128xi32, #tpu.memory_space<vmem>>, vector<1x16xi32>,
    %get3A_123 = vector.shape_cast %get3A_122 : vector<1x16xi32> to vector<16xi32>
    %and3A_124 = arith.andi %get3A_123, %broadcast_in_dim3A_3 : vector<16xi32>
    %swap3A_125 = arith.constant 112 : index
    %swap3A_126 = tpu.vector_load %arg7[%swap3A_125] {strides = array<i32>} : memref<128xi32, #tpu.memory_space<vmem>>, vector<16xi32>,
    %swap3A_127 = vector.shape_cast %swap3A_126 : vector<16xi32> to vector<16xi32>
    %swap3A_128 = vector.shape_cast %and3A_124 : vector<16xi32> to vector<16xi32>
    tpu.vector_store %arg7[%swap3A_125], %swap3A_128 {strides = array<i32>} : memref<128xi32, #tpu.memory_space<vmem>>, vector<16xi32>,
    %shift_right_logical3A_129 = arith.constant 16 : i32
    %shift_right_logical3A_130 = vector.broadcast %shift_right_logical3A_129 : i32 to vector<16xi32>
    %shift_right_logical3A_131 = arith.shrui %get3A_123, %shift_right_logical3A_130 : vector<16xi32>
    %swap3A_132 = arith.constant 112 : index
    %swap3A_133 = tpu.vector_load %arg8[%swap3A_132] {strides = array<i32>} : memref<128xi32, #tpu.memory_space<vmem>>, vector<16xi32>,
    %swap3A_134 = vector.shape_cast %swap3A_133 : vector<16xi32> to vector<16xi32>
    %swap3A_135 = vector.shape_cast %shift_right_logical3A_131 : vector<16xi32> to vector<16xi32>
    tpu.vector_store %arg8[%swap3A_132], %swap3A_135 {strides = array<i32>} : memref<128xi32, #tpu.memory_space<vmem>>, vector<16xi32>,
    %dma_start3A = arith.constant 0 : i32
    %dma_start3A_136 = arith.constant 0 : i32
    %dma_start3A_137 = tpu.memref_slice %arg2[%dma_start3A, %dma_start3A_136] : memref<10000x128xf32, #tpu.memory_space<hbm>> -> memref<10000x128xf32, #tpu.memory_space<hbm>>
    tpu.enqueue_indirect_dma source(%dma_start3A_137 : memref<10000x128xf32, #tpu.memory_space<hbm>>) target(%arg11 : memref<128x128xf32, #tpu.memory_space<vmem>>) offsets(%arg7 : memref<128xi32, #tpu.memory_space<vmem>>) semaphore(%arg14 : memref<!tpu.dma_semaphore, #tpu.memory_space<semaphore_mem>>)
    %scan3A = arith.constant 0 : i32
    %scan3A_138 = arith.constant 0 : i32
    %scan3A_139 = arith.constant 40 : i32
    %scan3A_140 = arith.addi %scan3A_138, %scan3A_139 : i32
    %scan3A_141 = arith.constant 1 : i32
    scf.for %scan3A_148 = %scan3A_138 to %scan3A_140 step %scan3A_141  : i32 {
      %mul3A_149 = arith.constant 2 : i32
      %mul3A_150 = arith.muli %mul3A_149, %scan3A_148 : i32
      %add3A_151 = arith.constant 1 : i32
      %add3A_152 = arith.addi %mul3A_150, %add3A_151 : i32
      %get3A_153 = arith.index_cast %add3A_152 : i32 to index
      %get3A_154 = arith.constant 0 : index
      %get3A_155 = tpu.vector_load %arg6[%get3A_153, %get3A_154] {strides = array<i32>} : memref<80x128xi32, #tpu.memory_space<vmem>>, vector<1x16xi32>,
      %get3A_156 = vector.shape_cast %get3A_155 : vector<1x16xi32> to vector<16xi32>
      %and3A_157 = arith.andi %get3A_156, %broadcast_in_dim3A_3 : vector<16xi32>
      %swap3A_158 = arith.constant 0 : index
      %swap3A_159 = tpu.vector_load %arg9[%swap3A_158] {strides = array<i32>} : memref<128xi32, #tpu.memory_space<vmem>>, vector<16xi32>,
      %swap3A_160 = vector.shape_cast %swap3A_159 : vector<16xi32> to vector<16xi32>
      %swap3A_161 = vector.shape_cast %and3A_157 : vector<16xi32> to vector<16xi32>
      tpu.vector_store %arg9[%swap3A_158], %swap3A_161 {strides = array<i32>} : memref<128xi32, #tpu.memory_space<vmem>>, vector<16xi32>,
      %shift_right_logical3A_162 = arith.constant 16 : i32
      %shift_right_logical3A_163 = vector.broadcast %shift_right_logical3A_162 : i32 to vector<16xi32>
      %shift_right_logical3A_164 = arith.shrui %get3A_156, %shift_right_logical3A_163 : vector<16xi32>
      %swap3A_165 = arith.constant 0 : index
      %swap3A_166 = tpu.vector_load %arg10[%swap3A_165] {strides = array<i32>} : memref<128xi32, #tpu.memory_space<vmem>>, vector<16xi32>,
      %swap3A_167 = vector.shape_cast %swap3A_166 : vector<16xi32> to vector<16xi32>
      %swap3A_168 = vector.shape_cast %shift_right_logical3A_164 : vector<16xi32> to vector<16xi32>
      tpu.vector_store %arg10[%swap3A_165], %swap3A_168 {strides = array<i32>} : memref<128xi32, #tpu.memory_space<vmem>>, vector<16xi32>,
      %get3A_169 = arith.index_cast %add3A_152 : i32 to index
      %get3A_170 = arith.constant 16 : index
      %get3A_171 = tpu.vector_load %arg6[%get3A_169, %get3A_170] {strides = array<i32>} : memref<80x128xi32, #tpu.memory_space<vmem>>, vector<1x16xi32>,
      %get3A_172 = vector.shape_cast %get3A_171 : vector<1x16xi32> to vector<16xi32>
      %and3A_173 = arith.andi %get3A_172, %broadcast_in_dim3A_3 : vector<16xi32>
      %swap3A_174 = arith.constant 16 : index
      %swap3A_175 = tpu.vector_load %arg9[%swap3A_174] {strides = array<i32>} : memref<128xi32, #tpu.memory_space<vmem>>, vector<16xi32>,
      %swap3A_176 = vector.shape_cast %swap3A_175 : vector<16xi32> to vector<16xi32>
      %swap3A_177 = vector.shape_cast %and3A_173 : vector<16xi32> to vector<16xi32>
      tpu.vector_store %arg9[%swap3A_174], %swap3A_177 {strides = array<i32>} : memref<128xi32, #tpu.memory_space<vmem>>, vector<16xi32>,
      %shift_right_logical3A_178 = arith.constant 16 : i32
      %shift_right_logical3A_179 = vector.broadcast %shift_right_logical3A_178 : i32 to vector<16xi32>
      %shift_right_logical3A_180 = arith.shrui %get3A_172, %shift_right_logical3A_179 : vector<16xi32>
      %swap3A_181 = arith.constant 16 : index
      %swap3A_182 = tpu.vector_load %arg10[%swap3A_181] {strides = array<i32>} : memref<128xi32, #tpu.memory_space<vmem>>, vector<16xi32>,
      %swap3A_183 = vector.shape_cast %swap3A_182 : vector<16xi32> to vector<16xi32>
      %swap3A_184 = vector.shape_cast %shift_right_logical3A_180 : vector<16xi32> to vector<16xi32>
      tpu.vector_store %arg10[%swap3A_181], %swap3A_184 {strides = array<i32>} : memref<128xi32, #tpu.memory_space<vmem>>, vector<16xi32>,
      %get3A_185 = arith.index_cast %add3A_152 : i32 to index
      %get3A_186 = arith.constant 32 : index
      %get3A_187 = tpu.vector_load %arg6[%get3A_185, %get3A_186] {strides = array<i32>} : memref<80x128xi32, #tpu.memory_space<vmem>>, vector<1x16xi32>,
      %get3A_188 = vector.shape_cast %get3A_187 : vector<1x16xi32> to vector<16xi32>
      %and3A_189 = arith.andi %get3A_188, %broadcast_in_dim3A_3 : vector<16xi32>
      %swap3A_190 = arith.constant 32 : index
      %swap3A_191 = tpu.vector_load %arg9[%swap3A_190] {strides = array<i32>} : memref<128xi32, #tpu.memory_space<vmem>>, vector<16xi32>,
      %swap3A_192 = vector.shape_cast %swap3A_191 : vector<16xi32> to vector<16xi32>
      %swap3A_193 = vector.shape_cast %and3A_189 : vector<16xi32> to vector<16xi32>
      tpu.vector_store %arg9[%swap3A_190], %swap3A_193 {strides = array<i32>} : memref<128xi32, #tpu.memory_space<vmem>>, vector<16xi32>,
      %shift_right_logical3A_194 = arith.constant 16 : i32
      %shift_right_logical3A_195 = vector.broadcast %shift_right_logical3A_194 : i32 to vector<16xi32>
      %shift_right_logical3A_196 = arith.shrui %get3A_188, %shift_right_logical3A_195 : vector<16xi32>
      %swap3A_197 = arith.constant 32 : index
      %swap3A_198 = tpu.vector_load %arg10[%swap3A_197] {strides = array<i32>} : memref<128xi32, #tpu.memory_space<vmem>>, vector<16xi32>,
      %swap3A_199 = vector.shape_cast %swap3A_198 : vector<16xi32> to vector<16xi32>
      %swap3A_200 = vector.shape_cast %shift_right_logical3A_196 : vector<16xi32> to vector<16xi32>
      tpu.vector_store %arg10[%swap3A_197], %swap3A_200 {strides = array<i32>} : memref<128xi32, #tpu.memory_space<vmem>>, vector<16xi32>,
      %get3A_201 = arith.index_cast %add3A_152 : i32 to index
      %get3A_202 = arith.constant 48 : index
      %get3A_203 = tpu.vector_load %arg6[%get3A_201, %get3A_202] {strides = array<i32>} : memref<80x128xi32, #tpu.memory_space<vmem>>, vector<1x16xi32>,
      %get3A_204 = vector.shape_cast %get3A_203 : vector<1x16xi32> to vector<16xi32>
      %and3A_205 = arith.andi %get3A_204, %broadcast_in_dim3A_3 : vector<16xi32>
      %swap3A_206 = arith.constant 48 : index
      %swap3A_207 = tpu.vector_load %arg9[%swap3A_206] {strides = array<i32>} : memref<128xi32, #tpu.memory_space<vmem>>, vector<16xi32>,
      %swap3A_208 = vector.shape_cast %swap3A_207 : vector<16xi32> to vector<16xi32>
      %swap3A_209 = vector.shape_cast %and3A_205 : vector<16xi32> to vector<16xi32>
      tpu.vector_store %arg9[%swap3A_206], %swap3A_209 {strides = array<i32>} : memref<128xi32, #tpu.memory_space<vmem>>, vector<16xi32>,
      %shift_right_logical3A_210 = arith.constant 16 : i32
      %shift_right_logical3A_211 = vector.broadcast %shift_right_logical3A_210 : i32 to vector<16xi32>
      %shift_right_logical3A_212 = arith.shrui %get3A_204, %shift_right_logical3A_211 : vector<16xi32>
      %swap3A_213 = arith.constant 48 : index
      %swap3A_214 = tpu.vector_load %arg10[%swap3A_213] {strides = array<i32>} : memref<128xi32, #tpu.memory_space<vmem>>, vector<16xi32>,
      %swap3A_215 = vector.shape_cast %swap3A_214 : vector<16xi32> to vector<16xi32>
      %swap3A_216 = vector.shape_cast %shift_right_logical3A_212 : vector<16xi32> to vector<16xi32>
      tpu.vector_store %arg10[%swap3A_213], %swap3A_216 {strides = array<i32>} : memref<128xi32, #tpu.memory_space<vmem>>, vector<16xi32>,
      %get3A_217 = arith.index_cast %add3A_152 : i32 to index
      %get3A_218 = arith.constant 64 : index
      %get3A_219 = tpu.vector_load %arg6[%get3A_217, %get3A_218] {strides = array<i32>} : memref<80x128xi32, #tpu.memory_space<vmem>>, vector<1x16xi32>,
      %get3A_220 = vector.shape_cast %get3A_219 : vector<1x16xi32> to vector<16xi32>
      %and3A_221 = arith.andi %get3A_220, %broadcast_in_dim3A_3 : vector<16xi32>
      %swap3A_222 = arith.constant 64 : index
      %swap3A_223 = tpu.vector_load %arg9[%swap3A_222] {strides = array<i32>} : memref<128xi32, #tpu.memory_space<vmem>>, vector<16xi32>,
      %swap3A_224 = vector.shape_cast %swap3A_223 : vector<16xi32> to vector<16xi32>
      %swap3A_225 = vector.shape_cast %and3A_221 : vector<16xi32> to vector<16xi32>
      tpu.vector_store %arg9[%swap3A_222], %swap3A_225 {strides = array<i32>} : memref<128xi32, #tpu.memory_space<vmem>>, vector<16xi32>,
      %shift_right_logical3A_226 = arith.constant 16 : i32
      %shift_right_logical3A_227 = vector.broadcast %shift_right_logical3A_226 : i32 to vector<16xi32>
      %shift_right_logical3A_228 = arith.shrui %get3A_220, %shift_right_logical3A_227 : vector<16xi32>
      %swap3A_229 = arith.constant 64 : index
      %swap3A_230 = tpu.vector_load %arg10[%swap3A_229] {strides = array<i32>} : memref<128xi32, #tpu.memory_space<vmem>>, vector<16xi32>,
      %swap3A_231 = vector.shape_cast %swap3A_230 : vector<16xi32> to vector<16xi32>
      %swap3A_232 = vector.shape_cast %shift_right_logical3A_228 : vector<16xi32> to vector<16xi32>
      tpu.vector_store %arg10[%swap3A_229], %swap3A_232 {strides = array<i32>} : memref<128xi32, #tpu.memory_space<vmem>>, vector<16xi32>,
      %get3A_233 = arith.index_cast %add3A_152 : i32 to index
      %get3A_234 = arith.constant 80 : index
      %get3A_235 = tpu.vector_load %arg6[%get3A_233, %get3A_234] {strides = array<i32>} : memref<80x128xi32, #tpu.memory_space<vmem>>, vector<1x16xi32>,
      %get3A_236 = vector.shape_cast %get3A_235 : vector<1x16xi32> to vector<16xi32>
      %and3A_237 = arith.andi %get3A_236, %broadcast_in_dim3A_3 : vector<16xi32>
      %swap3A_238 = arith.constant 80 : index
      %swap3A_239 = tpu.vector_load %arg9[%swap3A_238] {strides = array<i32>} : memref<128xi32, #tpu.memory_space<vmem>>, vector<16xi32>,
      %swap3A_240 = vector.shape_cast %swap3A_239 : vector<16xi32> to vector<16xi32>
      %swap3A_241 = vector.shape_cast %and3A_237 : vector<16xi32> to vector<16xi32>
      tpu.vector_store %arg9[%swap3A_238], %swap3A_241 {strides = array<i32>} : memref<128xi32, #tpu.memory_space<vmem>>, vector<16xi32>,
      %shift_right_logical3A_242 = arith.constant 16 : i32
      %shift_right_logical3A_243 = vector.broadcast %shift_right_logical3A_242 : i32 to vector<16xi32>
      %shift_right_logical3A_244 = arith.shrui %get3A_236, %shift_right_logical3A_243 : vector<16xi32>
      %swap3A_245 = arith.constant 80 : index
      %swap3A_246 = tpu.vector_load %arg10[%swap3A_245] {strides = array<i32>} : memref<128xi32, #tpu.memory_space<vmem>>, vector<16xi32>,
      %swap3A_247 = vector.shape_cast %swap3A_246 : vector<16xi32> to vector<16xi32>
      %swap3A_248 = vector.shape_cast %shift_right_logical3A_244 : vector<16xi32> to vector<16xi32>
      tpu.vector_store %arg10[%swap3A_245], %swap3A_248 {strides = array<i32>} : memref<128xi32, #tpu.memory_space<vmem>>, vector<16xi32>,
      %get3A_249 = arith.index_cast %add3A_152 : i32 to index
      %get3A_250 = arith.constant 96 : index
      %get3A_251 = tpu.vector_load %arg6[%get3A_249, %get3A_250] {strides = array<i32>} : memref<80x128xi32, #tpu.memory_space<vmem>>, vector<1x16xi32>,
      %get3A_252 = vector.shape_cast %get3A_251 : vector<1x16xi32> to vector<16xi32>
      %and3A_253 = arith.andi %get3A_252, %broadcast_in_dim3A_3 : vector<16xi32>
      %swap3A_254 = arith.constant 96 : index
      %swap3A_255 = tpu.vector_load %arg9[%swap3A_254] {strides = array<i32>} : memref<128xi32, #tpu.memory_space<vmem>>, vector<16xi32>,
      %swap3A_256 = vector.shape_cast %swap3A_255 : vector<16xi32> to vector<16xi32>
      %swap3A_257 = vector.shape_cast %and3A_253 : vector<16xi32> to vector<16xi32>
      tpu.vector_store %arg9[%swap3A_254], %swap3A_257 {strides = array<i32>} : memref<128xi32, #tpu.memory_space<vmem>>, vector<16xi32>,
      %shift_right_logical3A_258 = arith.constant 16 : i32
      %shift_right_logical3A_259 = vector.broadcast %shift_right_logical3A_258 : i32 to vector<16xi32>
      %shift_right_logical3A_260 = arith.shrui %get3A_252, %shift_right_logical3A_259 : vector<16xi32>
      %swap3A_261 = arith.constant 96 : index
      %swap3A_262 = tpu.vector_load %arg10[%swap3A_261] {strides = array<i32>} : memref<128xi32, #tpu.memory_space<vmem>>, vector<16xi32>,
      %swap3A_263 = vector.shape_cast %swap3A_262 : vector<16xi32> to vector<16xi32>
      %swap3A_264 = vector.shape_cast %shift_right_logical3A_260 : vector<16xi32> to vector<16xi32>
      tpu.vector_store %arg10[%swap3A_261], %swap3A_264 {strides = array<i32>} : memref<128xi32, #tpu.memory_space<vmem>>, vector<16xi32>,
      %get3A_265 = arith.index_cast %add3A_152 : i32 to index
      %get3A_266 = arith.constant 112 : index
      %get3A_267 = tpu.vector_load %arg6[%get3A_265, %get3A_266] {strides = array<i32>} : memref<80x128xi32, #tpu.memory_space<vmem>>, vector<1x16xi32>,
      %get3A_268 = vector.shape_cast %get3A_267 : vector<1x16xi32> to vector<16xi32>
      %and3A_269 = arith.andi %get3A_268, %broadcast_in_dim3A_3 : vector<16xi32>
      %swap3A_270 = arith.constant 112 : index
      %swap3A_271 = tpu.vector_load %arg9[%swap3A_270] {strides = array<i32>} : memref<128xi32, #tpu.memory_space<vmem>>, vector<16xi32>,
      %swap3A_272 = vector.shape_cast %swap3A_271 : vector<16xi32> to vector<16xi32>
      %swap3A_273 = vector.shape_cast %and3A_269 : vector<16xi32> to vector<16xi32>
      tpu.vector_store %arg9[%swap3A_270], %swap3A_273 {strides = array<i32>} : memref<128xi32, #tpu.memory_space<vmem>>, vector<16xi32>,
      %shift_right_logical3A_274 = arith.constant 16 : i32
      %shift_right_logical3A_275 = vector.broadcast %shift_right_logical3A_274 : i32 to vector<16xi32>
      %shift_right_logical3A_276 = arith.shrui %get3A_268, %shift_right_logical3A_275 : vector<16xi32>
      %swap3A_277 = arith.constant 112 : index
      %swap3A_278 = tpu.vector_load %arg10[%swap3A_277] {strides = array<i32>} : memref<128xi32, #tpu.memory_space<vmem>>, vector<16xi32>,
      %swap3A_279 = vector.shape_cast %swap3A_278 : vector<16xi32> to vector<16xi32>
      %swap3A_280 = vector.shape_cast %shift_right_logical3A_276 : vector<16xi32> to vector<16xi32>
      tpu.vector_store %arg10[%swap3A_277], %swap3A_280 {strides = array<i32>} : memref<128xi32, #tpu.memory_space<vmem>>, vector<16xi32>,
      %dma_start3A_281 = arith.constant 0 : i32
      %dma_start3A_282 = arith.constant 0 : i32
      %dma_start3A_283 = tpu.memref_slice %arg2[%dma_start3A_281, %dma_start3A_282] : memref<10000x128xf32, #tpu.memory_space<hbm>> -> memref<10000x128xf32, #tpu.memory_space<hbm>>
      tpu.enqueue_indirect_dma source(%dma_start3A_283 : memref<10000x128xf32, #tpu.memory_space<hbm>>) target(%arg12 : memref<128x128xf32, #tpu.memory_space<vmem>>) offsets(%arg9 : memref<128xi32, #tpu.memory_space<vmem>>) semaphore(%arg15 : memref<!tpu.dma_semaphore, #tpu.memory_space<semaphore_mem>>)
      %dma_wait3A = arith.constant 0 : i32
      %dma_wait3A_284 = arith.constant 0 : i32
      %dma_wait3A_285 = tpu.memref_slice %arg2[%dma_wait3A, %dma_wait3A_284] : memref<10000x128xf32, #tpu.memory_space<hbm>> -> memref<10000x128xf32, #tpu.memory_space<hbm>>
      tpu.wait_indirect_dma semaphore(%arg14 : memref<!tpu.dma_semaphore, #tpu.memory_space<semaphore_mem>>) src(%dma_wait3A_285 : memref<10000x128xf32, #tpu.memory_space<hbm>>) dst(%arg11 : memref<128x128xf32, #tpu.memory_space<vmem>>)
      "tpu.region"() ({
        %run_scoped3A = tpu.sem_alloc : memref<!tpu.dma_semaphore, #tpu.memory_space<semaphore_mem>>
        %dma_start3A_293 = arith.constant 0 : i32
        %dma_start3A_294 = arith.constant 0 : i32
        %dma_start3A_295 = tpu.memref_slice %arg13[%dma_start3A_293, %dma_start3A_294] : memref<10240x128xf32, #tpu.memory_space<vmem_shared>> -> memref<10240x128xf32, #tpu.memory_space<vmem_shared>>
        tpu.enqueue_indirect_dma source(%arg11 : memref<128x128xf32, #tpu.memory_space<vmem>>) target(%dma_start3A_295 : memref<10240x128xf32, #tpu.memory_space<vmem_shared>>) offsets(%arg8 : memref<128xi32, #tpu.memory_space<vmem>>) semaphore(%run_scoped3A : memref<!tpu.dma_semaphore, #tpu.memory_space<semaphore_mem>>) {add = true}
        %dma_wait3A_296 = arith.constant 0 : i32
        %dma_wait3A_297 = arith.constant 0 : i32
        %dma_wait3A_298 = tpu.memref_slice %arg13[%dma_wait3A_296, %dma_wait3A_297] : memref<10240x128xf32, #tpu.memory_space<vmem_shared>> -> memref<10240x128xf32, #tpu.memory_space<vmem_shared>>
        tpu.wait_indirect_dma semaphore(%run_scoped3A : memref<!tpu.dma_semaphore, #tpu.memory_space<semaphore_mem>>) src(%arg11 : memref<128x128xf32, #tpu.memory_space<vmem>>) dst(%dma_wait3A_298 : memref<10240x128xf32, #tpu.memory_space<vmem_shared>>)
        tpu.yield
      }) : () -> ()
      %add3A_286 = arith.constant 1 : i32
      %add3A_287 = arith.addi %scan3A_148, %add3A_286 : i32
      %lt3A = arith.constant 40 : i32
      %lt3A_288 = arith.cmpi slt, %add3A_287, %lt3A : i32
      %convert_element_type3A = arith.extui %lt3A_288 : i1 to i32
      %cond3A = arith.constant 0 : i32
      %cond3A_289 = arith.cmpi ne, %convert_element_type3A, %cond3A : i32
      scf.if %cond3A_289 {
        %add3A_293 = arith.constant 2 : i32
        %add3A_294 = arith.addi %mul3A_150, %add3A_293 : i32
        %get3A_295 = arith.index_cast %add3A_294 : i32 to index
        %get3A_296 = arith.constant 0 : index
        %get3A_297 = tpu.vector_load %arg6[%get3A_295, %get3A_296] {strides = array<i32>} : memref<80x128xi32, #tpu.memory_space<vmem>>, vector<1x16xi32>,
        %get3A_298 = vector.shape_cast %get3A_297 : vector<1x16xi32> to vector<16xi32>
        %and3A_299 = arith.andi %get3A_298, %broadcast_in_dim3A_3 : vector<16xi32>
        %swap3A_300 = arith.constant 0 : index
        %swap3A_301 = tpu.vector_load %arg7[%swap3A_300] {strides = array<i32>} : memref<128xi32, #tpu.memory_space<vmem>>, vector<16xi32>,
        %swap3A_302 = vector.shape_cast %swap3A_301 : vector<16xi32> to vector<16xi32>
        %swap3A_303 = vector.shape_cast %and3A_299 : vector<16xi32> to vector<16xi32>
        tpu.vector_store %arg7[%swap3A_300], %swap3A_303 {strides = array<i32>} : memref<128xi32, #tpu.memory_space<vmem>>, vector<16xi32>,
        %shift_right_logical3A_304 = arith.constant 16 : i32
        %shift_right_logical3A_305 = vector.broadcast %shift_right_logical3A_304 : i32 to vector<16xi32>
        %shift_right_logical3A_306 = arith.shrui %get3A_298, %shift_right_logical3A_305 : vector<16xi32>
        %swap3A_307 = arith.constant 0 : index
        %swap3A_308 = tpu.vector_load %arg8[%swap3A_307] {strides = array<i32>} : memref<128xi32, #tpu.memory_space<vmem>>, vector<16xi32>,
        %swap3A_309 = vector.shape_cast %swap3A_308 : vector<16xi32> to vector<16xi32>
        %swap3A_310 = vector.shape_cast %shift_right_logical3A_306 : vector<16xi32> to vector<16xi32>
        tpu.vector_store %arg8[%swap3A_307], %swap3A_310 {strides = array<i32>} : memref<128xi32, #tpu.memory_space<vmem>>, vector<16xi32>,
        %get3A_311 = arith.index_cast %add3A_294 : i32 to index
        %get3A_312 = arith.constant 16 : index
        %get3A_313 = tpu.vector_load %arg6[%get3A_311, %get3A_312] {strides = array<i32>} : memref<80x128xi32, #tpu.memory_space<vmem>>, vector<1x16xi32>,
        %get3A_314 = vector.shape_cast %get3A_313 : vector<1x16xi32> to vector<16xi32>
        %and3A_315 = arith.andi %get3A_314, %broadcast_in_dim3A_3 : vector<16xi32>
        %swap3A_316 = arith.constant 16 : index
        %swap3A_317 = tpu.vector_load %arg7[%swap3A_316] {strides = array<i32>} : memref<128xi32, #tpu.memory_space<vmem>>, vector<16xi32>,
        %swap3A_318 = vector.shape_cast %swap3A_317 : vector<16xi32> to vector<16xi32>
        %swap3A_319 = vector.shape_cast %and3A_315 : vector<16xi32> to vector<16xi32>
        tpu.vector_store %arg7[%swap3A_316], %swap3A_319 {strides = array<i32>} : memref<128xi32, #tpu.memory_space<vmem>>, vector<16xi32>,
        %shift_right_logical3A_320 = arith.constant 16 : i32
        %shift_right_logical3A_321 = vector.broadcast %shift_right_logical3A_320 : i32 to vector<16xi32>
        %shift_right_logical3A_322 = arith.shrui %get3A_314, %shift_right_logical3A_321 : vector<16xi32>
        %swap3A_323 = arith.constant 16 : index
        %swap3A_324 = tpu.vector_load %arg8[%swap3A_323] {strides = array<i32>} : memref<128xi32, #tpu.memory_space<vmem>>, vector<16xi32>,
        %swap3A_325 = vector.shape_cast %swap3A_324 : vector<16xi32> to vector<16xi32>
        %swap3A_326 = vector.shape_cast %shift_right_logical3A_322 : vector<16xi32> to vector<16xi32>
        tpu.vector_store %arg8[%swap3A_323], %swap3A_326 {strides = array<i32>} : memref<128xi32, #tpu.memory_space<vmem>>, vector<16xi32>,
        %get3A_327 = arith.index_cast %add3A_294 : i32 to index
        %get3A_328 = arith.constant 32 : index
        %get3A_329 = tpu.vector_load %arg6[%get3A_327, %get3A_328] {strides = array<i32>} : memref<80x128xi32, #tpu.memory_space<vmem>>, vector<1x16xi32>,
        %get3A_330 = vector.shape_cast %get3A_329 : vector<1x16xi32> to vector<16xi32>
        %and3A_331 = arith.andi %get3A_330, %broadcast_in_dim3A_3 : vector<16xi32>
        %swap3A_332 = arith.constant 32 : index
        %swap3A_333 = tpu.vector_load %arg7[%swap3A_332] {strides = array<i32>} : memref<128xi32, #tpu.memory_space<vmem>>, vector<16xi32>,
        %swap3A_334 = vector.shape_cast %swap3A_333 : vector<16xi32> to vector<16xi32>
        %swap3A_335 = vector.shape_cast %and3A_331 : vector<16xi32> to vector<16xi32>
        tpu.vector_store %arg7[%swap3A_332], %swap3A_335 {strides = array<i32>} : memref<128xi32, #tpu.memory_space<vmem>>, vector<16xi32>,
        %shift_right_logical3A_336 = arith.constant 16 : i32
        %shift_right_logical3A_337 = vector.broadcast %shift_right_logical3A_336 : i32 to vector<16xi32>
        %shift_right_logical3A_338 = arith.shrui %get3A_330, %shift_right_logical3A_337 : vector<16xi32>
        %swap3A_339 = arith.constant 32 : index
        %swap3A_340 = tpu.vector_load %arg8[%swap3A_339] {strides = array<i32>} : memref<128xi32, #tpu.memory_space<vmem>>, vector<16xi32>,
        %swap3A_341 = vector.shape_cast %swap3A_340 : vector<16xi32> to vector<16xi32>
        %swap3A_342 = vector.shape_cast %shift_right_logical3A_338 : vector<16xi32> to vector<16xi32>
        tpu.vector_store %arg8[%swap3A_339], %swap3A_342 {strides = array<i32>} : memref<128xi32, #tpu.memory_space<vmem>>, vector<16xi32>,
        %get3A_343 = arith.index_cast %add3A_294 : i32 to index
        %get3A_344 = arith.constant 48 : index
        %get3A_345 = tpu.vector_load %arg6[%get3A_343, %get3A_344] {strides = array<i32>} : memref<80x128xi32, #tpu.memory_space<vmem>>, vector<1x16xi32>,
        %get3A_346 = vector.shape_cast %get3A_345 : vector<1x16xi32> to vector<16xi32>
        %and3A_347 = arith.andi %get3A_346, %broadcast_in_dim3A_3 : vector<16xi32>
        %swap3A_348 = arith.constant 48 : index
        %swap3A_349 = tpu.vector_load %arg7[%swap3A_348] {strides = array<i32>} : memref<128xi32, #tpu.memory_space<vmem>>, vector<16xi32>,
        %swap3A_350 = vector.shape_cast %swap3A_349 : vector<16xi32> to vector<16xi32>
        %swap3A_351 = vector.shape_cast %and3A_347 : vector<16xi32> to vector<16xi32>
        tpu.vector_store %arg7[%swap3A_348], %swap3A_351 {strides = array<i32>} : memref<128xi32, #tpu.memory_space<vmem>>, vector<16xi32>,
        %shift_right_logical3A_352 = arith.constant 16 : i32
        %shift_right_logical3A_353 = vector.broadcast %shift_right_logical3A_352 : i32 to vector<16xi32>
        %shift_right_logical3A_354 = arith.shrui %get3A_346, %shift_right_logical3A_353 : vector<16xi32>
        %swap3A_355 = arith.constant 48 : index
        %swap3A_356 = tpu.vector_load %arg8[%swap3A_355] {strides = array<i32>} : memref<128xi32, #tpu.memory_space<vmem>>, vector<16xi32>,
        %swap3A_357 = vector.shape_cast %swap3A_356 : vector<16xi32> to vector<16xi32>
        %swap3A_358 = vector.shape_cast %shift_right_logical3A_354 : vector<16xi32> to vector<16xi32>
        tpu.vector_store %arg8[%swap3A_355], %swap3A_358 {strides = array<i32>} : memref<128xi32, #tpu.memory_space<vmem>>, vector<16xi32>,
        %get3A_359 = arith.index_cast %add3A_294 : i32 to index
        %get3A_360 = arith.constant 64 : index
        %get3A_361 = tpu.vector_load %arg6[%get3A_359, %get3A_360] {strides = array<i32>} : memref<80x128xi32, #tpu.memory_space<vmem>>, vector<1x16xi32>,
        %get3A_362 = vector.shape_cast %get3A_361 : vector<1x16xi32> to vector<16xi32>
        %and3A_363 = arith.andi %get3A_362, %broadcast_in_dim3A_3 : vector<16xi32>
        %swap3A_364 = arith.constant 64 : index
        %swap3A_365 = tpu.vector_load %arg7[%swap3A_364] {strides = array<i32>} : memref<128xi32, #tpu.memory_space<vmem>>, vector<16xi32>,
        %swap3A_366 = vector.shape_cast %swap3A_365 : vector<16xi32> to vector<16xi32>
        %swap3A_367 = vector.shape_cast %and3A_363 : vector<16xi32> to vector<16xi32>
        tpu.vector_store %arg7[%swap3A_364], %swap3A_367 {strides = array<i32>} : memref<128xi32, #tpu.memory_space<vmem>>, vector<16xi32>,
        %shift_right_logical3A_368 = arith.constant 16 : i32
        %shift_right_logical3A_369 = vector.broadcast %shift_right_logical3A_368 : i32 to vector<16xi32>
        %shift_right_logical3A_370 = arith.shrui %get3A_362, %shift_right_logical3A_369 : vector<16xi32>
        %swap3A_371 = arith.constant 64 : index
        %swap3A_372 = tpu.vector_load %arg8[%swap3A_371] {strides = array<i32>} : memref<128xi32, #tpu.memory_space<vmem>>, vector<16xi32>,
        %swap3A_373 = vector.shape_cast %swap3A_372 : vector<16xi32> to vector<16xi32>
        %swap3A_374 = vector.shape_cast %shift_right_logical3A_370 : vector<16xi32> to vector<16xi32>
        tpu.vector_store %arg8[%swap3A_371], %swap3A_374 {strides = array<i32>} : memref<128xi32, #tpu.memory_space<vmem>>, vector<16xi32>,
        %get3A_375 = arith.index_cast %add3A_294 : i32 to index
        %get3A_376 = arith.constant 80 : index
        %get3A_377 = tpu.vector_load %arg6[%get3A_375, %get3A_376] {strides = array<i32>} : memref<80x128xi32, #tpu.memory_space<vmem>>, vector<1x16xi32>,
        %get3A_378 = vector.shape_cast %get3A_377 : vector<1x16xi32> to vector<16xi32>
        %and3A_379 = arith.andi %get3A_378, %broadcast_in_dim3A_3 : vector<16xi32>
        %swap3A_380 = arith.constant 80 : index
        %swap3A_381 = tpu.vector_load %arg7[%swap3A_380] {strides = array<i32>} : memref<128xi32, #tpu.memory_space<vmem>>, vector<16xi32>,
        %swap3A_382 = vector.shape_cast %swap3A_381 : vector<16xi32> to vector<16xi32>
        %swap3A_383 = vector.shape_cast %and3A_379 : vector<16xi32> to vector<16xi32>
        tpu.vector_store %arg7[%swap3A_380], %swap3A_383 {strides = array<i32>} : memref<128xi32, #tpu.memory_space<vmem>>, vector<16xi32>,
        %shift_right_logical3A_384 = arith.constant 16 : i32
        %shift_right_logical3A_385 = vector.broadcast %shift_right_logical3A_384 : i32 to vector<16xi32>
        %shift_right_logical3A_386 = arith.shrui %get3A_378, %shift_right_logical3A_385 : vector<16xi32>
        %swap3A_387 = arith.constant 80 : index
        %swap3A_388 = tpu.vector_load %arg8[%swap3A_387] {strides = array<i32>} : memref<128xi32, #tpu.memory_space<vmem>>, vector<16xi32>,
        %swap3A_389 = vector.shape_cast %swap3A_388 : vector<16xi32> to vector<16xi32>
        %swap3A_390 = vector.shape_cast %shift_right_logical3A_386 : vector<16xi32> to vector<16xi32>
        tpu.vector_store %arg8[%swap3A_387], %swap3A_390 {strides = array<i32>} : memref<128xi32, #tpu.memory_space<vmem>>, vector<16xi32>,
        %get3A_391 = arith.index_cast %add3A_294 : i32 to index
        %get3A_392 = arith.constant 96 : index
        %get3A_393 = tpu.vector_load %arg6[%get3A_391, %get3A_392] {strides = array<i32>} : memref<80x128xi32, #tpu.memory_space<vmem>>, vector<1x16xi32>,
        %get3A_394 = vector.shape_cast %get3A_393 : vector<1x16xi32> to vector<16xi32>
        %and3A_395 = arith.andi %get3A_394, %broadcast_in_dim3A_3 : vector<16xi32>
        %swap3A_396 = arith.constant 96 : index
        %swap3A_397 = tpu.vector_load %arg7[%swap3A_396] {strides = array<i32>} : memref<128xi32, #tpu.memory_space<vmem>>, vector<16xi32>,
        %swap3A_398 = vector.shape_cast %swap3A_397 : vector<16xi32> to vector<16xi32>
        %swap3A_399 = vector.shape_cast %and3A_395 : vector<16xi32> to vector<16xi32>
        tpu.vector_store %arg7[%swap3A_396], %swap3A_399 {strides = array<i32>} : memref<128xi32, #tpu.memory_space<vmem>>, vector<16xi32>,
        %shift_right_logical3A_400 = arith.constant 16 : i32
        %shift_right_logical3A_401 = vector.broadcast %shift_right_logical3A_400 : i32 to vector<16xi32>
        %shift_right_logical3A_402 = arith.shrui %get3A_394, %shift_right_logical3A_401 : vector<16xi32>
        %swap3A_403 = arith.constant 96 : index
        %swap3A_404 = tpu.vector_load %arg8[%swap3A_403] {strides = array<i32>} : memref<128xi32, #tpu.memory_space<vmem>>, vector<16xi32>,
        %swap3A_405 = vector.shape_cast %swap3A_404 : vector<16xi32> to vector<16xi32>
        %swap3A_406 = vector.shape_cast %shift_right_logical3A_402 : vector<16xi32> to vector<16xi32>
        tpu.vector_store %arg8[%swap3A_403], %swap3A_406 {strides = array<i32>} : memref<128xi32, #tpu.memory_space<vmem>>, vector<16xi32>,
        %get3A_407 = arith.index_cast %add3A_294 : i32 to index
        %get3A_408 = arith.constant 112 : index
        %get3A_409 = tpu.vector_load %arg6[%get3A_407, %get3A_408] {strides = array<i32>} : memref<80x128xi32, #tpu.memory_space<vmem>>, vector<1x16xi32>,
        %get3A_410 = vector.shape_cast %get3A_409 : vector<1x16xi32> to vector<16xi32>
        %and3A_411 = arith.andi %get3A_410, %broadcast_in_dim3A_3 : vector<16xi32>
        %swap3A_412 = arith.constant 112 : index
        %swap3A_413 = tpu.vector_load %arg7[%swap3A_412] {strides = array<i32>} : memref<128xi32, #tpu.memory_space<vmem>>, vector<16xi32>,
        %swap3A_414 = vector.shape_cast %swap3A_413 : vector<16xi32> to vector<16xi32>
        %swap3A_415 = vector.shape_cast %and3A_411 : vector<16xi32> to vector<16xi32>
        tpu.vector_store %arg7[%swap3A_412], %swap3A_415 {strides = array<i32>} : memref<128xi32, #tpu.memory_space<vmem>>, vector<16xi32>,
        %shift_right_logical3A_416 = arith.constant 16 : i32
        %shift_right_logical3A_417 = vector.broadcast %shift_right_logical3A_416 : i32 to vector<16xi32>
        %shift_right_logical3A_418 = arith.shrui %get3A_410, %shift_right_logical3A_417 : vector<16xi32>
        %swap3A_419 = arith.constant 112 : index
        %swap3A_420 = tpu.vector_load %arg8[%swap3A_419] {strides = array<i32>} : memref<128xi32, #tpu.memory_space<vmem>>, vector<16xi32>,
        %swap3A_421 = vector.shape_cast %swap3A_420 : vector<16xi32> to vector<16xi32>
        %swap3A_422 = vector.shape_cast %shift_right_logical3A_418 : vector<16xi32> to vector<16xi32>
        tpu.vector_store %arg8[%swap3A_419], %swap3A_422 {strides = array<i32>} : memref<128xi32, #tpu.memory_space<vmem>>, vector<16xi32>,
        %dma_start3A_423 = arith.constant 0 : i32
        %dma_start3A_424 = arith.constant 0 : i32
        %dma_start3A_425 = tpu.memref_slice %arg2[%dma_start3A_423, %dma_start3A_424] : memref<10000x128xf32, #tpu.memory_space<hbm>> -> memref<10000x128xf32, #tpu.memory_space<hbm>>
        tpu.enqueue_indirect_dma source(%dma_start3A_425 : memref<10000x128xf32, #tpu.memory_space<hbm>>) target(%arg11 : memref<128x128xf32, #tpu.memory_space<vmem>>) offsets(%arg7 : memref<128xi32, #tpu.memory_space<vmem>>) semaphore(%arg14 : memref<!tpu.dma_semaphore, #tpu.memory_space<semaphore_mem>>)
      } else {
      }
      %dma_wait3A_290 = arith.constant 0 : i32
      %dma_wait3A_291 = arith.constant 0 : i32
      %dma_wait3A_292 = tpu.memref_slice %arg2[%dma_wait3A_290, %dma_wait3A_291] : memref<10000x128xf32, #tpu.memory_space<hbm>> -> memref<10000x128xf32, #tpu.memory_space<hbm>>
      tpu.wait_indirect_dma semaphore(%arg15 : memref<!tpu.dma_semaphore, #tpu.memory_space<semaphore_mem>>) src(%dma_wait3A_292 : memref<10000x128xf32, #tpu.memory_space<hbm>>) dst(%arg12 : memref<128x128xf32, #tpu.memory_space<vmem>>)
      "tpu.region"() ({
        %run_scoped3A = tpu.sem_alloc : memref<!tpu.dma_semaphore, #tpu.memory_space<semaphore_mem>>
        %dma_start3A_293 = arith.constant 0 : i32
        %dma_start3A_294 = arith.constant 0 : i32
        %dma_start3A_295 = tpu.memref_slice %arg13[%dma_start3A_293, %dma_start3A_294] : memref<10240x128xf32, #tpu.memory_space<vmem_shared>> -> memref<10240x128xf32, #tpu.memory_space<vmem_shared>>
        tpu.enqueue_indirect_dma source(%arg12 : memref<128x128xf32, #tpu.memory_space<vmem>>) target(%dma_start3A_295 : memref<10240x128xf32, #tpu.memory_space<vmem_shared>>) offsets(%arg10 : memref<128xi32, #tpu.memory_space<vmem>>) semaphore(%run_scoped3A : memref<!tpu.dma_semaphore, #tpu.memory_space<semaphore_mem>>) {add = true}
        %dma_wait3A_296 = arith.constant 0 : i32
        %dma_wait3A_297 = arith.constant 0 : i32
        %dma_wait3A_298 = tpu.memref_slice %arg13[%dma_wait3A_296, %dma_wait3A_297] : memref<10240x128xf32, #tpu.memory_space<vmem_shared>> -> memref<10240x128xf32, #tpu.memory_space<vmem_shared>>
        tpu.wait_indirect_dma semaphore(%run_scoped3A : memref<!tpu.dma_semaphore, #tpu.memory_space<semaphore_mem>>) src(%arg12 : memref<128x128xf32, #tpu.memory_space<vmem>>) dst(%dma_wait3A_298 : memref<10240x128xf32, #tpu.memory_space<vmem_shared>>)
        tpu.yield
      }) : () -> ()
    }
    %scan3A_142 = arith.constant 40 : i32
    %barrier3A_143 = arith.constant 0 : index
    tpu.barrier barrier_id(%barrier3A_143)
    %mul3A_144 = arith.constant 640 : i32
    %mul3A_145 = arith.muli %arg1, %mul3A_144 : i32
    %mul3A_146 = arith.constant 640 : i32
    %mul3A_147 = arith.muli %arg1, %mul3A_146 : i32
    "tpu.region"() ({
      %run_scoped3A = tpu.sem_alloc : memref<!tpu.dma_semaphore, #tpu.memory_space<semaphore_mem>>
      %dma_start3A_148 = arith.constant 0 : i32
      %dma_start3A_149 = tpu.memref_slice %arg5[%arg0, %mul3A_147, %dma_start3A_148] : memref<2x10240x128xf32, #tpu.memory_space<hbm>> -> memref<1x640x128xf32, #tpu.memory_space<hbm>>
      %dma_start3A_150 = tpu.memref_squeeze %dma_start3A_149 : memref<1x640x128xf32, #tpu.memory_space<hbm>> -> memref<640x128xf32, #tpu.memory_space<hbm>>
      %dma_start3A_151 = arith.constant 0 : i32
      %dma_start3A_152 = tpu.memref_slice %arg13[%mul3A_145, %dma_start3A_151] : memref<10240x128xf32, #tpu.memory_space<vmem_shared>> -> memref<640x128xf32, #tpu.memory_space<vmem_shared>>
      tpu.enqueue_dma source(%dma_start3A_152 : memref<640x128xf32, #tpu.memory_space<vmem_shared>>) target(%dma_start3A_150 : memref<640x128xf32, #tpu.memory_space<hbm>>) target_semaphore(%run_scoped3A : memref<!tpu.dma_semaphore, #tpu.memory_space<semaphore_mem>>)
      %dma_wait3A = arith.constant 0 : i32
      %dma_wait3A_153 = tpu.memref_slice %arg5[%arg0, %mul3A_147, %dma_wait3A] : memref<2x10240x128xf32, #tpu.memory_space<hbm>> -> memref<1x640x128xf32, #tpu.memory_space<hbm>>
      %dma_wait3A_154 = tpu.memref_squeeze %dma_wait3A_153 : memref<1x640x128xf32, #tpu.memory_space<hbm>> -> memref<640x128xf32, #tpu.memory_space<hbm>>
      %dma_wait3A_155 = arith.constant 0 : i32
      %dma_wait3A_156 = tpu.memref_slice %arg13[%mul3A_145, %dma_wait3A_155] : memref<10240x128xf32, #tpu.memory_space<vmem_shared>> -> memref<640x128xf32, #tpu.memory_space<vmem_shared>>
      tpu.wait_dma2 semaphore(%run_scoped3A : memref<!tpu.dma_semaphore, #tpu.memory_space<semaphore_mem>>) src(%dma_wait3A_156 : memref<640x128xf32, #tpu.memory_space<vmem_shared>>) dst(%dma_wait3A_154 : memref<640x128xf32, #tpu.memory_space<hbm>>)
      tpu.yield
    }) : () -> ()
    return
  }
}

module attributes {stable_mosaic.version = 14 : i64} {
  func.func @_tc1_body(%arg0: i32, %arg1: memref<2x2000x128xf32, #tpu.memory_space<vmem>>, %arg2: memref<2000x128xf32, #tpu.memory_space<vmem>>, %arg3: memref<128x128xf32, #tpu.memory_space<vmem>>, %arg4: memref<2000x128xf32, #tpu.memory_space<vmem>>, %arg5: memref<2000x8xf32, #tpu.memory_space<vmem>>) attributes {dimension_semantics = [#tpu.dimension_semantics<arbitrary>], iteration_bounds = array<i64: 5>, scalar_prefetch = 0 : i64, scratch_operands = 0 : i64, tpu.core_type = #tpu.core_type<tc>, window_params = [{transform_indices = @transform_0, window_bounds = array<i64: 2, 2000, 128>}, {transform_indices = @transform_1, window_bounds = array<i64: 2000, 128>}, {pipeline_mode = #tpu.pipeline_mode<synchronous>, transform_indices = @transform_2, window_bounds = array<i64: 128, 128>}, {transform_indices = @transform_3, window_bounds = array<i64: 2000, 128>}, {transform_indices = @transform_4, window_bounds = array<i64: 2000, 8>}]} {
    %get3A = arith.constant 0 : index
    %get3A_0 = arith.constant 0 : index
    %get3A_1 = arith.constant 0 : index
    %get3A_2 = vector.load %arg1[%get3A, %get3A_0, %get3A_1] : memref<2x2000x128xf32, #tpu.memory_space<vmem>>, vector<1x2000x128xf32>
    %get3A_3 = vector.shape_cast %get3A_2 : vector<1x2000x128xf32> to vector<2000x128xf32>
    %get3A_4 = arith.constant 1 : index
    %get3A_5 = arith.constant 0 : index
    %get3A_6 = arith.constant 0 : index
    %get3A_7 = vector.load %arg1[%get3A_4, %get3A_5, %get3A_6] : memref<2x2000x128xf32, #tpu.memory_space<vmem>>, vector<1x2000x128xf32>
    %get3A_8 = vector.shape_cast %get3A_7 : vector<1x2000x128xf32> to vector<2000x128xf32>
    %add3A = arith.addf %get3A_3, %get3A_8 : vector<2000x128xf32>
    %add3A_9 = arith.constant 1.000000e+00 : f32
    %add3A_10 = vector.broadcast %add3A_9 : f32 to vector<2000x128xf32>
    %add3A_11 = arith.addf %add3A, %add3A_10 : vector<2000x128xf32>
    %rsqrt3A = math.rsqrt %add3A_11 : vector<2000x128xf32>
    %slice3A = vector.extract_strided_slice %rsqrt3A {offsets = [0, 0], sizes = [2000, 8], strides = [1, 1]} : vector<2000x128xf32> to vector<2000x8xf32>
    %swap3A = arith.constant 0 : index
    %swap3A_12 = arith.constant 0 : index
    %swap3A_13 = vector.load %arg5[%swap3A, %swap3A_12] : memref<2000x8xf32, #tpu.memory_space<vmem>>, vector<2000x8xf32>
    tpu.vector_store %arg5[%swap3A, %swap3A_12], %slice3A {strides = array<i32>} : memref<2000x8xf32, #tpu.memory_space<vmem>>, vector<2000x8xf32>,
    %get3A_14 = arith.constant 0 : index
    %get3A_15 = arith.constant 0 : index
    %get3A_16 = vector.load %arg2[%get3A_14, %get3A_15] : memref<2000x128xf32, #tpu.memory_space<vmem>>, vector<2000x128xf32>
    %get3A_17 = arith.constant 0 : index
    %get3A_18 = arith.constant 0 : index
    %get3A_19 = vector.load %arg3[%get3A_17, %get3A_18] : memref<128x128xf32, #tpu.memory_space<vmem>>, vector<128x128xf32>
    %dot_general3A = arith.constant dense<0.000000e+00> : vector<2000x128xf32>
    %dot_general3A_20 = tpu.matmul %get3A_16, %get3A_19, %dot_general3A {dimension_numbers = #tpu.dot_dimension_numbers<[1], [0], [0], [1], [0, 0, 1, 1], [], []>, transpose_lhs_hint = false} : vector<2000x128xf32>, vector<128x128xf32>, vector<2000x128xf32> -> vector<2000x128xf32>
    %slice3A_21 = vector.extract_strided_slice %rsqrt3A {offsets = [0, 0], sizes = [2000, 1], strides = [1, 1]} : vector<2000x128xf32> to vector<2000x1xf32>
    %mul3A = vector.broadcast %slice3A_21 : vector<2000x1xf32> to vector<2000x128xf32>
    %mul3A_22 = arith.mulf %dot_general3A_20, %mul3A : vector<2000x128xf32>
    %swap3A_23 = arith.constant 0 : index
    %swap3A_24 = arith.constant 0 : index
    %swap3A_25 = vector.load %arg4[%swap3A_23, %swap3A_24] : memref<2000x128xf32, #tpu.memory_space<vmem>>, vector<2000x128xf32>
    tpu.vector_store %arg4[%swap3A_23, %swap3A_24], %mul3A_22 {strides = array<i32>} : memref<2000x128xf32, #tpu.memory_space<vmem>>, vector<2000x128xf32>,
    return
  }
  func.func @transform_0(%arg0: i32) -> (i32, i32, i32) {
    %c0_i32 = arith.constant 0 : i32
    %c0_i32_0 = arith.constant 0 : i32
    %c0_i32_1 = arith.constant 0 : i32
    return %c0_i32, %arg0, %c0_i32_0 : i32, i32, i32
  }
  func.func @transform_1(%arg0: i32) -> (i32, i32) {
    %c0_i32 = arith.constant 0 : i32
    %c0_i32_0 = arith.constant 0 : i32
    return %arg0, %c0_i32 : i32, i32
  }
  func.func @transform_2(%arg0: i32) -> (i32, i32) {
    %c0_i32 = arith.constant 0 : i32
    %c0_i32_0 = arith.constant 0 : i32
    %c0_i32_1 = arith.constant 0 : i32
    return %c0_i32, %c0_i32_0 : i32, i32
  }
  func.func @transform_3(%arg0: i32) -> (i32, i32) {
    %c0_i32 = arith.constant 0 : i32
    %c0_i32_0 = arith.constant 0 : i32
    return %arg0, %c0_i32 : i32, i32
  }
  func.func @transform_4(%arg0: i32) -> (i32, i32) {
    %c0_i32 = arith.constant 0 : i32
    %c0_i32_0 = arith.constant 0 : i32
    return %arg0, %c0_i32 : i32, i32
  }
}

module attributes {stable_mosaic.version = 14 : i64} {
  func.func @_tc2_body(%arg0: i32, %arg1: memref<2x2000x128xf32, #tpu.memory_space<vmem>>, %arg2: memref<2000x128xf32, #tpu.memory_space<vmem>>, %arg3: memref<2000x8xf32, #tpu.memory_space<vmem>>, %arg4: memref<1x128xf32, #tpu.memory_space<vmem>>, %arg5: memref<128x128xf32, #tpu.memory_space<vmem>>, %arg6: memref<2000x128xf32, #tpu.memory_space<vmem>>) attributes {dimension_semantics = [#tpu.dimension_semantics<arbitrary>], iteration_bounds = array<i64: 5>, scalar_prefetch = 0 : i64, scratch_operands = 0 : i64, tpu.core_type = #tpu.core_type<tc>, window_params = [{transform_indices = @transform_0, window_bounds = array<i64: 2, 2000, 128>}, {transform_indices = @transform_1, window_bounds = array<i64: 2000, 128>}, {transform_indices = @transform_2, window_bounds = array<i64: 2000, 8>}, {pipeline_mode = #tpu.pipeline_mode<synchronous>, transform_indices = @transform_3, window_bounds = array<i64: 1, 128>}, {pipeline_mode = #tpu.pipeline_mode<synchronous>, transform_indices = @transform_4, window_bounds = array<i64: 128, 128>}, {transform_indices = @transform_5, window_bounds = array<i64: 2000, 128>}]} {
    %get3A = arith.constant 0 : index
    %get3A_0 = arith.constant 0 : index
    %get3A_1 = vector.load %arg3[%get3A, %get3A_0] : memref<2000x8xf32, #tpu.memory_space<vmem>>, vector<2000x1xf32>
    %get3A_2 = arith.constant 0 : index
    %get3A_3 = arith.constant 0 : index
    %get3A_4 = arith.constant 0 : index
    %get3A_5 = vector.load %arg1[%get3A_2, %get3A_3, %get3A_4] : memref<2x2000x128xf32, #tpu.memory_space<vmem>>, vector<1x2000x128xf32>
    %get3A_6 = vector.shape_cast %get3A_5 : vector<1x2000x128xf32> to vector<2000x128xf32>
    %get3A_7 = arith.constant 1 : index
    %get3A_8 = arith.constant 0 : index
    %get3A_9 = arith.constant 0 : index
    %get3A_10 = vector.load %arg1[%get3A_7, %get3A_8, %get3A_9] : memref<2x2000x128xf32, #tpu.memory_space<vmem>>, vector<1x2000x128xf32>
    %get3A_11 = vector.shape_cast %get3A_10 : vector<1x2000x128xf32> to vector<2000x128xf32>
    %add3A = arith.addf %get3A_6, %get3A_11 : vector<2000x128xf32>
    %get3A_12 = arith.constant 0 : index
    %get3A_13 = arith.constant 0 : index
    %get3A_14 = vector.load %arg2[%get3A_12, %get3A_13] : memref<2000x128xf32, #tpu.memory_space<vmem>>, vector<2000x128xf32>
    %add3A_15 = arith.addf %add3A, %get3A_14 : vector<2000x128xf32>
    %mul3A = vector.broadcast %get3A_1 : vector<2000x1xf32> to vector<2000x128xf32>
    %mul3A_16 = arith.mulf %add3A_15, %mul3A : vector<2000x128xf32>
    %get3A_17 = arith.constant 0 : index
    %get3A_18 = arith.constant 0 : index
    %get3A_19 = vector.load %arg4[%get3A_17, %get3A_18] : memref<1x128xf32, #tpu.memory_space<vmem>>, vector<1x128xf32>
    %add3A_20 = vector.broadcast %get3A_19 : vector<1x128xf32> to vector<2000x128xf32>
    %add3A_21 = arith.addf %mul3A_16, %add3A_20 : vector<2000x128xf32>
    %max3A = arith.constant 0.000000e+00 : f32
    %max3A_22 = vector.broadcast %max3A : f32 to vector<2000x128xf32>
    %max3A_23 = arith.maximumf %add3A_21, %max3A_22 : vector<2000x128xf32>
    %get3A_24 = arith.constant 0 : index
    %get3A_25 = arith.constant 0 : index
    %get3A_26 = vector.load %arg5[%get3A_24, %get3A_25] : memref<128x128xf32, #tpu.memory_space<vmem>>, vector<128x128xf32>
    %dot_general3A = arith.constant dense<0.000000e+00> : vector<2000x128xf32>
    %dot_general3A_27 = tpu.matmul %max3A_23, %get3A_26, %dot_general3A {dimension_numbers = #tpu.dot_dimension_numbers<[1], [0], [0], [1], [0, 0, 1, 1], [], []>, transpose_lhs_hint = false} : vector<2000x128xf32>, vector<128x128xf32>, vector<2000x128xf32> -> vector<2000x128xf32>
    %mul3A_28 = vector.broadcast %get3A_1 : vector<2000x1xf32> to vector<2000x128xf32>
    %mul3A_29 = arith.mulf %dot_general3A_27, %mul3A_28 : vector<2000x128xf32>
    %swap3A = arith.constant 0 : index
    %swap3A_30 = arith.constant 0 : index
    %swap3A_31 = vector.load %arg6[%swap3A, %swap3A_30] : memref<2000x128xf32, #tpu.memory_space<vmem>>, vector<2000x128xf32>
    tpu.vector_store %arg6[%swap3A, %swap3A_30], %mul3A_29 {strides = array<i32>} : memref<2000x128xf32, #tpu.memory_space<vmem>>, vector<2000x128xf32>,
    return
  }
  func.func @transform_0(%arg0: i32) -> (i32, i32, i32) {
    %c0_i32 = arith.constant 0 : i32
    %c0_i32_0 = arith.constant 0 : i32
    %c0_i32_1 = arith.constant 0 : i32
    return %c0_i32, %arg0, %c0_i32_0 : i32, i32, i32
  }
  func.func @transform_1(%arg0: i32) -> (i32, i32) {
    %c0_i32 = arith.constant 0 : i32
    %c0_i32_0 = arith.constant 0 : i32
    return %arg0, %c0_i32 : i32, i32
  }
  func.func @transform_2(%arg0: i32) -> (i32, i32) {
    %c0_i32 = arith.constant 0 : i32
    %c0_i32_0 = arith.constant 0 : i32
    return %arg0, %c0_i32 : i32, i32
  }
  func.func @transform_3(%arg0: i32) -> (i32, i32) {
    %c0_i32 = arith.constant 0 : i32
    %c0_i32_0 = arith.constant 0 : i32
    %c0_i32_1 = arith.constant 0 : i32
    return %c0_i32, %c0_i32_0 : i32, i32
  }
  func.func @transform_4(%arg0: i32) -> (i32, i32) {
    %c0_i32 = arith.constant 0 : i32
    %c0_i32_0 = arith.constant 0 : i32
    %c0_i32_1 = arith.constant 0 : i32
    return %c0_i32, %c0_i32_0 : i32, i32
  }
  func.func @transform_5(%arg0: i32) -> (i32, i32) {
    %c0_i32 = arith.constant 0 : i32
    %c0_i32_0 = arith.constant 0 : i32
    return %arg0, %c0_i32 : i32, i32
  }
}

module attributes {stable_mosaic.version = 14 : i64} {
  func.func @_tc3_body(%arg0: i32, %arg1: memref<2x2000x128xf32, #tpu.memory_space<vmem>>, %arg2: memref<2000x128xf32, #tpu.memory_space<vmem>>, %arg3: memref<2000x8xf32, #tpu.memory_space<vmem>>, %arg4: memref<1x128xf32, #tpu.memory_space<vmem>>, %arg5: memref<128x64xf32, #tpu.memory_space<vmem>>, %arg6: memref<1x64xf32, #tpu.memory_space<vmem>>, %arg7: memref<2000x64xf32, #tpu.memory_space<vmem>>) attributes {dimension_semantics = [#tpu.dimension_semantics<arbitrary>], iteration_bounds = array<i64: 5>, scalar_prefetch = 0 : i64, scratch_operands = 0 : i64, tpu.core_type = #tpu.core_type<tc>, window_params = [{transform_indices = @transform_0, window_bounds = array<i64: 2, 2000, 128>}, {transform_indices = @transform_1, window_bounds = array<i64: 2000, 128>}, {transform_indices = @transform_2, window_bounds = array<i64: 2000, 8>}, {pipeline_mode = #tpu.pipeline_mode<synchronous>, transform_indices = @transform_3, window_bounds = array<i64: 1, 128>}, {pipeline_mode = #tpu.pipeline_mode<synchronous>, transform_indices = @transform_4, window_bounds = array<i64: 128, 64>}, {pipeline_mode = #tpu.pipeline_mode<synchronous>, transform_indices = @transform_5, window_bounds = array<i64: 1, 64>}, {transform_indices = @transform_6, window_bounds = array<i64: 2000, 64>}]} {
    %get3A = arith.constant 0 : index
    %get3A_0 = arith.constant 0 : index
    %get3A_1 = vector.load %arg3[%get3A, %get3A_0] : memref<2000x8xf32, #tpu.memory_space<vmem>>, vector<2000x1xf32>
    %get3A_2 = arith.constant 0 : index
    %get3A_3 = arith.constant 0 : index
    %get3A_4 = arith.constant 0 : index
    %get3A_5 = vector.load %arg1[%get3A_2, %get3A_3, %get3A_4] : memref<2x2000x128xf32, #tpu.memory_space<vmem>>, vector<1x2000x128xf32>
    %get3A_6 = vector.shape_cast %get3A_5 : vector<1x2000x128xf32> to vector<2000x128xf32>
    %get3A_7 = arith.constant 1 : index
    %get3A_8 = arith.constant 0 : index
    %get3A_9 = arith.constant 0 : index
    %get3A_10 = vector.load %arg1[%get3A_7, %get3A_8, %get3A_9] : memref<2x2000x128xf32, #tpu.memory_space<vmem>>, vector<1x2000x128xf32>
    %get3A_11 = vector.shape_cast %get3A_10 : vector<1x2000x128xf32> to vector<2000x128xf32>
    %add3A = arith.addf %get3A_6, %get3A_11 : vector<2000x128xf32>
    %get3A_12 = arith.constant 0 : index
    %get3A_13 = arith.constant 0 : index
    %get3A_14 = vector.load %arg2[%get3A_12, %get3A_13] : memref<2000x128xf32, #tpu.memory_space<vmem>>, vector<2000x128xf32>
    %add3A_15 = arith.addf %add3A, %get3A_14 : vector<2000x128xf32>
    %mul3A = vector.broadcast %get3A_1 : vector<2000x1xf32> to vector<2000x128xf32>
    %mul3A_16 = arith.mulf %add3A_15, %mul3A : vector<2000x128xf32>
    %get3A_17 = arith.constant 0 : index
    %get3A_18 = arith.constant 0 : index
    %get3A_19 = vector.load %arg4[%get3A_17, %get3A_18] : memref<1x128xf32, #tpu.memory_space<vmem>>, vector<1x128xf32>
    %add3A_20 = vector.broadcast %get3A_19 : vector<1x128xf32> to vector<2000x128xf32>
    %add3A_21 = arith.addf %mul3A_16, %add3A_20 : vector<2000x128xf32>
    %max3A = arith.constant 0.000000e+00 : f32
    %max3A_22 = vector.broadcast %max3A : f32 to vector<2000x128xf32>
    %max3A_23 = arith.maximumf %add3A_21, %max3A_22 : vector<2000x128xf32>
    %get3A_24 = arith.constant 0 : index
    %get3A_25 = arith.constant 0 : index
    %get3A_26 = vector.load %arg5[%get3A_24, %get3A_25] : memref<128x64xf32, #tpu.memory_space<vmem>>, vector<128x64xf32>
    %dot_general3A = arith.constant dense<0.000000e+00> : vector<2000x64xf32>
    %dot_general3A_27 = tpu.matmul %max3A_23, %get3A_26, %dot_general3A {dimension_numbers = #tpu.dot_dimension_numbers<[1], [0], [0], [1], [0, 0, 1, 1], [], []>, transpose_lhs_hint = false} : vector<2000x128xf32>, vector<128x64xf32>, vector<2000x64xf32> -> vector<2000x64xf32>
    %get3A_28 = arith.constant 0 : index
    %get3A_29 = arith.constant 0 : index
    %get3A_30 = vector.load %arg6[%get3A_28, %get3A_29] : memref<1x64xf32, #tpu.memory_space<vmem>>, vector<1x64xf32>
    %add3A_31 = vector.broadcast %get3A_30 : vector<1x64xf32> to vector<2000x64xf32>
    %add3A_32 = arith.addf %dot_general3A_27, %add3A_31 : vector<2000x64xf32>
    %swap3A = arith.constant 0 : index
    %swap3A_33 = arith.constant 0 : index
    %swap3A_34 = vector.load %arg7[%swap3A, %swap3A_33] : memref<2000x64xf32, #tpu.memory_space<vmem>>, vector<2000x64xf32>
    tpu.vector_store %arg7[%swap3A, %swap3A_33], %add3A_32 {strides = array<i32>} : memref<2000x64xf32, #tpu.memory_space<vmem>>, vector<2000x64xf32>,
    return
  }
  func.func @transform_0(%arg0: i32) -> (i32, i32, i32) {
    %c0_i32 = arith.constant 0 : i32
    %c0_i32_0 = arith.constant 0 : i32
    %c0_i32_1 = arith.constant 0 : i32
    return %c0_i32, %arg0, %c0_i32_0 : i32, i32, i32
  }
  func.func @transform_1(%arg0: i32) -> (i32, i32) {
    %c0_i32 = arith.constant 0 : i32
    %c0_i32_0 = arith.constant 0 : i32
    return %arg0, %c0_i32 : i32, i32
  }
  func.func @transform_2(%arg0: i32) -> (i32, i32) {
    %c0_i32 = arith.constant 0 : i32
    %c0_i32_0 = arith.constant 0 : i32
    return %arg0, %c0_i32 : i32, i32
  }
  func.func @transform_3(%arg0: i32) -> (i32, i32) {
    %c0_i32 = arith.constant 0 : i32
    %c0_i32_0 = arith.constant 0 : i32
    %c0_i32_1 = arith.constant 0 : i32
    return %c0_i32, %c0_i32_0 : i32, i32
  }
  func.func @transform_4(%arg0: i32) -> (i32, i32) {
    %c0_i32 = arith.constant 0 : i32
    %c0_i32_0 = arith.constant 0 : i32
    %c0_i32_1 = arith.constant 0 : i32
    return %c0_i32, %c0_i32_0 : i32, i32
  }
  func.func @transform_5(%arg0: i32) -> (i32, i32) {
    %c0_i32 = arith.constant 0 : i32
    %c0_i32_0 = arith.constant 0 : i32
    %c0_i32_1 = arith.constant 0 : i32
    return %c0_i32, %c0_i32_0 : i32, i32
  }
  func.func @transform_6(%arg0: i32) -> (i32, i32) {
    %c0_i32 = arith.constant 0 : i32
    %c0_i32_0 = arith.constant 0 : i32
    return %arg0, %c0_i32 : i32, i32
  }
}

</mosaic_0001>

<sc_bundles>
// kernel: kernel.11.cloned.1.call-start
scs
__scs_entry_jumppad:
0x0: {  	(pc) =	sbr.rel $0x88, $3  }
0x1: {  	(tag) =	ssettag $0x0;
	lr =	simm.s32 $0x1  }
0x2: {  	[smem:$0x3F99] =	sst lr;
	_ =	strace $0xD0000000  }
0x3: {  	_ = 	snop  }
0x4: {  	_ = 	snop  }
0x5: {  	_ = 	snop  }
0x6: {  	_ = 	snop  }
0x7: {  	_ = 	snop  }
__scs_overlays_trampoline_lowered:
0x8: {  	[smem:$0x3FA8] =	sst s0  }
0x9: {  	[smem:$0x3FA9] =	sst s1  }
0xa: {  	[smem:$0x3FAA] =	sst s2  }
0xb: {  	[smem:$0x3FAB] =	sst s3  }
0xc: {  	[smem:$0x3FAC] =	sst s4  }
0xd: {  	[smem:$0x3FAD] =	sst s5  }
0xe: {  	[smem:$0x3FAE] =	sst s6  }
0xf: {  	[smem:$0x3FAF] =	sst s7  }
0x10: {  	[smem:$0x3FB0] =	sst s8  }
0x11: {  	[smem:$0x3FB1] =	sst s9;
	s0 =	simm.s32 @!p0 $0x0  }
0x12: {  	s1 =	sld [smem:$0x3F97];
	s0 =	simm.s32 @p0 $0x1  }
0x13: {  	[smem:$0x3FB2] =	sst s0;
	s0 =	simm.s32 @!p1 $0x0  }
0x14: {  	s2 =	sld [smem:$0x3F96];
	s0 =	simm.s32 @p1 $0x1  }
0x15: {  	[smem:$0x3FB3] =	sst s0;
	s0 =	simm.s32 @!p2 $0x0  }
0x16: {  	s3 =	sld [smem:$0x3FDB];
	s0 =	simm.s32 @p2 $0x1  }
0x17: {  	s4 =	simm.s32 $0x1BF5;
	[smem:$0x3FB5] =	sst s0  }
0x18: {  	s0 =	sld [smem:$0x3F98];
	_ =	swait.ge [sflag:s4], $0x0  }
0x19: {  	s7 =	sld [smem:$0x3F99]  }
0x1a: {  	s8 =	sadd.s32 $0xFFFFE003, lr  }
0x1b: {  	s9 =	sadd.s32 $0xFFFFFEF7, lr;
	s5 =	simm.s32 $0xFFFFFFFF;
	p2 =	slt.u32 s8, $0xFFFFF086  }
0x1c: {  	p1 =	slt.u32 s9, $0xF7A;
	s5 =	simm.s32 @!p2 $0x0  }
0x1d: {  	s5 =	simm.s32 @p1 $0x1;
	p0 =	seq.s32 s7, s2  }
0x1e: {  	s7 =	smul.u32 @!p0 $0xF7A, s2;
	p2 =	seq.s32 @!p0 s5, $0x0  }
0x1f: {  	s9 =	smul.u32 $0xF7A, s1;
	s8 =	simm.s32 @!p0 $0x1BF5;
	p2 =	por !p2, p0  }
0x20: {  	[sflag:s8] =	ssyncset.s32 @!p0 $0xFFFFF086;
	s6 =	sadd.s32 @!p0 s3, s7;
	s7 =	simm.s32 @!p0 $0x108  }
0x21: {  	s3 =	sadd.s32 s3, s9;
	s6 =	sadd.s32 @!p0 $0x88, s6;
	s7 =	simm.s32 @p2 $0x1082  }
0x22: {  	[simem:s7], [sflag:s8] =	dma.local @!p0 [hbm:s6], $0xF7A  }
0x23: {  	s9 =	sor.u32 $0xD0000000, s2;
	s6 =	simm.s32 $0x108;
	_ =	swait.ge @!p0 [sflag:s8], $0x0  }
0x24: {  	s3 =	sadd.s32 $0x88, s3;
	s6 =	simm.s32 @!p1 $0x1082;
	[sflag:s4] =	ssyncset.s32 $0xFFFFF086  }
0x25: {  	[simem:s6], [sflag:s4] =	dma.local [hbm:s3], $0xF7A  }
0x26: {  	[smem:$0x3F99] =	sst s1;
	(tag) =	ssettag s2;
	_ =	strace s9  }
0x27: {  	s1 =	sld [smem:$0x3FA9]  }
0x28: {  	s2 =	sld [smem:$0x3FAA]  }
0x29: {  	s4 =	sld [smem:$0x3FAC]  }
0x2a: {  	p0 =	seq.s32 s5, $0x0;
	s5 =	sld [smem:$0x3FAD]  }
0x2b: {  	s6 =	sld [smem:$0x3FAE]  }
0x2c: {  	s7 =	sld [smem:$0x3FAF]  }
0x2d: {  	s3 =	simm.s32 $0x108;
	s8 =	sld [smem:$0x3FB0]  }
0x2e: {  	s3 =	simm.s32 @!p0 $0x1082;
	s9 =	sld [smem:$0x3FB1]  }
0x2f: {  	lr =	sadd.s32 s0, s3;
	s0 =	sld [smem:$0x3FA8]  }
0x30: {  	s3 =	sld [smem:$0x3FAB]  }
0x31: {  	[smem:$0x3FB4] =	sst s10  }
0x32: {  	s10 =	sld [smem:$0x3FB2];
	_ =	sdelay $0x3  }
0x33: {  	p0 =	seq.s32 s10, $0x1;
	s10 =	sld [smem:$0x3FB4];
	_ =	sdelay $0x3  }
0x34: {  	[smem:$0x3FB4] =	sst s10  }
0x35: {  	s10 =	sld [smem:$0x3FB3];
	_ =	sdelay $0x3  }
0x36: {  	p1 =	seq.s32 s10, $0x1;
	s10 =	sld [smem:$0x3FB4];
	_ =	sdelay $0x3  }
0x37: {  	[smem:$0x3FB4] =	sst s10  }
0x38: {  	s10 =	sld [smem:$0x3FB5]  }
0x39: {  	_ = 	snop;
	(pc) =	sbr.ind lr, $3  }
0x3a: {  	_ = 	snop  }
0x3b: {  	_ = 	snop  }
0x3c: {  	p2 =	seq.s32 s10, $0x1;
	s10 =	sld [smem:$0x3FB4]  }
0x3d: {  	_ =	shalt  }
0x3e: {  	_ =	shalt  }
0x3f: {  	_ =	shalt  }
0x40: {  	_ =	shalt  }
0x41: {  	_ =	shalt  }
0x42: {  	_ =	shalt  }
0x43: {  	_ =	shalt  }
0x44: {  	_ =	shalt  }
0x45: {  	_ =	shalt  }
0x46: {  	_ =	shalt  }
0x47: {  	_ =	shalt  }
0x48: {  	_ =	shalt  }
0x49: {  	_ =	shalt  }
0x4a: {  	_ =	shalt  }
0x4b: {  	_ =	shalt  }
0x4c: {  	_ =	shalt  }
0x4d: {  	_ =	shalt  }
0x4e: {  	_ =	shalt  }
0x4f: {  	_ =	shalt  }
0x50: {  	_ =	shalt  }
0x51: {  	_ =	shalt  }
0x52: {  	_ =	shalt  }
0x53: {  	_ =	shalt  }
0x54: {  	_ =	shalt  }
0x55: {  	_ =	shalt  }
0x56: {  	_ =	shalt  }
0x57: {  	_ =	shalt  }
0x58: {  	_ =	shalt  }
0x59: {  	_ =	shalt  }
0x5a: {  	_ =	shalt  }
0x5b: {  	_ =	shalt  }
0x5c: {  	_ =	shalt  }
0x5d: {  	_ =	shalt  }
0x5e: {  	_ =	shalt  }
0x5f: {  	_ =	shalt  }
0x60: {  	_ =	shalt  }
0x61: {  	_ =	shalt  }
0x62: {  	_ =	shalt  }
0x63: {  	_ =	shalt  }
0x64: {  	_ =	shalt  }
0x65: {  	_ =	shalt  }
0x66: {  	_ =	shalt  }
0x67: {  	_ =	shalt  }
0x68: {  	_ =	shalt  }
0x69: {  	_ =	shalt  }
0x6a: {  	_ =	shalt  }
0x6b: {  	_ =	shalt  }
0x6c: {  	_ =	shalt  }
0x6d: {  	_ =	shalt  }
0x6e: {  	_ =	shalt  }
0x6f: {  	_ =	shalt  }
0x70: {  	_ =	shalt  }
0x71: {  	_ =	shalt  }
0x72: {  	_ =	shalt  }
0x73: {  	_ =	shalt  }
0x74: {  	_ =	shalt  }
0x75: {  	_ =	shalt  }
0x76: {  	_ =	shalt  }
0x77: {  	_ =	shalt  }
0x78: {  	_ =	shalt  }
0x79: {  	_ =	shalt  }
0x7a: {  	_ =	shalt  }
0x7b: {  	_ =	shalt  }
0x7c: {  	_ =	shalt  }
0x7d: {  	_ =	shalt  }
0x7e: {  	_ =	shalt  }
0x7f: {  	_ =	shalt  }
0x80: {  	_ =	shalt  }
0x81: {  	_ =	shalt  }
0x82: {  	_ =	shalt  }
0x83: {  	_ =	shalt  }
0x84: {  	_ =	shalt  }
0x85: {  	_ =	shalt  }
0x86: {  	_ =	shalt  }
0x87: {  	_ =	shalt  }
.Lfunc_end0:
.L_simem_size_0:
called_computation.1_lowered:
.L_overlay_start_0:
0x88: {  	s2 =	sld [smem:$0x3FD9]  }
0x89: {  	s3 =	sld [smem:$0x3FFE];
	_ =	sdelay $0x1  }
0x8a: {  	s1 =	srdreg.scid  }
0x8b: {  	s0 =	sand.u32 $0x1, s1  }
0x8c: {  	s17 =	sshll.u32 s0, $0xA;
	s2 =	sadd.s32 s3, s2  }
0x8d: {  	s2 =	sadd.s32 s2, s17  }
0x8e: {  	[smem:$0x3FC0] =	sst s2  }
0x8f: {  	_ = 	snop  }
0x90: {  	s2 =	sld [smem:$0x3FD0];
	(tm) =	ssettm $0x1  }
0x91: {  	s18 =	sld [smem:$0x3FFB];
	_ =	sdelay $0x3  }
0x92: {  	_ =	strace s18  }
0x93: {  	s3 =	sld [smem:$0x3FFC];
	_ =	sdelay $0x3  }
0x94: {  	_ =	strace s3  }
0x95: {  	s3 =	sld [smem:$0x3FFD];
	_ =	sdelay $0x3  }
0x96: {  	_ =	strace s3  }
0x97: {  	_ =	strace $0x8FFFFFFF  }
0x98: {  	s19 =	sld [smem:$0x3FDB];
	_ =	sdelay $0x1  }
0x99: {  	s4 =	simm.s32 $_scs_section_size  }
0x9a: {  	s5 =	simm.s32 $_size__tile_overlayer_lowered;
	s6 =	simm.s32 $_tile_overlayer_lowered  }
0x9b: {  	s22 =	simm.s32 $0x1BFF;
	s21 =	sshll.u32 s6, $0x1;
	s3 =	sadd.s32 s4, s19  }
0x9c: {  	s7 =	simm.s32 $0x0;
	s20 =	sshll.u32 s5, $0x1;
	s5 =	sadd.s32 s21, s3  }
0x9d: {  	[timem:s7], [sflag:s22] =	dma.local [hbm:s5], s20  }
0x9e: {  	_ =	swait.ge [sflag:s22], s20  }
0x9f: {  	s4 =	ssub.s32 $0x0, s20;
	[sflag:s22] =	ssyncset.done $0x0  }
0xa0: {  	[sflag:s22] =	ssyncadd.s32 s4;
	_ =	sdelay $0x1  }
0xa1: {  	s23 =	simm.s32 $0x1B8B  }
0xa2: {  	_ =	swait.ge [sflag:s23], $0x1  }
0xa3: {  	[sflag:s23] =	ssyncset.done $0x0  }
0xa4: {  	s25 =	simm.s32 $0x1B8E;
	s24 =	sld [smem:$0x3FFE];
	[sflag:s23] =	ssyncadd.s32 $0xFFFFFFFF  }
0xa5: {  	s26 =	simm.s32 $execute0_lowered;
	[smem:$0x3FD2] =	sst s25  }
0xa6: {  	s5 =	sshll.u32 s26, $0x1;
	_ =	strace $0x80000049;
	[dreg:$0x1] =	wrdreg $0xFFFFFFFF  }
0xa7: {  	s28 =	simm.s32 $_size_execute0_lowered;
	s3 =	sadd.s32 s3, s5;
	[dreg:$0x0] =	wrdreg $0x0  }
0xa8: {  	s5 =	sshll.u32 s28, $0x1;
	[dreg:$0x2] =	wrdreg s3  }
0xa9: {  	[dreg:$0x3] =	wrdreg s5  }
0xaa: {  	[dreg:$0x4] =	wrdreg $0xC0  }
0xab: {  	_ =	task [dreg:s7], $0x5FFFF  }
0xac: {  	[dreg:$0x1] =	wrdreg $0xFFFFFFFF  }
0xad: {  	[dreg:$0x0] =	wrdreg $0x60  }
0xae: {  	[dreg:$0x2] =	wrdreg s24  }
0xaf: {  	[dreg:$0x3] =	wrdreg s2  }
0xb0: {  	[dreg:$0x4] =	wrdreg $0xAA000  }
0xb1: {  	[dreg:$0x5] =	wrdreg $0x9  }
0xb2: {  	_ =	task.clear_ibuf [dreg:s7], $0x6FFFF;
	_ =	strace $0x90000049  }
0xb3: {  	s29 =	simm.s32 $0x9;
	_ =	strace $0x8000004B  }
0xb4: {  	_ =	swait.ge [sflag:s29], $0x1  }
0xb5: {  	[sflag:s29] =	ssyncadd.s32 $0xFFFFFFFF  }
0xb6: {  	_ =	strace $0x9000004B  }
0xb7: {  	_ =	sfence  }
0xb8: {  	s30 =	sld [smem:$0x0];
	_ =	sdelay $0x2  }
0xb9: {  	s31 =	sshll.u32 s1, $0xD;
	s1 =	sshrl.u32 s1, $0x2  }
0xba: {  	s3 =	sand.u32 $0x4000, s31;
	s1 =	sadd.s32 s1, s30  }
0xbb: {  	s0 =	sor.u32 s3, s0;
	s1 =	sshll.u32 s1, $0x11  }
0xbc: {  	s0 =	sor.u32 s1, s0  }
0xbd: {  	s0 =	sadd.s32 $0x8F2B, s0  }
0xbe: {  	[sflag:s0] =	ssyncadd.remote.s32 $0x1  }
0xbf: {  	_ =	sfence.sel $0xFFFF  }
0xc0: {  	[dreg:$0x0] =	wrdreg $0xFFFFFFFF;
	(pc) =	sbr.abs _section_cstart, $3  }
0xc1: {  	[dreg:$0x1] =	wrdreg $0xFFFFFFFF  }
0xc2: {  	_ =	task.clear_ibuf [dreg:s7], $0x2FFFF;
	_ =	strace $0x9FFFFFFF  }
0xc3: {  	(tm) =	ssettm $0x7FFFFFFF  }
tec
execute0_lowered:
.L_overlay_start_1:
0x0: {  	(tag) =	ssettag $0x1  }
0x1: {  	s6 =	rddreg [dreg:$0x0]  }
0x2: {  	s7 =	rddreg [dreg:$0x1]  }
0x3: {  	s0 =	srdreg.scid;
	s2 =	rddreg [dreg:$0x2]  }
0x4: {  	s1 =	stileid.u32;
	s3 =	simm.s32 $0x0;
	s13 =	simm.s32 $0x2800  }
0x5: {  	s14 =	simm.s32 $0x2A00;
	s15 =	simm.s32 $0x2900;
	s16 =	simm.s32 $0x6A00  }
0x6: {  	s17 =	simm.s32 $0x1;
	s18 =	simm.s32 $0x2880;
	s19 =	simm.s32 $0x2  }
0x7: {  	s20 =	simm.s32 $0x2980;
	s8 =	sand.u32 $0x1, s0;
	s0 =	rddreg [dreg:$0x3]  }
0x8: {  	s21 =	simm.s32 $0x0;
	s5 =	smul.u32 $0x14000, s1;
	[smem:$0x7FF] =	sst s3  }
0x9: {  	s11 =	smul.u32 $0x50000, s1;
	s12 =	sshll.u32 s1, $0x1;
	s31 =	sshll.u32 s1, $0x6  }
0xa: {  	s4 =	smul.u32 $0x140000, s8;
	_ =	strace $0x8000004A;
	s10 =	ssub.s32 $0x2, s8  }
0xb: {  	s8 =	sor.u32 s8, s12;
	s12 =	simm.s32 $0x80;
	s30 =	sshrl.u32 s10, $0x1  }
0xc: {  	s11 =	sshrl.u32 s11, $0x2;
	s8 =	smul.u32 $0x500, s8;
	s9 =	sadd.s32 s5, s4  }
0xd: {  	s4 =	sadd.s32 $0xF200, s6;
	s5 =	sadd.s32 $0xCA00, s6;
	s9 =	sshrl.u32 s9, $0x3  }
0xe: {  	s10 =	ssub.s32 s10, s30;
	s11 =	sadd.s32 s11, s2;
	s9 =	sadd.s32 s9, s6  }
0xf: {  	s7 =	sadd.s32 s7, s8;
	s6 =	sor.u32 $0x1C03, s31;
	s8 =	sadd.s32 $0x36400, s9  }
0x10: {  	s9 =	smax.u32 s10, $0x1;
	s10 =	sshrl.u32 s11, $0x3;
	s11 =	simm.s32 $0x3  }
.LBB2_1:
0x11: {  	[spmem:s10], [sflag:s6] =	dma.local [hbm:s5], $0x2800  }
0x12: {  	_ =	swait.ge [sflag:s11], $0x2800  }
0x13: {  	[sflag:s11] =	ssyncset.done $0x0  }
0x14: {  	[sflag:s11] =	ssyncadd.s32 $0xFFFFD800  }
0x15: {  	[tilespmem:s3], [sflag:$0x3] =	stream.linear.gather [hbm4b:s7+s3], $0x2800, $0x38;
	[tilespmem:$0x1EA00] =	vst v63  }
0x16: {  	_ =	swait.ge [sflag:s11], $0x2800  }
0x17: {  	[sflag:s11] =	ssyncset.done $0x0  }
0x18: {  	[sflag:s11] =	ssyncadd.s32 $0xFFFFD800  }
0x19: {  	[bflag:$0x0] =	sbarrier.arrive $0xFFFF  }
0x1a: {  	v0 =	vld [tilespmem:$0x0];
	_ =	sdelay $0x1  }
0x1b: {  	v1 =	vld [tilespmem:$0x10];
	_ =	sdelay $0x1  }
0x1c: {  	v2 =	vld [tilespmem:$0x20]  }
0x1d: {  	v3 =	vand.u32 $0xFFFF, v0  }
0x1e: {  	v0 =	vshrl.u32 v0, $0x10;
	[tilespmem:$0x2800] =	vst v3;
	v3 =	vld [tilespmem:$0x30]  }
0x1f: {  	[tilespmem:$0x2880] =	vst v0;
	v0 =	vand.u32 $0xFFFF, v1  }
0x20: {  	[tilespmem:$0x2810] =	vst v0;
	v0 =	vshrl.u32 v1, $0x10;
	v1 =	vld [tilespmem:$0x40]  }
0x21: {  	[tilespmem:$0x2890] =	vst v0;
	v0 =	vand.u32 $0xFFFF, v2  }
0x22: {  	[tilespmem:$0x2820] =	vst v0;
	v0 =	vshrl.u32 v2, $0x10;
	v2 =	vld [tilespmem:$0x50]  }
0x23: {  	[tilespmem:$0x28A0] =	vst v0;
	v0 =	vand.u32 $0xFFFF, v3  }
0x24: {  	[tilespmem:$0x2830] =	vst v0;
	v0 =	vshrl.u32 v3, $0x10;
	v3 =	vld [tilespmem:$0x60]  }
0x25: {  	[tilespmem:$0x28B0] =	vst v0;
	v0 =	vand.u32 $0xFFFF, v1  }
0x26: {  	[tilespmem:$0x2840] =	vst v0;
	v0 =	vshrl.u32 v1, $0x10;
	v1 =	vld [tilespmem:$0x70]  }
0x27: {  	[tilespmem:$0x28C0] =	vst v0;
	v0 =	vand.u32 $0xFFFF, v2  }
0x28: {  	[tilespmem:$0x2850] =	vst v0;
	v0 =	vshrl.u32 v2, $0x10  }
0x29: {  	[tilespmem:$0x28D0] =	vst v0;
	v0 =	vand.u32 $0xFFFF, v3  }
0x2a: {  	[tilespmem:$0x2860] =	vst v0;
	v0 =	vshrl.u32 v3, $0x10  }
0x2b: {  	[tilespmem:$0x28E0] =	vst v0;
	v0 =	vand.u32 $0xFFFF, v1  }
0x2c: {  	[tilespmem:$0x2870] =	vst v0;
	v0 =	vshrl.u32 v1, $0x10  }
0x2d: {  	s22 =	simm.s32 $0x0;
	[tilespmem:$0x28F0] =	vst v0  }
0x2e: {  	[tilespmem:s14], [sflag:$0x1] =	stream.indirect.gather [hbm4b:s4+s12], $0x80, s13, s12, $0xb8;
	[tilespmem:$0x1EA00] =	vst v63  }
0x2f: {  	v0 =	vld [tilespmem:s22+$0x80];
	_ =	sdelay $0x4  }
0x30: {  	v1 =	vand.u32 $0xFFFF, v0  }
0x31: {  	v0 =	vshrl.u32 v0, $0x10;
	[tilespmem:$0x2900] =	vst v1  }
0x32: {  	[tilespmem:$0x2980] =	vst v0  }
0x33: {  	v0 =	vld [tilespmem:s22+$0x90];
	_ =	sdelay $0x4  }
0x34: {  	v1 =	vand.u32 $0xFFFF, v0  }
0x35: {  	v0 =	vshrl.u32 v0, $0x10;
	[tilespmem:$0x2910] =	vst v1  }
0x36: {  	[tilespmem:$0x2990] =	vst v0  }
0x37: {  	v0 =	vld [tilespmem:s22+$0xA0];
	_ =	sdelay $0x4  }
0x38: {  	v1 =	vand.u32 $0xFFFF, v0  }
0x39: {  	v0 =	vshrl.u32 v0, $0x10;
	[tilespmem:$0x2920] =	vst v1  }
0x3a: {  	[tilespmem:$0x29A0] =	vst v0  }
0x3b: {  	v0 =	vld [tilespmem:s22+$0xB0];
	_ =	sdelay $0x4  }
0x3c: {  	v1 =	vand.u32 $0xFFFF, v0  }
0x3d: {  	v0 =	vshrl.u32 v0, $0x10;
	[tilespmem:$0x2930] =	vst v1  }
0x3e: {  	[tilespmem:$0x29B0] =	vst v0  }
0x3f: {  	v0 =	vld [tilespmem:s22+$0xC0];
	_ =	sdelay $0x4  }
0x40: {  	v1 =	vand.u32 $0xFFFF, v0  }
0x41: {  	v0 =	vshrl.u32 v0, $0x10;
	[tilespmem:$0x2940] =	vst v1  }
0x42: {  	[tilespmem:$0x29C0] =	vst v0  }
0x43: {  	v0 =	vld [tilespmem:s22+$0xD0];
	_ =	sdelay $0x4  }
0x44: {  	v1 =	vand.u32 $0xFFFF, v0  }
0x45: {  	v0 =	vshrl.u32 v0, $0x10;
	[tilespmem:$0x2950] =	vst v1  }
0x46: {  	[tilespmem:$0x29D0] =	vst v0  }
0x47: {  	v0 =	vld [tilespmem:s22+$0xE0];
	_ =	sdelay $0x4  }
0x48: {  	v1 =	vand.u32 $0xFFFF, v0  }
0x49: {  	v0 =	vshrl.u32 v0, $0x10;
	[tilespmem:$0x2960] =	vst v1  }
0x4a: {  	[tilespmem:$0x29E0] =	vst v0  }
0x4b: {  	v0 =	vld [tilespmem:s22+$0xF0];
	_ =	sdelay $0x4  }
0x4c: {  	v1 =	vand.u32 $0xFFFF, v0  }
0x4d: {  	v0 =	vshrl.u32 v0, $0x10;
	[tilespmem:$0x2970] =	vst v1  }
0x4e: {  	[tilespmem:$0x29F0] =	vst v0  }
0x4f: {  	[tilespmem:s16], [sflag:$0x2] =	stream.indirect.gather [hbm4b:s4+s12], $0x80, s15, s12, $0xb8;
	[tilespmem:$0x1EA00] =	vst v63  }
0x50: {  	_ =	swait.ge [sflag:s17], $0x4000  }
0x51: {  	[sflag:s17] =	ssyncset.done $0x0  }
0x52: {  	[sflag:s17] =	ssyncadd.s32 $0xFFFFC000  }
0x53: {  	[spmem:s2] =	stream.indirect.scatter.add.f32 [tilespmem:s14], [sflag:$0x3], $0x80, s18, s12, $0xb8;
	[tilespmem:$0x1EA00] =	vst v63  }
0x54: {  	_ =	swait.ge [sflag:s11], $0x4000  }
0x55: {  	p1 =	por $0x0, $0x0;
	[sflag:s11] =	ssyncset.done $0x0  }
0x56: {  	s23 =	simm.s32 @!p1 $0x0;
	[sflag:s11] =	ssyncadd.s32 $0xFFFFC000  }
0x57: {  	v0 =	vld @!p1 [tilespmem:s23+$0x100];
	_ =	sdelay $0x4  }
0x58: {  	v1 =	vand.u32 @!p1 $0xFFFF, v0  }
0x59: {  	v0 =	vshrl.u32 @!p1 v0, $0x10;
	[tilespmem:$0x2800] =	vst @!p1 v1  }
0x5a: {  	[tilespmem:$0x2880] =	vst @!p1 v0  }
0x5b: {  	v0 =	vld @!p1 [tilespmem:s23+$0x110];
	_ =	sdelay $0x4  }
0x5c: {  	v1 =	vand.u32 @!p1 $0xFFFF, v0  }
0x5d: {  	v0 =	vshrl.u32 @!p1 v0, $0x10;
	[tilespmem:$0x2810] =	vst @!p1 v1  }
0x5e: {  	[tilespmem:$0x2890] =	vst @!p1 v0  }
0x5f: {  	v0 =	vld @!p1 [tilespmem:s23+$0x120];
	_ =	sdelay $0x4  }
0x60: {  	v1 =	vand.u32 @!p1 $0xFFFF, v0  }
0x61: {  	v0 =	vshrl.u32 @!p1 v0, $0x10;
	[tilespmem:$0x2820] =	vst @!p1 v1  }
0x62: {  	[tilespmem:$0x28A0] =	vst @!p1 v0  }
0x63: {  	v0 =	vld @!p1 [tilespmem:s23+$0x130];
	_ =	sdelay $0x4  }
0x64: {  	v1 =	vand.u32 @!p1 $0xFFFF, v0  }
0x65: {  	v0 =	vshrl.u32 @!p1 v0, $0x10;
	[tilespmem:$0x2830] =	vst @!p1 v1  }
0x66: {  	[tilespmem:$0x28B0] =	vst @!p1 v0  }
0x67: {  	v0 =	vld @!p1 [tilespmem:s23+$0x140];
	_ =	sdelay $0x4  }
0x68: {  	v1 =	vand.u32 @!p1 $0xFFFF, v0  }
0x69: {  	v0 =	vshrl.u32 @!p1 v0, $0x10;
	[tilespmem:$0x2840] =	vst @!p1 v1  }
0x6a: {  	[tilespmem:$0x28C0] =	vst @!p1 v0  }
0x6b: {  	v0 =	vld @!p1 [tilespmem:s23+$0x150];
	_ =	sdelay $0x4  }
0x6c: {  	v1 =	vand.u32 @!p1 $0xFFFF, v0  }
0x6d: {  	v0 =	vshrl.u32 @!p1 v0, $0x10;
	[tilespmem:$0x2850] =	vst @!p1 v1  }
0x6e: {  	[tilespmem:$0x28D0] =	vst @!p1 v0  }
0x6f: {  	v0 =	vld @!p1 [tilespmem:s23+$0x160];
	_ =	sdelay $0x4  }
0x70: {  	s25 =	simm.s32 @!p1 $0x80;
	v1 =	vand.u32 @!p1 $0xFFFF, v0  }
0x71: {  	s26 =	simm.s32 @!p1 $0x2800;
	s28 =	simm.s32 @!p1 $0x2A00;
	s22 =	simm.s32 $0x400;
	v0 =	vshrl.u32 @!p1 v0, $0x10;
	[tilespmem:$0x2860] =	vst @!p1 v1  }
.LBB2_2:
0x72: {  	[tilespmem:$0x28E0] =	vst @!p1 v0;
	s24 =	smov.u32 s22;
	s22 =	sadd.s32 $0x400, s22  }
0x73: {  	p0 =	sne.s32 s22, $0xA000;
	v0 =	vld @!p1 [tilespmem:s23+$0x170];
	_ =	sdelay $0x4  }
0x74: {  	v1 =	vand.u32 @!p1 $0xFFFF, v0;
	v0 =	vshrl.u32 @!p1 v0, $0x10  }
0x75: {  	[tilespmem:$0x2870] =	vst @!p1 v1  }
0x76: {  	[tilespmem:$0x28F0] =	vst @!p1 v0  }
0x77: {  	[tilespmem:s28], [sflag:$0x1] =	stream.indirect.gather @!p1 [hbm4b:s4+s25], $0x80, s26, s25, $0xb8;
	[tilespmem:$0x1EA00] =	vst v63  }
0x78: {  	_ =	swait.ge [sflag:s19], $0x4000  }
0x79: {  	[sflag:s19] =	ssyncset.done $0x0  }
0x7a: {  	[sflag:s19] =	ssyncadd.s32 $0xFFFFC000  }
0x7b: {  	[spmem:s2] =	stream.indirect.scatter.add.f32 [tilespmem:s16], [sflag:$0x3], $0x80, s20, s12, $0xb8;
	[tilespmem:$0x1EA00] =	vst v63  }
0x7c: {  	_ =	swait.ge [sflag:s11], $0x4000  }
0x7d: {  	[sflag:s11] =	ssyncset.done $0x0  }
0x7e: {  	s23 =	sshra.s32 s24, $0x2;
	[sflag:s11] =	ssyncadd.s32 $0xFFFFC000  }
0x7f: {  	v0 =	vld [tilespmem:s23+$0x80];
	_ =	sdelay $0x4  }
0x80: {  	v1 =	vand.u32 $0xFFFF, v0;
	v0 =	vshrl.u32 v0, $0x10  }
0x81: {  	[tilespmem:$0x2900] =	vst v1  }
0x82: {  	[tilespmem:$0x2980] =	vst v0  }
0x83: {  	v0 =	vld [tilespmem:s23+$0x90];
	_ =	sdelay $0x4  }
0x84: {  	v1 =	vand.u32 $0xFFFF, v0;
	v0 =	vshrl.u32 v0, $0x10  }
0x85: {  	[tilespmem:$0x2910] =	vst v1  }
0x86: {  	[tilespmem:$0x2990] =	vst v0  }
0x87: {  	v0 =	vld [tilespmem:s23+$0xA0];
	_ =	sdelay $0x4  }
0x88: {  	v1 =	vand.u32 $0xFFFF, v0;
	v0 =	vshrl.u32 v0, $0x10  }
0x89: {  	[tilespmem:$0x2920] =	vst v1  }
0x8a: {  	[tilespmem:$0x29A0] =	vst v0  }
0x8b: {  	v0 =	vld [tilespmem:s23+$0xB0];
	_ =	sdelay $0x4  }
0x8c: {  	v1 =	vand.u32 $0xFFFF, v0;
	v0 =	vshrl.u32 v0, $0x10  }
0x8d: {  	[tilespmem:$0x2930] =	vst v1  }
0x8e: {  	[tilespmem:$0x29B0] =	vst v0  }
0x8f: {  	v0 =	vld [tilespmem:s23+$0xC0];
	_ =	sdelay $0x4  }
0x90: {  	v1 =	vand.u32 $0xFFFF, v0;
	v0 =	vshrl.u32 v0, $0x10  }
0x91: {  	[tilespmem:$0x2940] =	vst v1  }
0x92: {  	[tilespmem:$0x29C0] =	vst v0  }
0x93: {  	v0 =	vld [tilespmem:s23+$0xD0];
	_ =	sdelay $0x4  }
0x94: {  	v1 =	vand.u32 $0xFFFF, v0;
	v0 =	vshrl.u32 v0, $0x10  }
0x95: {  	[tilespmem:$0x2950] =	vst v1  }
0x96: {  	[tilespmem:$0x29D0] =	vst v0  }
0x97: {  	v0 =	vld [tilespmem:s23+$0xE0];
	_ =	sdelay $0x4  }
0x98: {  	v1 =	vand.u32 $0xFFFF, v0;
	v0 =	vshrl.u32 v0, $0x10  }
0x99: {  	[tilespmem:$0x2960] =	vst v1  }
0x9a: {  	[tilespmem:$0x29E0] =	vst v0  }
0x9b: {  	v0 =	vld [tilespmem:s23+$0xF0];
	_ =	sdelay $0x4  }
0x9c: {  	v1 =	vand.u32 $0xFFFF, v0;
	v0 =	vshrl.u32 v0, $0x10  }
0x9d: {  	p1 =	seq.s32 s24, $0x9C00;
	[tilespmem:$0x2970] =	vst v1  }
0x9e: {  	s23 =	sshra.s32 @!p1 s24, $0x2;
	[tilespmem:$0x29F0] =	vst v0  }
0x9f: {  	[tilespmem:s16], [sflag:$0x2] =	stream.indirect.gather [hbm4b:s4+s12], $0x80, s15, s12, $0xb8;
	[tilespmem:$0x1EA00] =	vst v63  }
0xa0: {  	_ =	swait.ge [sflag:s17], $0x4000  }
0xa1: {  	[sflag:s17] =	ssyncset.done $0x0  }
0xa2: {  	[sflag:s17] =	ssyncadd.s32 $0xFFFFC000  }
0xa3: {  	[spmem:s2] =	stream.indirect.scatter.add.f32 [tilespmem:s14], [sflag:$0x3], $0x80, s18, s12, $0xb8;
	[tilespmem:$0x1EA00] =	vst v63  }
0xa4: {  	_ =	swait.ge [sflag:s11], $0x4000  }
0xa5: {  	[sflag:s11] =	ssyncset.done $0x0  }
0xa6: {  	[sflag:s11] =	ssyncadd.s32 $0xFFFFC000  }
0xa7: {  	v0 =	vld @!p1 [tilespmem:s23+$0x100];
	_ =	sdelay $0x4  }
0xa8: {  	v1 =	vand.u32 @!p1 $0xFFFF, v0;
	v0 =	vshrl.u32 @!p1 v0, $0x10  }
0xa9: {  	[tilespmem:$0x2800] =	vst @!p1 v1  }
0xaa: {  	[tilespmem:$0x2880] =	vst @!p1 v0  }
0xab: {  	v0 =	vld @!p1 [tilespmem:s23+$0x110];
	_ =	sdelay $0x4  }
0xac: {  	v1 =	vand.u32 @!p1 $0xFFFF, v0;
	v0 =	vshrl.u32 @!p1 v0, $0x10  }
0xad: {  	[tilespmem:$0x2810] =	vst @!p1 v1  }
0xae: {  	[tilespmem:$0x2890] =	vst @!p1 v0  }
0xaf: {  	v0 =	vld @!p1 [tilespmem:s23+$0x120];
	_ =	sdelay $0x4  }
0xb0: {  	v1 =	vand.u32 @!p1 $0xFFFF, v0;
	v0 =	vshrl.u32 @!p1 v0, $0x10  }
0xb1: {  	[tilespmem:$0x2820] =	vst @!p1 v1  }
0xb2: {  	[tilespmem:$0x28A0] =	vst @!p1 v0  }
0xb3: {  	v0 =	vld @!p1 [tilespmem:s23+$0x130];
	_ =	sdelay $0x4  }
0xb4: {  	v1 =	vand.u32 @!p1 $0xFFFF, v0;
	v0 =	vshrl.u32 @!p1 v0, $0x10  }
0xb5: {  	[tilespmem:$0x2830] =	vst @!p1 v1  }
0xb6: {  	[tilespmem:$0x28B0] =	vst @!p1 v0  }
0xb7: {  	v0 =	vld @!p1 [tilespmem:s23+$0x140];
	_ =	sdelay $0x4  }
0xb8: {  	v1 =	vand.u32 @!p1 $0xFFFF, v0;
	v0 =	vshrl.u32 @!p1 v0, $0x10  }
0xb9: {  	[tilespmem:$0x2840] =	vst @!p1 v1  }
0xba: {  	[tilespmem:$0x28C0] =	vst @!p1 v0  }
0xbb: {  	v0 =	vld @!p1 [tilespmem:s23+$0x150];
	_ =	sdelay $0x4  }
0xbc: {  	v1 =	vand.u32 @!p1 $0xFFFF, v0;
	v0 =	vshrl.u32 @!p1 v0, $0x10  }
0xbd: {  	[tilespmem:$0x2850] =	vst @!p1 v1  }
0xbe: {  	s25 =	simm.s32 @!p1 $0x80;
	s26 =	simm.s32 @!p1 $0x2800;
	s28 =	simm.s32 @!p1 $0x2A00;
	[tilespmem:$0x28D0] =	vst @!p1 v0  }
0xbf: {  	v0 =	vld @!p1 [tilespmem:s23+$0x160];
	_ =	sdelay $0x1  }
.Ltmp0:
0xc0: {  	(pc) =	sbr.rel @p0 .LBB2_2-.Ltmp0, $3  }
0xc1: {  	_ =	sdelay $0x1  }
0xc2: {  	v1 =	vand.u32 @!p1 $0xFFFF, v0;
	v0 =	vshrl.u32 @!p1 v0, $0x10  }
0xc3: {  	[tilespmem:$0x2860] =	vst @!p1 v1  }
0xc4: {  	[tilespmem:$0x28E0] =	vst @!p1 v0  }
0xc5: {  	v0 =	vld @!p1 [tilespmem:s23+$0x170];
	_ =	sdelay $0x4  }
0xc6: {  	v1 =	vand.u32 @!p1 $0xFFFF, v0  }
0xc7: {  	v0 =	vshrl.u32 @!p1 v0, $0x10;
	[tilespmem:$0x2870] =	vst @!p1 v1  }
0xc8: {  	[tilespmem:$0x28F0] =	vst @!p1 v0  }
0xc9: {  	[tilespmem:s28], [sflag:$0x1] =	stream.indirect.gather @!p1 [hbm4b:s4+s25], $0x80, s26, s25, $0xb8;
	[tilespmem:$0x1EA00] =	vst v63  }
0xca: {  	_ =	swait.ge [sflag:s19], $0x4000  }
0xcb: {  	[sflag:s19] =	ssyncset.done $0x0  }
0xcc: {  	[sflag:s19] =	ssyncadd.s32 $0xFFFFC000  }
0xcd: {  	[spmem:s2] =	stream.indirect.scatter.add.f32 [tilespmem:s16], [sflag:$0x3], $0x80, s20, s12, $0xb8;
	[tilespmem:$0x1EA00] =	vst v63  }
0xce: {  	_ =	swait.ge [sflag:s11], $0x4000  }
0xcf: {  	s21 =	sadd.s32 $0x1, s21;
	[sflag:s11] =	ssyncset.done $0x0  }
0xd0: {  	p0 =	sne.s32 s21, s9;
	[sflag:s11] =	ssyncadd.s32 $0xFFFFC000  }
.Ltmp1:
0xd1: {  	[bflag:$0x0] =	sbarrier.arrive $0xFFFF;
	(pc) =	sbr.rel @p0 .LBB2_1-.Ltmp1, $4  }
0xd2: {  	[hbm:s8], [sflag:s6] =	dma.local [spmem:s10], $0x2800  }
0xd3: {  	_ =	swait.ge [sflag:s11], $0x2800  }
0xd4: {  	[sflag:s11] =	ssyncset.done $0x0  }
0xd5: {  	[sflag:s11] =	ssyncadd.s32 $0xFFFFD800  }
0xd6: {  	_ =	sfence.sel $0x180000  }
0xd7: {  	[bflag:$0x0] =	sbarrier.arrive $0xFFFF  }
0xd8: {  	p0 =	sne.s32 s1, $0x0;
	_ =	strace $0x9000004A  }
0xd9: {  	s0 =	sadd.s32 @!p0 $0x100000, s0;
	[bflag:$0x2] =	sbarrier.arrive $0xFFFF  }
0xda: {  	[sflag:s0] =	ssyncadd.tile.s32 @!p0 $0x1;
	_ =	shalt  }
.Lfunc_end2:
_tile_overlayer_lowered:
.L_overlay_start_2:
0xdb: {  	(tag) =	ssettag $0x2  }
0xdc: {  	s0 =	rddreg [dreg:$0x0];
	s2 =	stileid.u32  }
0xdd: {  	s1 =	rddreg [dreg:$0x1];
	p0 =	sne.s32 s2, $0x0  }
0xde: {  	s3 =	rddreg [dreg:$0x2];
	[bflag:$0x3] =	sbarrier.arrive $0xFFFF;
	s2 =	simm.s32 @!p0 $0x1C03  }
0xdf: {  	[timem:s3], [sflag:s2] =	dma.local @!p0 [hbm:s0], s1  }
0xe0: {  	s0 =	simm.s32 @!p0 $0x3  }
0xe1: {  	_ =	swait.ge @!p0 [sflag:s0], s1  }
0xe2: {  	s1 =	ssub.s32 @!p0 $0x0, s1;
	[sflag:s0] =	ssyncset.done @!p0 $0x0  }
0xe3: {  	[sflag:s0] =	ssyncadd.s32 @!p0 s1  }
0xe4: {  	[bflag:$0x3] =	sbarrier.arrive $0xFFFF  }
0xe5: {  	_ =	shalt  }

// kernel: kernel.14.cloned.1.call-start
scs
__scs_entry_jumppad:
0x0: {  	(pc) =	sbr.rel $0x88, $3  }
0x1: {  	(tag) =	ssettag $0x0;
	lr =	simm.s32 $0x1  }
0x2: {  	[smem:$0x3F99] =	sst lr;
	_ =	strace $0xD0000000  }
0x3: {  	_ = 	snop  }
0x4: {  	_ = 	snop  }
0x5: {  	_ = 	snop  }
0x6: {  	_ = 	snop  }
0x7: {  	_ = 	snop  }
__scs_overlays_trampoline_lowered:
0x8: {  	[smem:$0x3FA8] =	sst s0  }
0x9: {  	[smem:$0x3FA9] =	sst s1  }
0xa: {  	[smem:$0x3FAA] =	sst s2  }
0xb: {  	[smem:$0x3FAB] =	sst s3  }
0xc: {  	[smem:$0x3FAC] =	sst s4  }
0xd: {  	[smem:$0x3FAD] =	sst s5  }
0xe: {  	[smem:$0x3FAE] =	sst s6  }
0xf: {  	[smem:$0x3FAF] =	sst s7  }
0x10: {  	[smem:$0x3FB0] =	sst s8  }
0x11: {  	[smem:$0x3FB1] =	sst s9;
	s0 =	simm.s32 @!p0 $0x0  }
0x12: {  	s1 =	sld [smem:$0x3F97];
	s0 =	simm.s32 @p0 $0x1  }
0x13: {  	[smem:$0x3FB2] =	sst s0;
	s0 =	simm.s32 @!p1 $0x0  }
0x14: {  	s2 =	sld [smem:$0x3F96];
	s0 =	simm.s32 @p1 $0x1  }
0x15: {  	[smem:$0x3FB3] =	sst s0;
	s0 =	simm.s32 @!p2 $0x0  }
0x16: {  	s3 =	sld [smem:$0x3FDB];
	s0 =	simm.s32 @p2 $0x1  }
0x17: {  	s4 =	simm.s32 $0x1BF5;
	[smem:$0x3FB5] =	sst s0  }
0x18: {  	s0 =	sld [smem:$0x3F98];
	_ =	swait.ge [sflag:s4], $0x0  }
0x19: {  	s7 =	sld [smem:$0x3F99]  }
0x1a: {  	s8 =	sadd.s32 $0xFFFFE003, lr  }
0x1b: {  	s9 =	sadd.s32 $0xFFFFFEF7, lr;
	s5 =	simm.s32 $0xFFFFFFFF;
	p2 =	slt.u32 s8, $0xFFFFF086  }
0x1c: {  	p1 =	slt.u32 s9, $0xF7A;
	s5 =	simm.s32 @!p2 $0x0  }
0x1d: {  	s5 =	simm.s32 @p1 $0x1;
	p0 =	seq.s32 s7, s2  }
0x1e: {  	s7 =	smul.u32 @!p0 $0xF7A, s2;
	p2 =	seq.s32 @!p0 s5, $0x0  }
0x1f: {  	s9 =	smul.u32 $0xF7A, s1;
	s8 =	simm.s32 @!p0 $0x1BF5;
	p2 =	por !p2, p0  }
0x20: {  	[sflag:s8] =	ssyncset.s32 @!p0 $0xFFFFF086;
	s6 =	sadd.s32 @!p0 s3, s7;
	s7 =	simm.s32 @!p0 $0x108  }
0x21: {  	s3 =	sadd.s32 s3, s9;
	s6 =	sadd.s32 @!p0 $0x88, s6;
	s7 =	simm.s32 @p2 $0x1082  }
0x22: {  	[simem:s7], [sflag:s8] =	dma.local @!p0 [hbm:s6], $0xF7A  }
0x23: {  	s9 =	sor.u32 $0xD0000000, s2;
	s6 =	simm.s32 $0x108;
	_ =	swait.ge @!p0 [sflag:s8], $0x0  }
0x24: {  	s3 =	sadd.s32 $0x88, s3;
	s6 =	simm.s32 @!p1 $0x1082;
	[sflag:s4] =	ssyncset.s32 $0xFFFFF086  }
0x25: {  	[simem:s6], [sflag:s4] =	dma.local [hbm:s3], $0xF7A  }
0x26: {  	[smem:$0x3F99] =	sst s1;
	(tag) =	ssettag s2;
	_ =	strace s9  }
0x27: {  	s1 =	sld [smem:$0x3FA9]  }
0x28: {  	s2 =	sld [smem:$0x3FAA]  }
0x29: {  	s4 =	sld [smem:$0x3FAC]  }
0x2a: {  	p0 =	seq.s32 s5, $0x0;
	s5 =	sld [smem:$0x3FAD]  }
0x2b: {  	s6 =	sld [smem:$0x3FAE]  }
0x2c: {  	s7 =	sld [smem:$0x3FAF]  }
0x2d: {  	s3 =	simm.s32 $0x108;
	s8 =	sld [smem:$0x3FB0]  }
0x2e: {  	s3 =	simm.s32 @!p0 $0x1082;
	s9 =	sld [smem:$0x3FB1]  }
0x2f: {  	lr =	sadd.s32 s0, s3;
	s0 =	sld [smem:$0x3FA8]  }
0x30: {  	s3 =	sld [smem:$0x3FAB]  }
0x31: {  	[smem:$0x3FB4] =	sst s10  }
0x32: {  	s10 =	sld [smem:$0x3FB2];
	_ =	sdelay $0x3  }
0x33: {  	p0 =	seq.s32 s10, $0x1;
	s10 =	sld [smem:$0x3FB4];
	_ =	sdelay $0x3  }
0x34: {  	[smem:$0x3FB4] =	sst s10  }
0x35: {  	s10 =	sld [smem:$0x3FB3];
	_ =	sdelay $0x3  }
0x36: {  	p1 =	seq.s32 s10, $0x1;
	s10 =	sld [smem:$0x3FB4];
	_ =	sdelay $0x3  }
0x37: {  	[smem:$0x3FB4] =	sst s10  }
0x38: {  	s10 =	sld [smem:$0x3FB5]  }
0x39: {  	_ = 	snop;
	(pc) =	sbr.ind lr, $3  }
0x3a: {  	_ = 	snop  }
0x3b: {  	_ = 	snop  }
0x3c: {  	p2 =	seq.s32 s10, $0x1;
	s10 =	sld [smem:$0x3FB4]  }
0x3d: {  	_ =	shalt  }
0x3e: {  	_ =	shalt  }
0x3f: {  	_ =	shalt  }
0x40: {  	_ =	shalt  }
0x41: {  	_ =	shalt  }
0x42: {  	_ =	shalt  }
0x43: {  	_ =	shalt  }
0x44: {  	_ =	shalt  }
0x45: {  	_ =	shalt  }
0x46: {  	_ =	shalt  }
0x47: {  	_ =	shalt  }
0x48: {  	_ =	shalt  }
0x49: {  	_ =	shalt  }
0x4a: {  	_ =	shalt  }
0x4b: {  	_ =	shalt  }
0x4c: {  	_ =	shalt  }
0x4d: {  	_ =	shalt  }
0x4e: {  	_ =	shalt  }
0x4f: {  	_ =	shalt  }
0x50: {  	_ =	shalt  }
0x51: {  	_ =	shalt  }
0x52: {  	_ =	shalt  }
0x53: {  	_ =	shalt  }
0x54: {  	_ =	shalt  }
0x55: {  	_ =	shalt  }
0x56: {  	_ =	shalt  }
0x57: {  	_ =	shalt  }
0x58: {  	_ =	shalt  }
0x59: {  	_ =	shalt  }
0x5a: {  	_ =	shalt  }
0x5b: {  	_ =	shalt  }
0x5c: {  	_ =	shalt  }
0x5d: {  	_ =	shalt  }
0x5e: {  	_ =	shalt  }
0x5f: {  	_ =	shalt  }
0x60: {  	_ =	shalt  }
0x61: {  	_ =	shalt  }
0x62: {  	_ =	shalt  }
0x63: {  	_ =	shalt  }
0x64: {  	_ =	shalt  }
0x65: {  	_ =	shalt  }
0x66: {  	_ =	shalt  }
0x67: {  	_ =	shalt  }
0x68: {  	_ =	shalt  }
0x69: {  	_ =	shalt  }
0x6a: {  	_ =	shalt  }
0x6b: {  	_ =	shalt  }
0x6c: {  	_ =	shalt  }
0x6d: {  	_ =	shalt  }
0x6e: {  	_ =	shalt  }
0x6f: {  	_ =	shalt  }
0x70: {  	_ =	shalt  }
0x71: {  	_ =	shalt  }
0x72: {  	_ =	shalt  }
0x73: {  	_ =	shalt  }
0x74: {  	_ =	shalt  }
0x75: {  	_ =	shalt  }
0x76: {  	_ =	shalt  }
0x77: {  	_ =	shalt  }
0x78: {  	_ =	shalt  }
0x79: {  	_ =	shalt  }
0x7a: {  	_ =	shalt  }
0x7b: {  	_ =	shalt  }
0x7c: {  	_ =	shalt  }
0x7d: {  	_ =	shalt  }
0x7e: {  	_ =	shalt  }
0x7f: {  	_ =	shalt  }
0x80: {  	_ =	shalt  }
0x81: {  	_ =	shalt  }
0x82: {  	_ =	shalt  }
0x83: {  	_ =	shalt  }
0x84: {  	_ =	shalt  }
0x85: {  	_ =	shalt  }
0x86: {  	_ =	shalt  }
0x87: {  	_ =	shalt  }
.Lfunc_end0:
.L_simem_size_0:
called_computation.2_lowered:
.L_overlay_start_0:
0x88: {  	s2 =	sld [smem:$0x3FD9]  }
0x89: {  	s3 =	sld [smem:$0x3FFE];
	_ =	sdelay $0x1  }
0x8a: {  	s1 =	srdreg.scid  }
0x8b: {  	s0 =	sand.u32 $0x1, s1  }
0x8c: {  	s17 =	sshll.u32 s0, $0xA;
	s2 =	sadd.s32 s3, s2  }
0x8d: {  	s2 =	sadd.s32 s2, s17  }
0x8e: {  	[smem:$0x3FC0] =	sst s2  }
0x8f: {  	_ = 	snop  }
0x90: {  	s2 =	sld [smem:$0x3FD0];
	(tm) =	ssettm $0x1  }
0x91: {  	s18 =	sld [smem:$0x3FFB];
	_ =	sdelay $0x3  }
0x92: {  	_ =	strace s18  }
0x93: {  	s3 =	sld [smem:$0x3FFC];
	_ =	sdelay $0x3  }
0x94: {  	_ =	strace s3  }
0x95: {  	s3 =	sld [smem:$0x3FFD];
	_ =	sdelay $0x3  }
0x96: {  	_ =	strace s3  }
0x97: {  	_ =	strace $0x8FFFFFFF  }
0x98: {  	s19 =	sld [smem:$0x3FDB];
	_ =	sdelay $0x1  }
0x99: {  	s4 =	simm.s32 $_scs_section_size  }
0x9a: {  	s5 =	simm.s32 $_size__tile_overlayer_lowered;
	s6 =	simm.s32 $_tile_overlayer_lowered  }
0x9b: {  	s22 =	simm.s32 $0x1BFF;
	s21 =	sshll.u32 s6, $0x1;
	s3 =	sadd.s32 s4, s19  }
0x9c: {  	s7 =	simm.s32 $0x0;
	s20 =	sshll.u32 s5, $0x1;
	s5 =	sadd.s32 s21, s3  }
0x9d: {  	[timem:s7], [sflag:s22] =	dma.local [hbm:s5], s20  }
0x9e: {  	_ =	swait.ge [sflag:s22], s20  }
0x9f: {  	s4 =	ssub.s32 $0x0, s20;
	[sflag:s22] =	ssyncset.done $0x0  }
0xa0: {  	[sflag:s22] =	ssyncadd.s32 s4;
	_ =	sdelay $0x1  }
0xa1: {  	s23 =	simm.s32 $0x1B8B  }
0xa2: {  	_ =	swait.ge [sflag:s23], $0x1  }
0xa3: {  	[sflag:s23] =	ssyncset.done $0x0  }
0xa4: {  	s25 =	simm.s32 $0x1B8E;
	s24 =	sld [smem:$0x3FFE];
	[sflag:s23] =	ssyncadd.s32 $0xFFFFFFFF  }
0xa5: {  	s26 =	simm.s32 $execute0_lowered;
	[smem:$0x3FD2] =	sst s25  }
0xa6: {  	s5 =	sshll.u32 s26, $0x1;
	_ =	strace $0x8000004C;
	[dreg:$0x1] =	wrdreg $0xFFFFFFFF  }
0xa7: {  	s28 =	simm.s32 $_size_execute0_lowered;
	s3 =	sadd.s32 s3, s5;
	[dreg:$0x0] =	wrdreg $0x0  }
0xa8: {  	s5 =	sshll.u32 s28, $0x1;
	[dreg:$0x2] =	wrdreg s3  }
0xa9: {  	[dreg:$0x3] =	wrdreg s5  }
0xaa: {  	[dreg:$0x4] =	wrdreg $0xC0  }
0xab: {  	_ =	task [dreg:s7], $0x5FFFF  }
0xac: {  	[dreg:$0x1] =	wrdreg $0xFFFFFFFF  }
0xad: {  	[dreg:$0x0] =	wrdreg $0x60  }
0xae: {  	[dreg:$0x2] =	wrdreg s24  }
0xaf: {  	[dreg:$0x3] =	wrdreg s2  }
0xb0: {  	[dreg:$0x4] =	wrdreg $0xAA000  }
0xb1: {  	[dreg:$0x5] =	wrdreg $0x9  }
0xb2: {  	_ =	task.clear_ibuf [dreg:s7], $0x6FFFF;
	_ =	strace $0x9000004C  }
0xb3: {  	s29 =	simm.s32 $0x9;
	_ =	strace $0x8000004E  }
0xb4: {  	_ =	swait.ge [sflag:s29], $0x1  }
0xb5: {  	[sflag:s29] =	ssyncadd.s32 $0xFFFFFFFF  }
0xb6: {  	_ =	strace $0x9000004E  }
0xb7: {  	_ =	sfence  }
0xb8: {  	s30 =	sld [smem:$0x0];
	_ =	sdelay $0x2  }
0xb9: {  	s31 =	sshll.u32 s1, $0xD;
	s1 =	sshrl.u32 s1, $0x2  }
0xba: {  	s3 =	sand.u32 $0x4000, s31;
	s1 =	sadd.s32 s1, s30  }
0xbb: {  	s0 =	sor.u32 s3, s0;
	s1 =	sshll.u32 s1, $0x11  }
0xbc: {  	s0 =	sor.u32 s1, s0  }
0xbd: {  	s0 =	sadd.s32 $0x8F2B, s0  }
0xbe: {  	[sflag:s0] =	ssyncadd.remote.s32 $0x1  }
0xbf: {  	_ =	sfence.sel $0xFFFF  }
0xc0: {  	[dreg:$0x0] =	wrdreg $0xFFFFFFFF;
	(pc) =	sbr.abs _section_cstart, $3  }
0xc1: {  	[dreg:$0x1] =	wrdreg $0xFFFFFFFF  }
0xc2: {  	_ =	task.clear_ibuf [dreg:s7], $0x2FFFF;
	_ =	strace $0x9FFFFFFF  }
0xc3: {  	(tm) =	ssettm $0x7FFFFFFF  }
tec
execute0_lowered:
.L_overlay_start_1:
0x0: {  	(tag) =	ssettag $0x1  }
0x1: {  	s6 =	rddreg [dreg:$0x0]  }
0x2: {  	s7 =	rddreg [dreg:$0x1]  }
0x3: {  	s0 =	srdreg.scid;
	s2 =	rddreg [dreg:$0x2]  }
0x4: {  	s1 =	stileid.u32;
	s3 =	simm.s32 $0x0;
	s13 =	simm.s32 $0x2800  }
0x5: {  	s14 =	simm.s32 $0x2A00;
	s15 =	simm.s32 $0x2900;
	s16 =	simm.s32 $0x6A00  }
0x6: {  	s17 =	simm.s32 $0x1;
	s18 =	simm.s32 $0x2880;
	s19 =	simm.s32 $0x2  }
0x7: {  	s20 =	simm.s32 $0x2980;
	s8 =	sand.u32 $0x1, s0;
	s0 =	rddreg [dreg:$0x3]  }
0x8: {  	s21 =	simm.s32 $0x0;
	s5 =	smul.u32 $0x14000, s1;
	[smem:$0x7FF] =	sst s3  }
0x9: {  	s11 =	smul.u32 $0x50000, s1;
	s12 =	sshll.u32 s1, $0x1;
	s31 =	sshll.u32 s1, $0x6  }
0xa: {  	s4 =	smul.u32 $0x140000, s8;
	_ =	strace $0x8000004D;
	s10 =	ssub.s32 $0x2, s8  }
0xb: {  	s8 =	sor.u32 s8, s12;
	s12 =	simm.s32 $0x80;
	s30 =	sshrl.u32 s10, $0x1  }
0xc: {  	s11 =	sshrl.u32 s11, $0x2;
	s8 =	smul.u32 $0x500, s8;
	s9 =	sadd.s32 s5, s4  }
0xd: {  	s4 =	sadd.s32 $0xF200, s6;
	s5 =	sadd.s32 $0xCA00, s6;
	s9 =	sshrl.u32 s9, $0x3  }
0xe: {  	s10 =	ssub.s32 s10, s30;
	s11 =	sadd.s32 s11, s2;
	s9 =	sadd.s32 s9, s6  }
0xf: {  	s7 =	sadd.s32 s7, s8;
	s6 =	sor.u32 $0x1C03, s31;
	s8 =	sadd.s32 $0x36400, s9  }
0x10: {  	s9 =	smax.u32 s10, $0x1;
	s10 =	sshrl.u32 s11, $0x3;
	s11 =	simm.s32 $0x3  }
.LBB2_1:
0x11: {  	[spmem:s10], [sflag:s6] =	dma.local [hbm:s5], $0x2800  }
0x12: {  	_ =	swait.ge [sflag:s11], $0x2800  }
0x13: {  	[sflag:s11] =	ssyncset.done $0x0  }
0x14: {  	[sflag:s11] =	ssyncadd.s32 $0xFFFFD800  }
0x15: {  	[tilespmem:s3], [sflag:$0x3] =	stream.linear.gather [hbm4b:s7+s3], $0x2800, $0x38;
	[tilespmem:$0x1EA00] =	vst v63  }
0x16: {  	_ =	swait.ge [sflag:s11], $0x2800  }
0x17: {  	[sflag:s11] =	ssyncset.done $0x0  }
0x18: {  	[sflag:s11] =	ssyncadd.s32 $0xFFFFD800  }
0x19: {  	[bflag:$0x0] =	sbarrier.arrive $0xFFFF  }
0x1a: {  	v0 =	vld [tilespmem:$0x0];
	_ =	sdelay $0x1  }
0x1b: {  	v1 =	vld [tilespmem:$0x10];
	_ =	sdelay $0x1  }
0x1c: {  	v2 =	vld [tilespmem:$0x20]  }
0x1d: {  	v3 =	vand.u32 $0xFFFF, v0  }
0x1e: {  	v0 =	vshrl.u32 v0, $0x10;
	[tilespmem:$0x2800] =	vst v3;
	v3 =	vld [tilespmem:$0x30]  }
0x1f: {  	[tilespmem:$0x2880] =	vst v0;
	v0 =	vand.u32 $0xFFFF, v1  }
0x20: {  	[tilespmem:$0x2810] =	vst v0;
	v0 =	vshrl.u32 v1, $0x10;
	v1 =	vld [tilespmem:$0x40]  }
0x21: {  	[tilespmem:$0x2890] =	vst v0;
	v0 =	vand.u32 $0xFFFF, v2  }
0x22: {  	[tilespmem:$0x2820] =	vst v0;
	v0 =	vshrl.u32 v2, $0x10;
	v2 =	vld [tilespmem:$0x50]  }
0x23: {  	[tilespmem:$0x28A0] =	vst v0;
	v0 =	vand.u32 $0xFFFF, v3  }
0x24: {  	[tilespmem:$0x2830] =	vst v0;
	v0 =	vshrl.u32 v3, $0x10;
	v3 =	vld [tilespmem:$0x60]  }
0x25: {  	[tilespmem:$0x28B0] =	vst v0;
	v0 =	vand.u32 $0xFFFF, v1  }
0x26: {  	[tilespmem:$0x2840] =	vst v0;
	v0 =	vshrl.u32 v1, $0x10;
	v1 =	vld [tilespmem:$0x70]  }
0x27: {  	[tilespmem:$0x28C0] =	vst v0;
	v0 =	vand.u32 $0xFFFF, v2  }
0x28: {  	[tilespmem:$0x2850] =	vst v0;
	v0 =	vshrl.u32 v2, $0x10  }
0x29: {  	[tilespmem:$0x28D0] =	vst v0;
	v0 =	vand.u32 $0xFFFF, v3  }
0x2a: {  	[tilespmem:$0x2860] =	vst v0;
	v0 =	vshrl.u32 v3, $0x10  }
0x2b: {  	[tilespmem:$0x28E0] =	vst v0;
	v0 =	vand.u32 $0xFFFF, v1  }
0x2c: {  	[tilespmem:$0x2870] =	vst v0;
	v0 =	vshrl.u32 v1, $0x10  }
0x2d: {  	s22 =	simm.s32 $0x0;
	[tilespmem:$0x28F0] =	vst v0  }
0x2e: {  	[tilespmem:s14], [sflag:$0x1] =	stream.indirect.gather [hbm4b:s4+s12], $0x80, s13, s12, $0xb8;
	[tilespmem:$0x1EA00] =	vst v63  }
0x2f: {  	v0 =	vld [tilespmem:s22+$0x80];
	_ =	sdelay $0x4  }
0x30: {  	v1 =	vand.u32 $0xFFFF, v0  }
0x31: {  	v0 =	vshrl.u32 v0, $0x10;
	[tilespmem:$0x2900] =	vst v1  }
0x32: {  	[tilespmem:$0x2980] =	vst v0  }
0x33: {  	v0 =	vld [tilespmem:s22+$0x90];
	_ =	sdelay $0x4  }
0x34: {  	v1 =	vand.u32 $0xFFFF, v0  }
0x35: {  	v0 =	vshrl.u32 v0, $0x10;
	[tilespmem:$0x2910] =	vst v1  }
0x36: {  	[tilespmem:$0x2990] =	vst v0  }
0x37: {  	v0 =	vld [tilespmem:s22+$0xA0];
	_ =	sdelay $0x4  }
0x38: {  	v1 =	vand.u32 $0xFFFF, v0  }
0x39: {  	v0 =	vshrl.u32 v0, $0x10;
	[tilespmem:$0x2920] =	vst v1  }
0x3a: {  	[tilespmem:$0x29A0] =	vst v0  }
0x3b: {  	v0 =	vld [tilespmem:s22+$0xB0];
	_ =	sdelay $0x4  }
0x3c: {  	v1 =	vand.u32 $0xFFFF, v0  }
0x3d: {  	v0 =	vshrl.u32 v0, $0x10;
	[tilespmem:$0x2930] =	vst v1  }
0x3e: {  	[tilespmem:$0x29B0] =	vst v0  }
0x3f: {  	v0 =	vld [tilespmem:s22+$0xC0];
	_ =	sdelay $0x4  }
0x40: {  	v1 =	vand.u32 $0xFFFF, v0  }
0x41: {  	v0 =	vshrl.u32 v0, $0x10;
	[tilespmem:$0x2940] =	vst v1  }
0x42: {  	[tilespmem:$0x29C0] =	vst v0  }
0x43: {  	v0 =	vld [tilespmem:s22+$0xD0];
	_ =	sdelay $0x4  }
0x44: {  	v1 =	vand.u32 $0xFFFF, v0  }
0x45: {  	v0 =	vshrl.u32 v0, $0x10;
	[tilespmem:$0x2950] =	vst v1  }
0x46: {  	[tilespmem:$0x29D0] =	vst v0  }
0x47: {  	v0 =	vld [tilespmem:s22+$0xE0];
	_ =	sdelay $0x4  }
0x48: {  	v1 =	vand.u32 $0xFFFF, v0  }
0x49: {  	v0 =	vshrl.u32 v0, $0x10;
	[tilespmem:$0x2960] =	vst v1  }
0x4a: {  	[tilespmem:$0x29E0] =	vst v0  }
0x4b: {  	v0 =	vld [tilespmem:s22+$0xF0];
	_ =	sdelay $0x4  }
0x4c: {  	v1 =	vand.u32 $0xFFFF, v0  }
0x4d: {  	v0 =	vshrl.u32 v0, $0x10;
	[tilespmem:$0x2970] =	vst v1  }
0x4e: {  	[tilespmem:$0x29F0] =	vst v0  }
0x4f: {  	[tilespmem:s16], [sflag:$0x2] =	stream.indirect.gather [hbm4b:s4+s12], $0x80, s15, s12, $0xb8;
	[tilespmem:$0x1EA00] =	vst v63  }
0x50: {  	_ =	swait.ge [sflag:s17], $0x4000  }
0x51: {  	[sflag:s17] =	ssyncset.done $0x0  }
0x52: {  	[sflag:s17] =	ssyncadd.s32 $0xFFFFC000  }
0x53: {  	[spmem:s2] =	stream.indirect.scatter.add.f32 [tilespmem:s14], [sflag:$0x3], $0x80, s18, s12, $0xb8;
	[tilespmem:$0x1EA00] =	vst v63  }
0x54: {  	_ =	swait.ge [sflag:s11], $0x4000  }
0x55: {  	p1 =	por $0x0, $0x0;
	[sflag:s11] =	ssyncset.done $0x0  }
0x56: {  	s23 =	simm.s32 @!p1 $0x0;
	[sflag:s11] =	ssyncadd.s32 $0xFFFFC000  }
0x57: {  	v0 =	vld @!p1 [tilespmem:s23+$0x100];
	_ =	sdelay $0x4  }
0x58: {  	v1 =	vand.u32 @!p1 $0xFFFF, v0  }
0x59: {  	v0 =	vshrl.u32 @!p1 v0, $0x10;
	[tilespmem:$0x2800] =	vst @!p1 v1  }
0x5a: {  	[tilespmem:$0x2880] =	vst @!p1 v0  }
0x5b: {  	v0 =	vld @!p1 [tilespmem:s23+$0x110];
	_ =	sdelay $0x4  }
0x5c: {  	v1 =	vand.u32 @!p1 $0xFFFF, v0  }
0x5d: {  	v0 =	vshrl.u32 @!p1 v0, $0x10;
	[tilespmem:$0x2810] =	vst @!p1 v1  }
0x5e: {  	[tilespmem:$0x2890] =	vst @!p1 v0  }
0x5f: {  	v0 =	vld @!p1 [tilespmem:s23+$0x120];
	_ =	sdelay $0x4  }
0x60: {  	v1 =	vand.u32 @!p1 $0xFFFF, v0  }
0x61: {  	v0 =	vshrl.u32 @!p1 v0, $0x10;
	[tilespmem:$0x2820] =	vst @!p1 v1  }
0x62: {  	[tilespmem:$0x28A0] =	vst @!p1 v0  }
0x63: {  	v0 =	vld @!p1 [tilespmem:s23+$0x130];
	_ =	sdelay $0x4  }
0x64: {  	v1 =	vand.u32 @!p1 $0xFFFF, v0  }
0x65: {  	v0 =	vshrl.u32 @!p1 v0, $0x10;
	[tilespmem:$0x2830] =	vst @!p1 v1  }
0x66: {  	[tilespmem:$0x28B0] =	vst @!p1 v0  }
0x67: {  	v0 =	vld @!p1 [tilespmem:s23+$0x140];
	_ =	sdelay $0x4  }
0x68: {  	v1 =	vand.u32 @!p1 $0xFFFF, v0  }
0x69: {  	v0 =	vshrl.u32 @!p1 v0, $0x10;
	[tilespmem:$0x2840] =	vst @!p1 v1  }
0x6a: {  	[tilespmem:$0x28C0] =	vst @!p1 v0  }
0x6b: {  	v0 =	vld @!p1 [tilespmem:s23+$0x150];
	_ =	sdelay $0x4  }
0x6c: {  	v1 =	vand.u32 @!p1 $0xFFFF, v0  }
0x6d: {  	v0 =	vshrl.u32 @!p1 v0, $0x10;
	[tilespmem:$0x2850] =	vst @!p1 v1  }
0x6e: {  	[tilespmem:$0x28D0] =	vst @!p1 v0  }
0x6f: {  	v0 =	vld @!p1 [tilespmem:s23+$0x160];
	_ =	sdelay $0x4  }
0x70: {  	s25 =	simm.s32 @!p1 $0x80;
	v1 =	vand.u32 @!p1 $0xFFFF, v0  }
0x71: {  	s26 =	simm.s32 @!p1 $0x2800;
	s28 =	simm.s32 @!p1 $0x2A00;
	s22 =	simm.s32 $0x400;
	v0 =	vshrl.u32 @!p1 v0, $0x10;
	[tilespmem:$0x2860] =	vst @!p1 v1  }
.LBB2_2:
0x72: {  	[tilespmem:$0x28E0] =	vst @!p1 v0;
	s24 =	smov.u32 s22;
	s22 =	sadd.s32 $0x400, s22  }
0x73: {  	p0 =	sne.s32 s22, $0xA000;
	v0 =	vld @!p1 [tilespmem:s23+$0x170];
	_ =	sdelay $0x4  }
0x74: {  	v1 =	vand.u32 @!p1 $0xFFFF, v0;
	v0 =	vshrl.u32 @!p1 v0, $0x10  }
0x75: {  	[tilespmem:$0x2870] =	vst @!p1 v1  }
0x76: {  	[tilespmem:$0x28F0] =	vst @!p1 v0  }
0x77: {  	[tilespmem:s28], [sflag:$0x1] =	stream.indirect.gather @!p1 [hbm4b:s4+s25], $0x80, s26, s25, $0xb8;
	[tilespmem:$0x1EA00] =	vst v63  }
0x78: {  	_ =	swait.ge [sflag:s19], $0x4000  }
0x79: {  	[sflag:s19] =	ssyncset.done $0x0  }
0x7a: {  	[sflag:s19] =	ssyncadd.s32 $0xFFFFC000  }
0x7b: {  	[spmem:s2] =	stream.indirect.scatter.add.f32 [tilespmem:s16], [sflag:$0x3], $0x80, s20, s12, $0xb8;
	[tilespmem:$0x1EA00] =	vst v63  }
0x7c: {  	_ =	swait.ge [sflag:s11], $0x4000  }
0x7d: {  	[sflag:s11] =	ssyncset.done $0x0  }
0x7e: {  	s23 =	sshra.s32 s24, $0x2;
	[sflag:s11] =	ssyncadd.s32 $0xFFFFC000  }
0x7f: {  	v0 =	vld [tilespmem:s23+$0x80];
	_ =	sdelay $0x4  }
0x80: {  	v1 =	vand.u32 $0xFFFF, v0;
	v0 =	vshrl.u32 v0, $0x10  }
0x81: {  	[tilespmem:$0x2900] =	vst v1  }
0x82: {  	[tilespmem:$0x2980] =	vst v0  }
0x83: {  	v0 =	vld [tilespmem:s23+$0x90];
	_ =	sdelay $0x4  }
0x84: {  	v1 =	vand.u32 $0xFFFF, v0;
	v0 =	vshrl.u32 v0, $0x10  }
0x85: {  	[tilespmem:$0x2910] =	vst v1  }
0x86: {  	[tilespmem:$0x2990] =	vst v0  }
0x87: {  	v0 =	vld [tilespmem:s23+$0xA0];
	_ =	sdelay $0x4  }
0x88: {  	v1 =	vand.u32 $0xFFFF, v0;
	v0 =	vshrl.u32 v0, $0x10  }
0x89: {  	[tilespmem:$0x2920] =	vst v1  }
0x8a: {  	[tilespmem:$0x29A0] =	vst v0  }
0x8b: {  	v0 =	vld [tilespmem:s23+$0xB0];
	_ =	sdelay $0x4  }
0x8c: {  	v1 =	vand.u32 $0xFFFF, v0;
	v0 =	vshrl.u32 v0, $0x10  }
0x8d: {  	[tilespmem:$0x2930] =	vst v1  }
0x8e: {  	[tilespmem:$0x29B0] =	vst v0  }
0x8f: {  	v0 =	vld [tilespmem:s23+$0xC0];
	_ =	sdelay $0x4  }
0x90: {  	v1 =	vand.u32 $0xFFFF, v0;
	v0 =	vshrl.u32 v0, $0x10  }
0x91: {  	[tilespmem:$0x2940] =	vst v1  }
0x92: {  	[tilespmem:$0x29C0] =	vst v0  }
0x93: {  	v0 =	vld [tilespmem:s23+$0xD0];
	_ =	sdelay $0x4  }
0x94: {  	v1 =	vand.u32 $0xFFFF, v0;
	v0 =	vshrl.u32 v0, $0x10  }
0x95: {  	[tilespmem:$0x2950] =	vst v1  }
0x96: {  	[tilespmem:$0x29D0] =	vst v0  }
0x97: {  	v0 =	vld [tilespmem:s23+$0xE0];
	_ =	sdelay $0x4  }
0x98: {  	v1 =	vand.u32 $0xFFFF, v0;
	v0 =	vshrl.u32 v0, $0x10  }
0x99: {  	[tilespmem:$0x2960] =	vst v1  }
0x9a: {  	[tilespmem:$0x29E0] =	vst v0  }
0x9b: {  	v0 =	vld [tilespmem:s23+$0xF0];
	_ =	sdelay $0x4  }
0x9c: {  	v1 =	vand.u32 $0xFFFF, v0;
	v0 =	vshrl.u32 v0, $0x10  }
0x9d: {  	p1 =	seq.s32 s24, $0x9C00;
	[tilespmem:$0x2970] =	vst v1  }
0x9e: {  	s23 =	sshra.s32 @!p1 s24, $0x2;
	[tilespmem:$0x29F0] =	vst v0  }
0x9f: {  	[tilespmem:s16], [sflag:$0x2] =	stream.indirect.gather [hbm4b:s4+s12], $0x80, s15, s12, $0xb8;
	[tilespmem:$0x1EA00] =	vst v63  }
0xa0: {  	_ =	swait.ge [sflag:s17], $0x4000  }
0xa1: {  	[sflag:s17] =	ssyncset.done $0x0  }
0xa2: {  	[sflag:s17] =	ssyncadd.s32 $0xFFFFC000  }
0xa3: {  	[spmem:s2] =	stream.indirect.scatter.add.f32 [tilespmem:s14], [sflag:$0x3], $0x80, s18, s12, $0xb8;
	[tilespmem:$0x1EA00] =	vst v63  }
0xa4: {  	_ =	swait.ge [sflag:s11], $0x4000  }
0xa5: {  	[sflag:s11] =	ssyncset.done $0x0  }
0xa6: {  	[sflag:s11] =	ssyncadd.s32 $0xFFFFC000  }
0xa7: {  	v0 =	vld @!p1 [tilespmem:s23+$0x100];
	_ =	sdelay $0x4  }
0xa8: {  	v1 =	vand.u32 @!p1 $0xFFFF, v0;
	v0 =	vshrl.u32 @!p1 v0, $0x10  }
0xa9: {  	[tilespmem:$0x2800] =	vst @!p1 v1  }
0xaa: {  	[tilespmem:$0x2880] =	vst @!p1 v0  }
0xab: {  	v0 =	vld @!p1 [tilespmem:s23+$0x110];
	_ =	sdelay $0x4  }
0xac: {  	v1 =	vand.u32 @!p1 $0xFFFF, v0;
	v0 =	vshrl.u32 @!p1 v0, $0x10  }
0xad: {  	[tilespmem:$0x2810] =	vst @!p1 v1  }
0xae: {  	[tilespmem:$0x2890] =	vst @!p1 v0  }
0xaf: {  	v0 =	vld @!p1 [tilespmem:s23+$0x120];
	_ =	sdelay $0x4  }
0xb0: {  	v1 =	vand.u32 @!p1 $0xFFFF, v0;
	v0 =	vshrl.u32 @!p1 v0, $0x10  }
0xb1: {  	[tilespmem:$0x2820] =	vst @!p1 v1  }
0xb2: {  	[tilespmem:$0x28A0] =	vst @!p1 v0  }
0xb3: {  	v0 =	vld @!p1 [tilespmem:s23+$0x130];
	_ =	sdelay $0x4  }
0xb4: {  	v1 =	vand.u32 @!p1 $0xFFFF, v0;
	v0 =	vshrl.u32 @!p1 v0, $0x10  }
0xb5: {  	[tilespmem:$0x2830] =	vst @!p1 v1  }
0xb6: {  	[tilespmem:$0x28B0] =	vst @!p1 v0  }
0xb7: {  	v0 =	vld @!p1 [tilespmem:s23+$0x140];
	_ =	sdelay $0x4  }
0xb8: {  	v1 =	vand.u32 @!p1 $0xFFFF, v0;
	v0 =	vshrl.u32 @!p1 v0, $0x10  }
0xb9: {  	[tilespmem:$0x2840] =	vst @!p1 v1  }
0xba: {  	[tilespmem:$0x28C0] =	vst @!p1 v0  }
0xbb: {  	v0 =	vld @!p1 [tilespmem:s23+$0x150];
	_ =	sdelay $0x4  }
0xbc: {  	v1 =	vand.u32 @!p1 $0xFFFF, v0;
	v0 =	vshrl.u32 @!p1 v0, $0x10  }
0xbd: {  	[tilespmem:$0x2850] =	vst @!p1 v1  }
0xbe: {  	s25 =	simm.s32 @!p1 $0x80;
	s26 =	simm.s32 @!p1 $0x2800;
	s28 =	simm.s32 @!p1 $0x2A00;
	[tilespmem:$0x28D0] =	vst @!p1 v0  }
0xbf: {  	v0 =	vld @!p1 [tilespmem:s23+$0x160];
	_ =	sdelay $0x1  }
.Ltmp0:
0xc0: {  	(pc) =	sbr.rel @p0 .LBB2_2-.Ltmp0, $3  }
0xc1: {  	_ =	sdelay $0x1  }
0xc2: {  	v1 =	vand.u32 @!p1 $0xFFFF, v0;
	v0 =	vshrl.u32 @!p1 v0, $0x10  }
0xc3: {  	[tilespmem:$0x2860] =	vst @!p1 v1  }
0xc4: {  	[tilespmem:$0x28E0] =	vst @!p1 v0  }
0xc5: {  	v0 =	vld @!p1 [tilespmem:s23+$0x170];
	_ =	sdelay $0x4  }
0xc6: {  	v1 =	vand.u32 @!p1 $0xFFFF, v0  }
0xc7: {  	v0 =	vshrl.u32 @!p1 v0, $0x10;
	[tilespmem:$0x2870] =	vst @!p1 v1  }
0xc8: {  	[tilespmem:$0x28F0] =	vst @!p1 v0  }
0xc9: {  	[tilespmem:s28], [sflag:$0x1] =	stream.indirect.gather @!p1 [hbm4b:s4+s25], $0x80, s26, s25, $0xb8;
	[tilespmem:$0x1EA00] =	vst v63  }
0xca: {  	_ =	swait.ge [sflag:s19], $0x4000  }
0xcb: {  	[sflag:s19] =	ssyncset.done $0x0  }
0xcc: {  	[sflag:s19] =	ssyncadd.s32 $0xFFFFC000  }
0xcd: {  	[spmem:s2] =	stream.indirect.scatter.add.f32 [tilespmem:s16], [sflag:$0x3], $0x80, s20, s12, $0xb8;
	[tilespmem:$0x1EA00] =	vst v63  }
0xce: {  	_ =	swait.ge [sflag:s11], $0x4000  }
0xcf: {  	s21 =	sadd.s32 $0x1, s21;
	[sflag:s11] =	ssyncset.done $0x0  }
0xd0: {  	p0 =	sne.s32 s21, s9;
	[sflag:s11] =	ssyncadd.s32 $0xFFFFC000  }
.Ltmp1:
0xd1: {  	[bflag:$0x0] =	sbarrier.arrive $0xFFFF;
	(pc) =	sbr.rel @p0 .LBB2_1-.Ltmp1, $4  }
0xd2: {  	[hbm:s8], [sflag:s6] =	dma.local [spmem:s10], $0x2800  }
0xd3: {  	_ =	swait.ge [sflag:s11], $0x2800  }
0xd4: {  	[sflag:s11] =	ssyncset.done $0x0  }
0xd5: {  	[sflag:s11] =	ssyncadd.s32 $0xFFFFD800  }
0xd6: {  	_ =	sfence.sel $0x180000  }
0xd7: {  	[bflag:$0x0] =	sbarrier.arrive $0xFFFF  }
0xd8: {  	p0 =	sne.s32 s1, $0x0;
	_ =	strace $0x9000004D  }
0xd9: {  	s0 =	sadd.s32 @!p0 $0x100000, s0;
	[bflag:$0x2] =	sbarrier.arrive $0xFFFF  }
0xda: {  	[sflag:s0] =	ssyncadd.tile.s32 @!p0 $0x1;
	_ =	shalt  }
.Lfunc_end2:
_tile_overlayer_lowered:
.L_overlay_start_2:
0xdb: {  	(tag) =	ssettag $0x2  }
0xdc: {  	s0 =	rddreg [dreg:$0x0];
	s2 =	stileid.u32  }
0xdd: {  	s1 =	rddreg [dreg:$0x1];
	p0 =	sne.s32 s2, $0x0  }
0xde: {  	s3 =	rddreg [dreg:$0x2];
	[bflag:$0x3] =	sbarrier.arrive $0xFFFF;
	s2 =	simm.s32 @!p0 $0x1C03  }
0xdf: {  	[timem:s3], [sflag:s2] =	dma.local @!p0 [hbm:s0], s1  }
0xe0: {  	s0 =	simm.s32 @!p0 $0x3  }
0xe1: {  	_ =	swait.ge @!p0 [sflag:s0], s1  }
0xe2: {  	s1 =	ssub.s32 @!p0 $0x0, s1;
	[sflag:s0] =	ssyncset.done @!p0 $0x0  }
0xe3: {  	[sflag:s0] =	ssyncadd.s32 @!p0 s1  }
0xe4: {  	[bflag:$0x3] =	sbarrier.arrive $0xFFFF  }
0xe5: {  	_ =	shalt  }

// kernel: kernel.8.cloned.1.call-start
scs
__scs_entry_jumppad:
0x0: {  	(pc) =	sbr.rel $0x88, $3  }
0x1: {  	(tag) =	ssettag $0x0;
	lr =	simm.s32 $0x1  }
0x2: {  	[smem:$0x3F99] =	sst lr;
	_ =	strace $0xD0000000  }
0x3: {  	_ = 	snop  }
0x4: {  	_ = 	snop  }
0x5: {  	_ = 	snop  }
0x6: {  	_ = 	snop  }
0x7: {  	_ = 	snop  }
__scs_overlays_trampoline_lowered:
0x8: {  	[smem:$0x3FA8] =	sst s0  }
0x9: {  	[smem:$0x3FA9] =	sst s1  }
0xa: {  	[smem:$0x3FAA] =	sst s2  }
0xb: {  	[smem:$0x3FAB] =	sst s3  }
0xc: {  	[smem:$0x3FAC] =	sst s4  }
0xd: {  	[smem:$0x3FAD] =	sst s5  }
0xe: {  	[smem:$0x3FAE] =	sst s6  }
0xf: {  	[smem:$0x3FAF] =	sst s7  }
0x10: {  	[smem:$0x3FB0] =	sst s8  }
0x11: {  	[smem:$0x3FB1] =	sst s9;
	s0 =	simm.s32 @!p0 $0x0  }
0x12: {  	s1 =	sld [smem:$0x3F97];
	s0 =	simm.s32 @p0 $0x1  }
0x13: {  	[smem:$0x3FB2] =	sst s0;
	s0 =	simm.s32 @!p1 $0x0  }
0x14: {  	s2 =	sld [smem:$0x3F96];
	s0 =	simm.s32 @p1 $0x1  }
0x15: {  	[smem:$0x3FB3] =	sst s0;
	s0 =	simm.s32 @!p2 $0x0  }
0x16: {  	s3 =	sld [smem:$0x3FDB];
	s0 =	simm.s32 @p2 $0x1  }
0x17: {  	s4 =	simm.s32 $0x1BF5;
	[smem:$0x3FB5] =	sst s0  }
0x18: {  	s0 =	sld [smem:$0x3F98];
	_ =	swait.ge [sflag:s4], $0x0  }
0x19: {  	s7 =	sld [smem:$0x3F99]  }
0x1a: {  	s8 =	sadd.s32 $0xFFFFE003, lr  }
0x1b: {  	s9 =	sadd.s32 $0xFFFFFEF7, lr;
	s5 =	simm.s32 $0xFFFFFFFF;
	p2 =	slt.u32 s8, $0xFFFFF086  }
0x1c: {  	p1 =	slt.u32 s9, $0xF7A;
	s5 =	simm.s32 @!p2 $0x0  }
0x1d: {  	s5 =	simm.s32 @p1 $0x1;
	p0 =	seq.s32 s7, s2  }
0x1e: {  	s7 =	smul.u32 @!p0 $0xF7A, s2;
	p2 =	seq.s32 @!p0 s5, $0x0  }
0x1f: {  	s9 =	smul.u32 $0xF7A, s1;
	s8 =	simm.s32 @!p0 $0x1BF5;
	p2 =	por !p2, p0  }
0x20: {  	[sflag:s8] =	ssyncset.s32 @!p0 $0xFFFFF086;
	s6 =	sadd.s32 @!p0 s3, s7;
	s7 =	simm.s32 @!p0 $0x108  }
0x21: {  	s3 =	sadd.s32 s3, s9;
	s6 =	sadd.s32 @!p0 $0x88, s6;
	s7 =	simm.s32 @p2 $0x1082  }
0x22: {  	[simem:s7], [sflag:s8] =	dma.local @!p0 [hbm:s6], $0xF7A  }
0x23: {  	s9 =	sor.u32 $0xD0000000, s2;
	s6 =	simm.s32 $0x108;
	_ =	swait.ge @!p0 [sflag:s8], $0x0  }
0x24: {  	s3 =	sadd.s32 $0x88, s3;
	s6 =	simm.s32 @!p1 $0x1082;
	[sflag:s4] =	ssyncset.s32 $0xFFFFF086  }
0x25: {  	[simem:s6], [sflag:s4] =	dma.local [hbm:s3], $0xF7A  }
0x26: {  	[smem:$0x3F99] =	sst s1;
	(tag) =	ssettag s2;
	_ =	strace s9  }
0x27: {  	s1 =	sld [smem:$0x3FA9]  }
0x28: {  	s2 =	sld [smem:$0x3FAA]  }
0x29: {  	s4 =	sld [smem:$0x3FAC]  }
0x2a: {  	p0 =	seq.s32 s5, $0x0;
	s5 =	sld [smem:$0x3FAD]  }
0x2b: {  	s6 =	sld [smem:$0x3FAE]  }
0x2c: {  	s7 =	sld [smem:$0x3FAF]  }
0x2d: {  	s3 =	simm.s32 $0x108;
	s8 =	sld [smem:$0x3FB0]  }
0x2e: {  	s3 =	simm.s32 @!p0 $0x1082;
	s9 =	sld [smem:$0x3FB1]  }
0x2f: {  	lr =	sadd.s32 s0, s3;
	s0 =	sld [smem:$0x3FA8]  }
0x30: {  	s3 =	sld [smem:$0x3FAB]  }
0x31: {  	[smem:$0x3FB4] =	sst s10  }
0x32: {  	s10 =	sld [smem:$0x3FB2];
	_ =	sdelay $0x3  }
0x33: {  	p0 =	seq.s32 s10, $0x1;
	s10 =	sld [smem:$0x3FB4];
	_ =	sdelay $0x3  }
0x34: {  	[smem:$0x3FB4] =	sst s10  }
0x35: {  	s10 =	sld [smem:$0x3FB3];
	_ =	sdelay $0x3  }
0x36: {  	p1 =	seq.s32 s10, $0x1;
	s10 =	sld [smem:$0x3FB4];
	_ =	sdelay $0x3  }
0x37: {  	[smem:$0x3FB4] =	sst s10  }
0x38: {  	s10 =	sld [smem:$0x3FB5]  }
0x39: {  	_ = 	snop;
	(pc) =	sbr.ind lr, $3  }
0x3a: {  	_ = 	snop  }
0x3b: {  	_ = 	snop  }
0x3c: {  	p2 =	seq.s32 s10, $0x1;
	s10 =	sld [smem:$0x3FB4]  }
0x3d: {  	_ =	shalt  }
0x3e: {  	_ =	shalt  }
0x3f: {  	_ =	shalt  }
0x40: {  	_ =	shalt  }
0x41: {  	_ =	shalt  }
0x42: {  	_ =	shalt  }
0x43: {  	_ =	shalt  }
0x44: {  	_ =	shalt  }
0x45: {  	_ =	shalt  }
0x46: {  	_ =	shalt  }
0x47: {  	_ =	shalt  }
0x48: {  	_ =	shalt  }
0x49: {  	_ =	shalt  }
0x4a: {  	_ =	shalt  }
0x4b: {  	_ =	shalt  }
0x4c: {  	_ =	shalt  }
0x4d: {  	_ =	shalt  }
0x4e: {  	_ =	shalt  }
0x4f: {  	_ =	shalt  }
0x50: {  	_ =	shalt  }
0x51: {  	_ =	shalt  }
0x52: {  	_ =	shalt  }
0x53: {  	_ =	shalt  }
0x54: {  	_ =	shalt  }
0x55: {  	_ =	shalt  }
0x56: {  	_ =	shalt  }
0x57: {  	_ =	shalt  }
0x58: {  	_ =	shalt  }
0x59: {  	_ =	shalt  }
0x5a: {  	_ =	shalt  }
0x5b: {  	_ =	shalt  }
0x5c: {  	_ =	shalt  }
0x5d: {  	_ =	shalt  }
0x5e: {  	_ =	shalt  }
0x5f: {  	_ =	shalt  }
0x60: {  	_ =	shalt  }
0x61: {  	_ =	shalt  }
0x62: {  	_ =	shalt  }
0x63: {  	_ =	shalt  }
0x64: {  	_ =	shalt  }
0x65: {  	_ =	shalt  }
0x66: {  	_ =	shalt  }
0x67: {  	_ =	shalt  }
0x68: {  	_ =	shalt  }
0x69: {  	_ =	shalt  }
0x6a: {  	_ =	shalt  }
0x6b: {  	_ =	shalt  }
0x6c: {  	_ =	shalt  }
0x6d: {  	_ =	shalt  }
0x6e: {  	_ =	shalt  }
0x6f: {  	_ =	shalt  }
0x70: {  	_ =	shalt  }
0x71: {  	_ =	shalt  }
0x72: {  	_ =	shalt  }
0x73: {  	_ =	shalt  }
0x74: {  	_ =	shalt  }
0x75: {  	_ =	shalt  }
0x76: {  	_ =	shalt  }
0x77: {  	_ =	shalt  }
0x78: {  	_ =	shalt  }
0x79: {  	_ =	shalt  }
0x7a: {  	_ =	shalt  }
0x7b: {  	_ =	shalt  }
0x7c: {  	_ =	shalt  }
0x7d: {  	_ =	shalt  }
0x7e: {  	_ =	shalt  }
0x7f: {  	_ =	shalt  }
0x80: {  	_ =	shalt  }
0x81: {  	_ =	shalt  }
0x82: {  	_ =	shalt  }
0x83: {  	_ =	shalt  }
0x84: {  	_ =	shalt  }
0x85: {  	_ =	shalt  }
0x86: {  	_ =	shalt  }
0x87: {  	_ =	shalt  }
.Lfunc_end0:
.L_simem_size_0:
called_computation_lowered:
.L_overlay_start_0:
0x88: {  	s2 =	sld [smem:$0x3FD9]  }
0x89: {  	s3 =	sld [smem:$0x3FFE];
	_ =	sdelay $0x1  }
0x8a: {  	s1 =	srdreg.scid  }
0x8b: {  	s0 =	sand.u32 $0x1, s1  }
0x8c: {  	s16 =	sshll.u32 s0, $0xA;
	s2 =	sadd.s32 s3, s2  }
0x8d: {  	s2 =	sadd.s32 s2, s16  }
0x8e: {  	[smem:$0x3FC0] =	sst s2  }
0x8f: {  	_ = 	snop  }
0x90: {  	(tm) =	ssettm $0x1  }
0x91: {  	s17 =	sld [smem:$0x3FFB];
	_ =	sdelay $0x3  }
0x92: {  	_ =	strace s17  }
0x93: {  	s2 =	sld [smem:$0x3FFC];
	_ =	sdelay $0x3  }
0x94: {  	_ =	strace s2  }
0x95: {  	s2 =	sld [smem:$0x3FFD];
	_ =	sdelay $0x3  }
0x96: {  	_ =	strace s2  }
0x97: {  	_ =	strace $0x8FFFFFFF  }
0x98: {  	s18 =	sld [smem:$0x3FDB];
	_ =	sdelay $0x1  }
0x99: {  	s19 =	simm.s32 $_scs_section_size  }
0x9a: {  	s4 =	simm.s32 $_size__tile_overlayer_lowered;
	s5 =	simm.s32 $_tile_overlayer_lowered  }
0x9b: {  	s22 =	simm.s32 $0x1BFF;
	s21 =	sshll.u32 s5, $0x1;
	s2 =	sadd.s32 s19, s18  }
0x9c: {  	s6 =	simm.s32 $0x0;
	s20 =	sshll.u32 s4, $0x1;
	s4 =	sadd.s32 s21, s2  }
0x9d: {  	[timem:s6], [sflag:s22] =	dma.local [hbm:s4], s20  }
0x9e: {  	_ =	swait.ge [sflag:s22], s20  }
0x9f: {  	s3 =	ssub.s32 $0x0, s20;
	[sflag:s22] =	ssyncset.done $0x0  }
0xa0: {  	[sflag:s22] =	ssyncadd.s32 s3;
	_ =	sdelay $0x1  }
0xa1: {  	s23 =	simm.s32 $0x1B8B  }
0xa2: {  	_ =	swait.ge [sflag:s23], $0x1  }
0xa3: {  	[sflag:s23] =	ssyncset.done $0x0  }
0xa4: {  	s25 =	simm.s32 $0x1B8E;
	s24 =	sld [smem:$0x3FFE];
	[sflag:s23] =	ssyncadd.s32 $0xFFFFFFFF  }
0xa5: {  	s26 =	simm.s32 $execute0_lowered;
	[smem:$0x3FD2] =	sst s25  }
0xa6: {  	s4 =	sshll.u32 s26, $0x1;
	_ =	strace $0x80000046;
	[dreg:$0x1] =	wrdreg $0xFFFFFFFF  }
0xa7: {  	s28 =	simm.s32 $_size_execute0_lowered;
	s2 =	sadd.s32 s2, s4;
	[dreg:$0x0] =	wrdreg $0x0  }
0xa8: {  	s4 =	sshll.u32 s28, $0x1;
	[dreg:$0x2] =	wrdreg s2  }
0xa9: {  	[dreg:$0x3] =	wrdreg s4  }
0xaa: {  	[dreg:$0x4] =	wrdreg $0xC0  }
0xab: {  	_ =	task [dreg:s6], $0x5FFFF  }
0xac: {  	[dreg:$0x1] =	wrdreg $0xFFFFFFFF  }
0xad: {  	[dreg:$0x0] =	wrdreg $0x60  }
0xae: {  	[dreg:$0x2] =	wrdreg s24  }
0xaf: {  	[dreg:$0x3] =	wrdreg $0x68000  }
0xb0: {  	[dreg:$0x4] =	wrdreg $0x9  }
0xb1: {  	_ =	task.clear_ibuf [dreg:s6], $0x5FFFF;
	_ =	strace $0x90000046  }
0xb2: {  	s29 =	simm.s32 $0x9;
	_ =	strace $0x80000048  }
0xb3: {  	_ =	swait.ge [sflag:s29], $0x1  }
0xb4: {  	[sflag:s29] =	ssyncadd.s32 $0xFFFFFFFF  }
0xb5: {  	_ =	strace $0x90000048  }
0xb6: {  	_ =	sfence  }
0xb7: {  	s30 =	sld [smem:$0x0];
	_ =	sdelay $0x2  }
0xb8: {  	s31 =	sshll.u32 s1, $0xD;
	s1 =	sshrl.u32 s1, $0x2  }
0xb9: {  	s3 =	sand.u32 $0x4000, s31;
	s1 =	sadd.s32 s1, s30  }
0xba: {  	s0 =	sor.u32 s3, s0;
	s1 =	sshll.u32 s1, $0x11  }
0xbb: {  	s0 =	sor.u32 s1, s0  }
0xbc: {  	s0 =	sadd.s32 $0x8F2B, s0  }
0xbd: {  	[sflag:s0] =	ssyncadd.remote.s32 $0x1  }
0xbe: {  	_ =	sfence.sel $0xFFFF  }
0xbf: {  	[dreg:$0x0] =	wrdreg $0xFFFFFFFF;
	(pc) =	sbr.abs _section_cstart, $3  }
0xc0: {  	[dreg:$0x1] =	wrdreg $0xFFFFFFFF  }
0xc1: {  	_ =	task.clear_ibuf [dreg:s6], $0x2FFFF;
	_ =	strace $0x9FFFFFFF  }
0xc2: {  	(tm) =	ssettm $0x7FFFFFFF  }
0xc3: {  	_ =	shalt  }
tec
execute0_lowered:
.L_overlay_start_1:
0x0: {  	(tag) =	ssettag $0x1  }
0x1: {  	s1 =	srdreg.scid  }
0x2: {  	s0 =	stileid.u32;
	s7 =	rddreg [dreg:$0x0]  }
0x3: {  	s2 =	rddreg [dreg:$0x1];
	s3 =	simm.s32 $0x0;
	s12 =	simm.s32 $0x4000  }
0x4: {  	s13 =	simm.s32 $0x80;
	s14 =	simm.s32 $0x0;
	s8 =	smul.u32 $0x14000, s0  }
0x5: {  	s6 =	sand.u32 $0x1, s1;
	s29 =	sshll.u32 s0, $0x1;
	s10 =	smul.u32 $0x50000, s0  }
0x6: {  	[smem:$0x7FF] =	sst s3;
	s1 =	sor.u32 s6, s29;
	s5 =	smul.u32 $0x140000, s6  }
0x7: {  	s31 =	sshll.u32 s0, $0x6;
	s6 =	ssub.s32 $0x2, s6;
	s4 =	smul.u32 $0x500, s1  }
0x8: {  	s1 =	rddreg [dreg:$0x2];
	_ =	strace $0x80000047;
	s30 =	sshrl.u32 s6, $0x1  }
0x9: {  	s10 =	sshrl.u32 s10, $0x2;
	s8 =	sadd.s32 s8, s5;
	s5 =	sadd.s32 $0xCA00, s7  }
0xa: {  	s11 =	ssub.s32 s6, s30;
	s10 =	sadd.s32 s10, s2;
	s6 =	sor.u32 $0x1C01, s31  }
0xb: {  	s9 =	sadd.s32 s4, s7;
	s4 =	sadd.s32 $0xF200, s7;
	s8 =	sshrl.u32 s8, $0x3  }
0xc: {  	s10 =	sshrl.u32 s10, $0x3;
	s8 =	sadd.s32 s8, s7;
	s7 =	sadd.s32 $0x2A00, s9  }
0xd: {  	s9 =	smax.u32 s11, $0x1;
	s11 =	simm.s32 $0x1;
	s8 =	sadd.s32 $0xFA00, s8  }
.LBB2_1:
0xe: {  	[spmem:s10], [sflag:s6] =	dma.local [hbm:s5], $0x2800  }
0xf: {  	_ =	swait.ge [sflag:s11], $0x2800  }
0x10: {  	[sflag:s11] =	ssyncset.done $0x0  }
0x11: {  	[sflag:s11] =	ssyncadd.s32 $0xFFFFD800  }
0x12: {  	[tilespmem:s3], [sflag:$0x1] =	stream.linear.gather [hbm4b:s4+s3], $0x4000, $0x38;
	[tilespmem:$0x1A800] =	vst v63  }
0x13: {  	_ =	swait.ge [sflag:s11], $0x4000  }
0x14: {  	[sflag:s11] =	ssyncset.done $0x0  }
0x15: {  	[sflag:s11] =	ssyncadd.s32 $0xFFFFC000  }
0x16: {  	[tilespmem:s12], [sflag:$0x1] =	stream.linear.gather [hbm4b:s7+s3], $0x2800, $0x38;
	[tilespmem:$0x1A800] =	vst v63  }
0x17: {  	_ =	swait.ge [sflag:s11], $0x2800  }
0x18: {  	[sflag:s11] =	ssyncset.done $0x0  }
0x19: {  	[sflag:s11] =	ssyncadd.s32 $0xFFFFD800  }
0x1a: {  	s15 =	simm.s32 $0x4000;
	[bflag:$0x0] =	sbarrier.arrive $0xFFFF  }
0x1b: {  	[spmem:s2] =	stream.indirect.scatter.add.f32 [tilespmem:s3], [sflag:$0x1], $0x80, s15, s13, $0xb8;
	[tilespmem:$0x1A800] =	vst v63  }
0x1c: {  	s15 =	simm.s32 $0x200;
	_ =	swait.ge [sflag:s11], $0x4000  }
.LBB2_2:
0x1d: {  	s16 =	sshra.s32 s15, $0x2;
	[sflag:s11] =	ssyncset.done $0x0;
	p0 =	sne.s32 s15, $0x9E00  }
.Ltmp0:
0x1e: {  	s16 =	sadd.s32 $0x4000, s16;
	[sflag:s11] =	ssyncadd.s32 $0xFFFFC000;
	(pc) =	sbr.rel @p0 .LBB2_2-.Ltmp0, $3  }
0x1f: {  	[spmem:s2] =	stream.indirect.scatter.add.f32 [tilespmem:s3], [sflag:$0x1], $0x80, s16, s13, $0xb8;
	[tilespmem:$0x1A800] =	vst v63  }
0x20: {  	s15 =	sadd.s32 $0x200, s15;
	_ =	sdelay $0x1  }
0x21: {  	_ =	swait.ge [sflag:s11], $0x4000  }
0x22: {  	[sflag:s11] =	ssyncset.done $0x0;
	s14 =	sadd.s32 $0x1, s14  }
0x23: {  	[sflag:s11] =	ssyncadd.s32 $0xFFFFC000;
	p0 =	sne.s32 s14, s9  }
.Ltmp1:
0x24: {  	[bflag:$0x0] =	sbarrier.arrive $0xFFFF;
	(pc) =	sbr.rel @p0 .LBB2_1-.Ltmp1, $4  }
0x25: {  	[hbm:s8], [sflag:s6] =	dma.local [spmem:s10], $0x2800  }
0x26: {  	_ =	swait.ge [sflag:s11], $0x2800  }
0x27: {  	[sflag:s11] =	ssyncset.done $0x0  }
0x28: {  	[sflag:s11] =	ssyncadd.s32 $0xFFFFD800  }
0x29: {  	_ =	sfence.sel $0x180000  }
0x2a: {  	[bflag:$0x0] =	sbarrier.arrive $0xFFFF  }
0x2b: {  	p0 =	sne.s32 s0, $0x0;
	_ =	strace $0x90000047  }
0x2c: {  	s0 =	sadd.s32 @!p0 $0x100000, s1;
	[bflag:$0x2] =	sbarrier.arrive $0xFFFF  }
0x2d: {  	[sflag:s0] =	ssyncadd.tile.s32 @!p0 $0x1;
	_ =	shalt  }
.Lfunc_end2:
_tile_overlayer_lowered:
.L_overlay_start_2:
0x2e: {  	(tag) =	ssettag $0x2  }
0x2f: {  	s0 =	rddreg [dreg:$0x0];
	s2 =	stileid.u32  }
0x30: {  	s1 =	rddreg [dreg:$0x1];
	p0 =	sne.s32 s2, $0x0  }
0x31: {  	s3 =	rddreg [dreg:$0x2];
	[bflag:$0x3] =	sbarrier.arrive $0xFFFF;
	s2 =	simm.s32 @!p0 $0x1C01  }
0x32: {  	[timem:s3], [sflag:s2] =	dma.local @!p0 [hbm:s0], s1  }
0x33: {  	s0 =	simm.s32 @!p0 $0x1  }
0x34: {  	_ =	swait.ge @!p0 [sflag:s0], s1  }
0x35: {  	s1 =	ssub.s32 @!p0 $0x0, s1;
	[sflag:s0] =	ssyncset.done @!p0 $0x0  }
0x36: {  	[sflag:s0] =	ssyncadd.s32 @!p0 s1  }
0x37: {  	[bflag:$0x3] =	sbarrier.arrive $0xFFFF  }
0x38: {  	_ =	shalt  }

</sc_bundles>
